<compile_context>
chip_gen: v7x
topology: tpu7x:2x2x1
jax: 0.10.2.dev20260603
libtpu: 0.0.44.dev20260713+nightly
codegen_flags: <defaults>
</compile_context>

<pallas_src>
import jax
import jax.numpy as jnp
from jax import lax
from jax.experimental import pallas as pl
from jax.experimental.pallas import tpu as pltpu
from jax.experimental.pallas import tpu_sc as plsc

M = 1_000_000
D = 64
C = 256
HT = 128
NW = 32
PW_COLS = 31232
NCH = PW_COLS // C
NBUF = 4
GROUPS = NCH // NBUF
MAIN = NW * PW_COLS
EXTRA = 2
KMAIN = MAIN + EXTRA * C
TAIL = M - KMAIN
L = 16


def _sc_body(idx63_hbm, idx1_hbm, var_hbm, inp_hbm, out_hbm,
             idx63, idx1, *bufsem):
    cid = lax.axis_index("c")
    sid = lax.axis_index("s")
    wid = sid * 2 + cid
    base0 = wid * PW_COLS

    pltpu.sync_copy(idx63_hbm, idx63)
    pltpu.sync_copy(idx1_hbm, idx1)

    cbs = bufsem[0:NBUF]
    ibs = bufsem[NBUF:2 * NBUF]
    rbs = bufsem[2 * NBUF:3 * NBUF]
    sins = bufsem[3 * NBUF:4 * NBUF]
    souts = bufsem[4 * NBUF:5 * NBUF]

    def start_in(k, b):
        base = base0 + k * C
        pltpu.make_async_copy(
            inp_hbm.at[:, pl.ds(base, C)], ibs[b], sins[b]).start()
        pltpu.make_async_copy(
            var_hbm.at[pl.ds(0, 8), pl.ds(base, C)], cbs[b], sins[b]).start()

    def wait_in(b):
        pltpu.make_async_copy(
            inp_hbm.at[:, pl.ds(0, C)], ibs[b], sins[b]).wait()
        pltpu.make_async_copy(
            var_hbm.at[pl.ds(0, 8), pl.ds(0, C)], cbs[b], sins[b]).wait()

    def assemble(b):
        for c in range(C // L):
            rbs[b][0, pl.ds(c * L, L)] = cbs[b][0, pl.ds(c * L, L)]

    def start_out(k, b):
        base = base0 + k * C
        for h in range(C // HT):
            pltpu.make_async_copy(
                ibs[b].at[:, pl.ds(h * HT, HT)],
                out_hbm.at[:, pl.ds(base + h * HT, HT)].at[idx63.at[0]],
                souts[b]).start()
        pltpu.make_async_copy(
            rbs[b], out_hbm.at[:, pl.ds(base, C)].at[idx1.at[0]], souts[b]).start()

    def wait_out(b):
        for h in range(C // HT):
            pltpu.make_async_copy(
                ibs[b].at[:, pl.ds(h * HT, HT)],
                out_hbm.at[:, pl.ds(h * HT, HT)].at[idx63.at[0]],
                souts[b]).wait()
        pltpu.make_async_copy(
            rbs[b], out_hbm.at[:, pl.ds(0, C)].at[idx1.at[0]], souts[b]).wait()

    def step(k, b, guard_prev):
        wait_in(b)
        assemble(b)
        start_out(k, b)
        bq = (b + 2) % NBUF

        if guard_prev:
            @pl.when(k >= 2)
            def _():
                wait_out(bq)
        else:
            wait_out(bq)

        @pl.when(k + 2 < NCH)
        def _():
            start_in(k + 2, bq)

    start_in(0, 0)
    start_in(1, 1)

    def group(g, carry):
        k0 = g * NBUF
        step(k0 + 0, 0, True)
        step(k0 + 1, 1, True)
        step(k0 + 2, 2, False)
        step(k0 + 3, 3, False)
        return carry

    lax.fori_loop(0, GROUPS, group, None)

    for k, b in ((NCH - 2, 0), (NCH - 1, 1)):
        wait_in(b)
        assemble(b)
        start_out(k, b)
        wait_out((b + 2) % NBUF)
    wait_out(0)
    wait_out(1)

    @pl.when(wid == 0)
    def _():
        for e in range(EXTRA):
            base = MAIN + e * C
            pltpu.sync_copy(inp_hbm.at[:, pl.ds(base, C)], ibs[0])
            pltpu.sync_copy(var_hbm.at[pl.ds(0, 8), pl.ds(base, C)], cbs[0])
            assemble(0)
            for h in range(C // HT):
                pltpu.sync_copy(ibs[0].at[:, pl.ds(h * HT, HT)],
                                out_hbm.at[:, pl.ds(base + h * HT, HT)].at[idx63.at[0]])
            pltpu.sync_copy(rbs[0], out_hbm.at[:, pl.ds(base, C)].at[idx1.at[0]])


def _sc_copy_t(idx63, idx1, var_t, inp_t):
    mesh = plsc.VectorSubcoreMesh(core_axis_name="c", subcore_axis_name="s")
    scratch = (
        [pltpu.VMEM((1, D - 1), jnp.int32), pltpu.VMEM((1, 1), jnp.int32)]
        + [pltpu.VMEM((8, C), jnp.float32) for _ in range(NBUF)]
        + [pltpu.VMEM((D - 1, C), jnp.float32) for _ in range(NBUF)]
        + [pltpu.VMEM((1, C), jnp.float32) for _ in range(NBUF)]
        + [pltpu.SemaphoreType.DMA for _ in range(2 * NBUF)]
    )
    return pl.kernel(
        _sc_body,
        out_type=jax.ShapeDtypeStruct((D, M), jnp.float32),
        mesh=mesh,
        compiler_params=pltpu.CompilerParams(needs_layout_passes=False),
        scratch_types=scratch,
    )(idx63, idx1, var_t, inp_t)


def kernel(var_ref, input_value, begin, end, strides, axes_optional):
    del begin, end, strides, axes_optional
    idx63 = jnp.arange(1, D, dtype=jnp.int32).reshape(1, D - 1)
    idx1 = jnp.zeros((1, 1), jnp.int32)
    out_t = _sc_copy_t(idx63, idx1, var_ref.T, input_value.T)
    out = out_t.T
    tail = jnp.concatenate(
        [var_ref[KMAIN:, 0:1], input_value[KMAIN:, :]], axis=1)
    return lax.dynamic_update_slice(out, tail, (KMAIN, 0))

# --- scband reference (transcript-rebuilt; emitter-appended) ---
"""Pipeline reference for scband-model-60713657697076 (READ-ONLY COPY).

The authoritative reference and input builder live on the scoring server;
editing this copy changes nothing except your own understanding.
"""

import jax, jax.numpy as jnp
import numpy as np


def _build_slices(var_ref_shape, begin, end, strides, axes_optional):
    begin_list = np.asarray(begin).tolist()
    end_list = np.asarray(end).tolist()
    strides_list = np.asarray(strides).tolist()
    axes_list = np.asarray(axes_optional).tolist()
    num_dims = len(var_ref_shape)
    slices = [slice(None)] * num_dims
    if not axes_list:
        for i in range(len(begin_list)):
            if i < num_dims:
                s_begin = begin_list[i] if i < len(begin_list) else 0
                s_end = end_list[i] if i < len(end_list) else var_ref_shape[i]
                s_stride = strides_list[i] if i < len(strides_list) else 1
                slices[i] = slice(s_begin, s_end, s_stride)
    else:
        for i, axis_idx in enumerate(axes_list):
            if axis_idx >= 0 and axis_idx < num_dims:
                s_begin = begin_list[i] if i < len(begin_list) else 0
                s_end = end_list[i] if i < len(end_list) else var_ref_shape[axis_idx]
                s_stride = strides_list[i] if i < len(strides_list) else 1
                slices[axis_idx] = slice(s_begin, s_end, s_stride)
            else:
                raise IndexError(f'Axis index {axis_idx} out of bounds for tensor with {num_dims} dimensions.')
    return tuple(slices)


def setup_inputs(seed=0) -> dict:
    key = jax.random.key(seed)
    k1, k2 = jax.random.split(key, 2)
    M, D = 1000000, 64
    var_ref = jax.random.normal(k1, (M, D), dtype=jnp.float32)
    input_value = jax.random.normal(k2, (M, D - 1), dtype=jnp.float32)
    begin = jnp.arange(2, dtype=jnp.int32)          # [0, 1]
    end = jnp.zeros((0,), dtype=jnp.int32)          # empty -> defaults to full dims
    strides = jnp.zeros((0,), dtype=jnp.int32)      # empty -> defaults to 1
    axes_optional = jnp.zeros((0,), dtype=jnp.int32)  # empty -> sequential dims
    return {
        'var_ref': var_ref,
        'input_value': input_value,
        'begin': begin,
        'end': end,
        'strides': strides,
        'axes_optional': axes_optional,
    }


def reference(var_ref, input_value, begin, end, strides, axes_optional):
    begin_static = list(range(begin.shape[0]))
    end_static = [var_ref.shape[i] for i in range(end.shape[0])]
    strides_static = [1] * strides.shape[0]
    axes_static = list(range(axes_optional.shape[0]))
    slices = _build_slices(var_ref.shape, begin_static, end_static, strides_static, axes_static)
    out = var_ref.at[slices].set(input_value)
    return out

if __name__ == "__main__":
    import jax
    _d = setup_inputs()
    print(jax.jit(kernel)(*tuple(_d.values())))

</pallas_src>

<mosaic_0001>
#map = affine_map<(d0, d1) -> (0, 0)>
module attributes {stable_mosaic.version = 14 : i64} {
  func.func @_sc_body(%arg0: i32, %arg1: i32, %arg2: memref<1x63xi32, #tpu.memory_space<hbm>>, %arg3: memref<1x1xi32, #tpu.memory_space<hbm>>, %arg4: memref<64x1000000xf32, #tpu.memory_space<hbm>>, %arg5: memref<63x1000000xf32, #tpu.memory_space<hbm>>, %arg6: memref<64x1000000xf32, #tpu.memory_space<hbm>>, %arg7: memref<1x63xi32, #tpu.memory_space<vmem>>, %arg8: memref<1x1xi32, #tpu.memory_space<vmem>>, %arg9: memref<8x256xf32, #tpu.memory_space<vmem>>, %arg10: memref<8x256xf32, #tpu.memory_space<vmem>>, %arg11: memref<8x256xf32, #tpu.memory_space<vmem>>, %arg12: memref<8x256xf32, #tpu.memory_space<vmem>>, %arg13: memref<63x256xf32, #tpu.memory_space<vmem>>, %arg14: memref<63x256xf32, #tpu.memory_space<vmem>>, %arg15: memref<63x256xf32, #tpu.memory_space<vmem>>, %arg16: memref<63x256xf32, #tpu.memory_space<vmem>>, %arg17: memref<1x256xf32, #tpu.memory_space<vmem>>, %arg18: memref<1x256xf32, #tpu.memory_space<vmem>>, %arg19: memref<1x256xf32, #tpu.memory_space<vmem>>, %arg20: memref<1x256xf32, #tpu.memory_space<vmem>>, %arg21: memref<!tpu.dma_semaphore, #tpu.memory_space<semaphore_mem>>, %arg22: memref<!tpu.dma_semaphore, #tpu.memory_space<semaphore_mem>>, %arg23: memref<!tpu.dma_semaphore, #tpu.memory_space<semaphore_mem>>, %arg24: memref<!tpu.dma_semaphore, #tpu.memory_space<semaphore_mem>>, %arg25: memref<!tpu.dma_semaphore, #tpu.memory_space<semaphore_mem>>, %arg26: memref<!tpu.dma_semaphore, #tpu.memory_space<semaphore_mem>>, %arg27: memref<!tpu.dma_semaphore, #tpu.memory_space<semaphore_mem>>, %arg28: memref<!tpu.dma_semaphore, #tpu.memory_space<semaphore_mem>>) attributes {dimension_semantics = [#tpu.dimension_semantics<core_parallel>, #tpu.dimension_semantics<subcore_parallel>], iteration_bounds = array<i64: 2, 16>, scalar_prefetch = 0 : i64, scratch_operands = 22 : i64, tpu.core_type = #tpu.core_type<sc_vector_subcore>, window_params = [{transform_indices = #map}, {transform_indices = #map}, {transform_indices = #map}, {transform_indices = #map}, {transform_indices = #map}]} {
    %mul3A = arith.constant 2 : i32
    %mul3A_0 = arith.muli %arg1, %mul3A : i32
    %add3A = arith.addi %mul3A_0, %arg0 : i32
    %mul3A_1 = arith.constant 31232 : i32
    %mul3A_2 = arith.muli %add3A, %mul3A_1 : i32
    "tpu.region"() ({
      %run_scoped3A = tpu.sem_alloc : memref<!tpu.dma_semaphore, #tpu.memory_space<semaphore_mem>>
      tpu.enqueue_dma source(%arg2 : memref<1x63xi32, #tpu.memory_space<hbm>>) target(%arg7 : memref<1x63xi32, #tpu.memory_space<vmem>>) target_semaphore(%run_scoped3A : memref<!tpu.dma_semaphore, #tpu.memory_space<semaphore_mem>>)
      tpu.wait_dma2 semaphore(%run_scoped3A : memref<!tpu.dma_semaphore, #tpu.memory_space<semaphore_mem>>) src(%arg2 : memref<1x63xi32, #tpu.memory_space<hbm>>) dst(%arg7 : memref<1x63xi32, #tpu.memory_space<vmem>>)
      tpu.yield
    }) : () -> ()
    "tpu.region"() ({
      %run_scoped3A = tpu.sem_alloc : memref<!tpu.dma_semaphore, #tpu.memory_space<semaphore_mem>>
      tpu.enqueue_dma source(%arg3 : memref<1x1xi32, #tpu.memory_space<hbm>>) target(%arg8 : memref<1x1xi32, #tpu.memory_space<vmem>>) target_semaphore(%run_scoped3A : memref<!tpu.dma_semaphore, #tpu.memory_space<semaphore_mem>>)
      tpu.wait_dma2 semaphore(%run_scoped3A : memref<!tpu.dma_semaphore, #tpu.memory_space<semaphore_mem>>) src(%arg3 : memref<1x1xi32, #tpu.memory_space<hbm>>) dst(%arg8 : memref<1x1xi32, #tpu.memory_space<vmem>>)
      tpu.yield
    }) : () -> ()
    %add3A_3 = arith.constant 0 : i32
    %add3A_4 = arith.addi %mul3A_2, %add3A_3 : i32
    %dma_start3A = arith.constant 0 : i32
    %dma_start3A_5 = tpu.memref_slice %arg5[%dma_start3A, %add3A_4] : memref<63x1000000xf32, #tpu.memory_space<hbm>> -> memref<63x256xf32, #tpu.memory_space<hbm>>
    %dma_start3A_6 = arith.constant 0 : i32
    %dma_start3A_7 = tpu.memref_slice %arg5[%dma_start3A_6, %add3A_4] : memref<63x1000000xf32, #tpu.memory_space<hbm>> -> memref<63x256xf32, #tpu.memory_space<hbm>>
    tpu.enqueue_dma source(%dma_start3A_7 : memref<63x256xf32, #tpu.memory_space<hbm>>) target(%arg13 : memref<63x256xf32, #tpu.memory_space<vmem>>) target_semaphore(%arg21 : memref<!tpu.dma_semaphore, #tpu.memory_space<semaphore_mem>>)
    %dma_start3A_8 = arith.constant 0 : i32
    %dma_start3A_9 = tpu.memref_slice %arg4[%dma_start3A_8, %add3A_4] : memref<64x1000000xf32, #tpu.memory_space<hbm>> -> memref<8x256xf32, #tpu.memory_space<hbm>>
    %dma_start3A_10 = arith.constant 0 : i32
    %dma_start3A_11 = tpu.memref_slice %arg4[%dma_start3A_10, %add3A_4] : memref<64x1000000xf32, #tpu.memory_space<hbm>> -> memref<8x256xf32, #tpu.memory_space<hbm>>
    tpu.enqueue_dma source(%dma_start3A_11 : memref<8x256xf32, #tpu.memory_space<hbm>>) target(%arg9 : memref<8x256xf32, #tpu.memory_space<vmem>>) target_semaphore(%arg21 : memref<!tpu.dma_semaphore, #tpu.memory_space<semaphore_mem>>)
    %add3A_12 = arith.constant 256 : i32
    %add3A_13 = arith.addi %mul3A_2, %add3A_12 : i32
    %dma_start3A_14 = arith.constant 0 : i32
    %dma_start3A_15 = tpu.memref_slice %arg5[%dma_start3A_14, %add3A_13] : memref<63x1000000xf32, #tpu.memory_space<hbm>> -> memref<63x256xf32, #tpu.memory_space<hbm>>
    %dma_start3A_16 = arith.constant 0 : i32
    %dma_start3A_17 = tpu.memref_slice %arg5[%dma_start3A_16, %add3A_13] : memref<63x1000000xf32, #tpu.memory_space<hbm>> -> memref<63x256xf32, #tpu.memory_space<hbm>>
    tpu.enqueue_dma source(%dma_start3A_17 : memref<63x256xf32, #tpu.memory_space<hbm>>) target(%arg14 : memref<63x256xf32, #tpu.memory_space<vmem>>) target_semaphore(%arg22 : memref<!tpu.dma_semaphore, #tpu.memory_space<semaphore_mem>>)
    %dma_start3A_18 = arith.constant 0 : i32
    %dma_start3A_19 = tpu.memref_slice %arg4[%dma_start3A_18, %add3A_13] : memref<64x1000000xf32, #tpu.memory_space<hbm>> -> memref<8x256xf32, #tpu.memory_space<hbm>>
    %dma_start3A_20 = arith.constant 0 : i32
    %dma_start3A_21 = tpu.memref_slice %arg4[%dma_start3A_20, %add3A_13] : memref<64x1000000xf32, #tpu.memory_space<hbm>> -> memref<8x256xf32, #tpu.memory_space<hbm>>
    tpu.enqueue_dma source(%dma_start3A_21 : memref<8x256xf32, #tpu.memory_space<hbm>>) target(%arg10 : memref<8x256xf32, #tpu.memory_space<vmem>>) target_semaphore(%arg22 : memref<!tpu.dma_semaphore, #tpu.memory_space<semaphore_mem>>)
    %scan3A = arith.constant 0 : i32
    %scan3A_22 = arith.constant 30 : i32
    %scan3A_23 = arith.addi %scan3A, %scan3A_22 : i32
    %scan3A_24 = arith.constant 1 : i32
    scf.for %scan3A_527 = %scan3A to %scan3A_23 step %scan3A_24  : i32 {
      %mul3A_528 = arith.constant 4 : i32
      %mul3A_529 = arith.muli %scan3A_527, %mul3A_528 : i32
      %add3A_530 = arith.constant 0 : i32
      %add3A_531 = arith.addi %mul3A_529, %add3A_530 : i32
      %dma_wait3A_532 = arith.constant 0 : i32
      %dma_wait3A_533 = arith.constant 0 : i32
      %dma_wait3A_534 = tpu.memref_slice %arg5[%dma_wait3A_532, %dma_wait3A_533] : memref<63x1000000xf32, #tpu.memory_space<hbm>> -> memref<63x256xf32, #tpu.memory_space<hbm>>
      %dma_wait3A_535 = arith.constant 0 : i32
      %dma_wait3A_536 = arith.constant 0 : i32
      %dma_wait3A_537 = tpu.memref_slice %arg5[%dma_wait3A_535, %dma_wait3A_536] : memref<63x1000000xf32, #tpu.memory_space<hbm>> -> memref<63x256xf32, #tpu.memory_space<hbm>>
      tpu.wait_dma2 semaphore(%arg21 : memref<!tpu.dma_semaphore, #tpu.memory_space<semaphore_mem>>) src(%dma_wait3A_537 : memref<63x256xf32, #tpu.memory_space<hbm>>) dst(%arg13 : memref<63x256xf32, #tpu.memory_space<vmem>>)
      %dma_wait3A_538 = arith.constant 0 : i32
      %dma_wait3A_539 = arith.constant 0 : i32
      %dma_wait3A_540 = tpu.memref_slice %arg4[%dma_wait3A_538, %dma_wait3A_539] : memref<64x1000000xf32, #tpu.memory_space<hbm>> -> memref<8x256xf32, #tpu.memory_space<hbm>>
      %dma_wait3A_541 = arith.constant 0 : i32
      %dma_wait3A_542 = arith.constant 0 : i32
      %dma_wait3A_543 = tpu.memref_slice %arg4[%dma_wait3A_541, %dma_wait3A_542] : memref<64x1000000xf32, #tpu.memory_space<hbm>> -> memref<8x256xf32, #tpu.memory_space<hbm>>
      tpu.wait_dma2 semaphore(%arg21 : memref<!tpu.dma_semaphore, #tpu.memory_space<semaphore_mem>>) src(%dma_wait3A_543 : memref<8x256xf32, #tpu.memory_space<hbm>>) dst(%arg9 : memref<8x256xf32, #tpu.memory_space<vmem>>)
      %get3A_544 = arith.constant 0 : i32
      %get3A_545 = arith.index_cast %get3A_544 : i32 to index
      %get3A_546 = arith.constant 0 : index
      %get3A_547 = tpu.vector_load %arg9[%get3A_545, %get3A_546] {strides = array<i32>} : memref<8x256xf32, #tpu.memory_space<vmem>>, vector<16xf32>,
      %swap3A_548 = arith.constant 0 : i32
      %swap3A_549 = arith.index_cast %swap3A_548 : i32 to index
      %swap3A_550 = arith.constant 0 : index
      %swap3A_551 = tpu.vector_load %arg17[%swap3A_549, %swap3A_550] {strides = array<i32>} : memref<1x256xf32, #tpu.memory_space<vmem>>, vector<16xf32>,
      tpu.vector_store %arg17[%swap3A_549, %swap3A_550], %get3A_547 {strides = array<i32>} : memref<1x256xf32, #tpu.memory_space<vmem>>, vector<16xf32>,
      %get3A_552 = arith.constant 0 : i32
      %get3A_553 = arith.index_cast %get3A_552 : i32 to index
      %get3A_554 = arith.constant 16 : index
      %get3A_555 = tpu.vector_load %arg9[%get3A_553, %get3A_554] {strides = array<i32>} : memref<8x256xf32, #tpu.memory_space<vmem>>, vector<16xf32>,
      %swap3A_556 = arith.constant 0 : i32
      %swap3A_557 = arith.index_cast %swap3A_556 : i32 to index
      %swap3A_558 = arith.constant 16 : index
      %swap3A_559 = tpu.vector_load %arg17[%swap3A_557, %swap3A_558] {strides = array<i32>} : memref<1x256xf32, #tpu.memory_space<vmem>>, vector<16xf32>,
      tpu.vector_store %arg17[%swap3A_557, %swap3A_558], %get3A_555 {strides = array<i32>} : memref<1x256xf32, #tpu.memory_space<vmem>>, vector<16xf32>,
      %get3A_560 = arith.constant 0 : i32
      %get3A_561 = arith.index_cast %get3A_560 : i32 to index
      %get3A_562 = arith.constant 32 : index
      %get3A_563 = tpu.vector_load %arg9[%get3A_561, %get3A_562] {strides = array<i32>} : memref<8x256xf32, #tpu.memory_space<vmem>>, vector<16xf32>,
      %swap3A_564 = arith.constant 0 : i32
      %swap3A_565 = arith.index_cast %swap3A_564 : i32 to index
      %swap3A_566 = arith.constant 32 : index
      %swap3A_567 = tpu.vector_load %arg17[%swap3A_565, %swap3A_566] {strides = array<i32>} : memref<1x256xf32, #tpu.memory_space<vmem>>, vector<16xf32>,
      tpu.vector_store %arg17[%swap3A_565, %swap3A_566], %get3A_563 {strides = array<i32>} : memref<1x256xf32, #tpu.memory_space<vmem>>, vector<16xf32>,
      %get3A_568 = arith.constant 0 : i32
      %get3A_569 = arith.index_cast %get3A_568 : i32 to index
      %get3A_570 = arith.constant 48 : index
      %get3A_571 = tpu.vector_load %arg9[%get3A_569, %get3A_570] {strides = array<i32>} : memref<8x256xf32, #tpu.memory_space<vmem>>, vector<16xf32>,
      %swap3A_572 = arith.constant 0 : i32
      %swap3A_573 = arith.index_cast %swap3A_572 : i32 to index
      %swap3A_574 = arith.constant 48 : index
      %swap3A_575 = tpu.vector_load %arg17[%swap3A_573, %swap3A_574] {strides = array<i32>} : memref<1x256xf32, #tpu.memory_space<vmem>>, vector<16xf32>,
      tpu.vector_store %arg17[%swap3A_573, %swap3A_574], %get3A_571 {strides = array<i32>} : memref<1x256xf32, #tpu.memory_space<vmem>>, vector<16xf32>,
      %get3A_576 = arith.constant 0 : i32
      %get3A_577 = arith.index_cast %get3A_576 : i32 to index
      %get3A_578 = arith.constant 64 : index
      %get3A_579 = tpu.vector_load %arg9[%get3A_577, %get3A_578] {strides = array<i32>} : memref<8x256xf32, #tpu.memory_space<vmem>>, vector<16xf32>,
      %swap3A_580 = arith.constant 0 : i32
      %swap3A_581 = arith.index_cast %swap3A_580 : i32 to index
      %swap3A_582 = arith.constant 64 : index
      %swap3A_583 = tpu.vector_load %arg17[%swap3A_581, %swap3A_582] {strides = array<i32>} : memref<1x256xf32, #tpu.memory_space<vmem>>, vector<16xf32>,
      tpu.vector_store %arg17[%swap3A_581, %swap3A_582], %get3A_579 {strides = array<i32>} : memref<1x256xf32, #tpu.memory_space<vmem>>, vector<16xf32>,
      %get3A_584 = arith.constant 0 : i32
      %get3A_585 = arith.index_cast %get3A_584 : i32 to index
      %get3A_586 = arith.constant 80 : index
      %get3A_587 = tpu.vector_load %arg9[%get3A_585, %get3A_586] {strides = array<i32>} : memref<8x256xf32, #tpu.memory_space<vmem>>, vector<16xf32>,
      %swap3A_588 = arith.constant 0 : i32
      %swap3A_589 = arith.index_cast %swap3A_588 : i32 to index
      %swap3A_590 = arith.constant 80 : index
      %swap3A_591 = tpu.vector_load %arg17[%swap3A_589, %swap3A_590] {strides = array<i32>} : memref<1x256xf32, #tpu.memory_space<vmem>>, vector<16xf32>,
      tpu.vector_store %arg17[%swap3A_589, %swap3A_590], %get3A_587 {strides = array<i32>} : memref<1x256xf32, #tpu.memory_space<vmem>>, vector<16xf32>,
      %get3A_592 = arith.constant 0 : i32
      %get3A_593 = arith.index_cast %get3A_592 : i32 to index
      %get3A_594 = arith.constant 96 : index
      %get3A_595 = tpu.vector_load %arg9[%get3A_593, %get3A_594] {strides = array<i32>} : memref<8x256xf32, #tpu.memory_space<vmem>>, vector<16xf32>,
      %swap3A_596 = arith.constant 0 : i32
      %swap3A_597 = arith.index_cast %swap3A_596 : i32 to index
      %swap3A_598 = arith.constant 96 : index
      %swap3A_599 = tpu.vector_load %arg17[%swap3A_597, %swap3A_598] {strides = array<i32>} : memref<1x256xf32, #tpu.memory_space<vmem>>, vector<16xf32>,
      tpu.vector_store %arg17[%swap3A_597, %swap3A_598], %get3A_595 {strides = array<i32>} : memref<1x256xf32, #tpu.memory_space<vmem>>, vector<16xf32>,
      %get3A_600 = arith.constant 0 : i32
      %get3A_601 = arith.index_cast %get3A_600 : i32 to index
      %get3A_602 = arith.constant 112 : index
      %get3A_603 = tpu.vector_load %arg9[%get3A_601, %get3A_602] {strides = array<i32>} : memref<8x256xf32, #tpu.memory_space<vmem>>, vector<16xf32>,
      %swap3A_604 = arith.constant 0 : i32
      %swap3A_605 = arith.index_cast %swap3A_604 : i32 to index
      %swap3A_606 = arith.constant 112 : index
      %swap3A_607 = tpu.vector_load %arg17[%swap3A_605, %swap3A_606] {strides = array<i32>} : memref<1x256xf32, #tpu.memory_space<vmem>>, vector<16xf32>,
      tpu.vector_store %arg17[%swap3A_605, %swap3A_606], %get3A_603 {strides = array<i32>} : memref<1x256xf32, #tpu.memory_space<vmem>>, vector<16xf32>,
      %get3A_608 = arith.constant 0 : i32
      %get3A_609 = arith.index_cast %get3A_608 : i32 to index
      %get3A_610 = arith.constant 128 : index
      %get3A_611 = tpu.vector_load %arg9[%get3A_609, %get3A_610] {strides = array<i32>} : memref<8x256xf32, #tpu.memory_space<vmem>>, vector<16xf32>,
      %swap3A_612 = arith.constant 0 : i32
      %swap3A_613 = arith.index_cast %swap3A_612 : i32 to index
      %swap3A_614 = arith.constant 128 : index
      %swap3A_615 = tpu.vector_load %arg17[%swap3A_613, %swap3A_614] {strides = array<i32>} : memref<1x256xf32, #tpu.memory_space<vmem>>, vector<16xf32>,
      tpu.vector_store %arg17[%swap3A_613, %swap3A_614], %get3A_611 {strides = array<i32>} : memref<1x256xf32, #tpu.memory_space<vmem>>, vector<16xf32>,
      %get3A_616 = arith.constant 0 : i32
      %get3A_617 = arith.index_cast %get3A_616 : i32 to index
      %get3A_618 = arith.constant 144 : index
      %get3A_619 = tpu.vector_load %arg9[%get3A_617, %get3A_618] {strides = array<i32>} : memref<8x256xf32, #tpu.memory_space<vmem>>, vector<16xf32>,
      %swap3A_620 = arith.constant 0 : i32
      %swap3A_621 = arith.index_cast %swap3A_620 : i32 to index
      %swap3A_622 = arith.constant 144 : index
      %swap3A_623 = tpu.vector_load %arg17[%swap3A_621, %swap3A_622] {strides = array<i32>} : memref<1x256xf32, #tpu.memory_space<vmem>>, vector<16xf32>,
      tpu.vector_store %arg17[%swap3A_621, %swap3A_622], %get3A_619 {strides = array<i32>} : memref<1x256xf32, #tpu.memory_space<vmem>>, vector<16xf32>,
      %get3A_624 = arith.constant 0 : i32
      %get3A_625 = arith.index_cast %get3A_624 : i32 to index
      %get3A_626 = arith.constant 160 : index
      %get3A_627 = tpu.vector_load %arg9[%get3A_625, %get3A_626] {strides = array<i32>} : memref<8x256xf32, #tpu.memory_space<vmem>>, vector<16xf32>,
      %swap3A_628 = arith.constant 0 : i32
      %swap3A_629 = arith.index_cast %swap3A_628 : i32 to index
      %swap3A_630 = arith.constant 160 : index
      %swap3A_631 = tpu.vector_load %arg17[%swap3A_629, %swap3A_630] {strides = array<i32>} : memref<1x256xf32, #tpu.memory_space<vmem>>, vector<16xf32>,
      tpu.vector_store %arg17[%swap3A_629, %swap3A_630], %get3A_627 {strides = array<i32>} : memref<1x256xf32, #tpu.memory_space<vmem>>, vector<16xf32>,
      %get3A_632 = arith.constant 0 : i32
      %get3A_633 = arith.index_cast %get3A_632 : i32 to index
      %get3A_634 = arith.constant 176 : index
      %get3A_635 = tpu.vector_load %arg9[%get3A_633, %get3A_634] {strides = array<i32>} : memref<8x256xf32, #tpu.memory_space<vmem>>, vector<16xf32>,
      %swap3A_636 = arith.constant 0 : i32
      %swap3A_637 = arith.index_cast %swap3A_636 : i32 to index
      %swap3A_638 = arith.constant 176 : index
      %swap3A_639 = tpu.vector_load %arg17[%swap3A_637, %swap3A_638] {strides = array<i32>} : memref<1x256xf32, #tpu.memory_space<vmem>>, vector<16xf32>,
      tpu.vector_store %arg17[%swap3A_637, %swap3A_638], %get3A_635 {strides = array<i32>} : memref<1x256xf32, #tpu.memory_space<vmem>>, vector<16xf32>,
      %get3A_640 = arith.constant 0 : i32
      %get3A_641 = arith.index_cast %get3A_640 : i32 to index
      %get3A_642 = arith.constant 192 : index
      %get3A_643 = tpu.vector_load %arg9[%get3A_641, %get3A_642] {strides = array<i32>} : memref<8x256xf32, #tpu.memory_space<vmem>>, vector<16xf32>,
      %swap3A_644 = arith.constant 0 : i32
      %swap3A_645 = arith.index_cast %swap3A_644 : i32 to index
      %swap3A_646 = arith.constant 192 : index
      %swap3A_647 = tpu.vector_load %arg17[%swap3A_645, %swap3A_646] {strides = array<i32>} : memref<1x256xf32, #tpu.memory_space<vmem>>, vector<16xf32>,
      tpu.vector_store %arg17[%swap3A_645, %swap3A_646], %get3A_643 {strides = array<i32>} : memref<1x256xf32, #tpu.memory_space<vmem>>, vector<16xf32>,
      %get3A_648 = arith.constant 0 : i32
      %get3A_649 = arith.index_cast %get3A_648 : i32 to index
      %get3A_650 = arith.constant 208 : index
      %get3A_651 = tpu.vector_load %arg9[%get3A_649, %get3A_650] {strides = array<i32>} : memref<8x256xf32, #tpu.memory_space<vmem>>, vector<16xf32>,
      %swap3A_652 = arith.constant 0 : i32
      %swap3A_653 = arith.index_cast %swap3A_652 : i32 to index
      %swap3A_654 = arith.constant 208 : index
      %swap3A_655 = tpu.vector_load %arg17[%swap3A_653, %swap3A_654] {strides = array<i32>} : memref<1x256xf32, #tpu.memory_space<vmem>>, vector<16xf32>,
      tpu.vector_store %arg17[%swap3A_653, %swap3A_654], %get3A_651 {strides = array<i32>} : memref<1x256xf32, #tpu.memory_space<vmem>>, vector<16xf32>,
      %get3A_656 = arith.constant 0 : i32
      %get3A_657 = arith.index_cast %get3A_656 : i32 to index
      %get3A_658 = arith.constant 224 : index
      %get3A_659 = tpu.vector_load %arg9[%get3A_657, %get3A_658] {strides = array<i32>} : memref<8x256xf32, #tpu.memory_space<vmem>>, vector<16xf32>,
      %swap3A_660 = arith.constant 0 : i32
      %swap3A_661 = arith.index_cast %swap3A_660 : i32 to index
      %swap3A_662 = arith.constant 224 : index
      %swap3A_663 = tpu.vector_load %arg17[%swap3A_661, %swap3A_662] {strides = array<i32>} : memref<1x256xf32, #tpu.memory_space<vmem>>, vector<16xf32>,
      tpu.vector_store %arg17[%swap3A_661, %swap3A_662], %get3A_659 {strides = array<i32>} : memref<1x256xf32, #tpu.memory_space<vmem>>, vector<16xf32>,
      %get3A_664 = arith.constant 0 : i32
      %get3A_665 = arith.index_cast %get3A_664 : i32 to index
      %get3A_666 = arith.constant 240 : index
      %get3A_667 = tpu.vector_load %arg9[%get3A_665, %get3A_666] {strides = array<i32>} : memref<8x256xf32, #tpu.memory_space<vmem>>, vector<16xf32>,
      %swap3A_668 = arith.constant 0 : i32
      %swap3A_669 = arith.index_cast %swap3A_668 : i32 to index
      %swap3A_670 = arith.constant 240 : index
      %swap3A_671 = tpu.vector_load %arg17[%swap3A_669, %swap3A_670] {strides = array<i32>} : memref<1x256xf32, #tpu.memory_space<vmem>>, vector<16xf32>,
      tpu.vector_store %arg17[%swap3A_669, %swap3A_670], %get3A_667 {strides = array<i32>} : memref<1x256xf32, #tpu.memory_space<vmem>>, vector<16xf32>,
      %mul3A_672 = arith.constant 256 : i32
      %mul3A_673 = arith.muli %add3A_531, %mul3A_672 : i32
      %add3A_674 = arith.addi %mul3A_2, %mul3A_673 : i32
      %add3A_675 = arith.constant 0 : i32
      %add3A_676 = arith.addi %add3A_674, %add3A_675 : i32
      %dma_start3A_677 = arith.constant 0 : i32
      %dma_start3A_678 = arith.constant 0 : i32
      %dma_start3A_679 = arith.constant 0 : i32
      %dma_start3A_680 = tpu.memref_slice %arg13[%dma_start3A_678, %dma_start3A_679] : memref<63x256xf32, #tpu.memory_space<vmem>> -> memref<63x128xf32, #tpu.memory_space<vmem>>
      %dma_start3A_681 = arith.constant 0 : i32
      %dma_start3A_682 = tpu.memref_slice %arg7[%dma_start3A_677, %dma_start3A_681] : memref<1x63xi32, #tpu.memory_space<vmem>> -> memref<1x63xi32, #tpu.memory_space<vmem>>
      %dma_start3A_683 = tpu.memref_squeeze %dma_start3A_682 : memref<1x63xi32, #tpu.memory_space<vmem>> -> memref<63xi32, #tpu.memory_space<vmem>>
      %dma_start3A_684 = arith.constant 0 : i32
      %dma_start3A_685 = tpu.memref_slice %arg6[%dma_start3A_684, %add3A_676] : memref<64x1000000xf32, #tpu.memory_space<hbm>> -> memref<64x128xf32, #tpu.memory_space<hbm>>
      %dma_start3A_686 = arith.constant 0 : i32
      %dma_start3A_687 = arith.constant 0 : i32
      %dma_start3A_688 = tpu.memref_slice %dma_start3A_685[%dma_start3A_686, %dma_start3A_687] : memref<64x128xf32, #tpu.memory_space<hbm>> -> memref<64x128xf32, #tpu.memory_space<hbm>>
      tpu.enqueue_indirect_dma source(%dma_start3A_680 : memref<63x128xf32, #tpu.memory_space<vmem>>) target(%dma_start3A_688 : memref<64x128xf32, #tpu.memory_space<hbm>>) offsets(%dma_start3A_683 : memref<63xi32, #tpu.memory_space<vmem>>) semaphore(%arg25 : memref<!tpu.dma_semaphore, #tpu.memory_space<semaphore_mem>>)
      %add3A_689 = arith.constant 128 : i32
      %add3A_690 = arith.addi %add3A_674, %add3A_689 : i32
      %dma_start3A_691 = arith.constant 0 : i32
      %dma_start3A_692 = arith.constant 0 : i32
      %dma_start3A_693 = arith.constant 128 : i32
      %dma_start3A_694 = tpu.memref_slice %arg13[%dma_start3A_692, %dma_start3A_693] : memref<63x256xf32, #tpu.memory_space<vmem>> -> memref<63x128xf32, #tpu.memory_space<vmem>>
      %dma_start3A_695 = arith.constant 0 : i32
      %dma_start3A_696 = tpu.memref_slice %arg7[%dma_start3A_691, %dma_start3A_695] : memref<1x63xi32, #tpu.memory_space<vmem>> -> memref<1x63xi32, #tpu.memory_space<vmem>>
      %dma_start3A_697 = tpu.memref_squeeze %dma_start3A_696 : memref<1x63xi32, #tpu.memory_space<vmem>> -> memref<63xi32, #tpu.memory_space<vmem>>
      %dma_start3A_698 = arith.constant 0 : i32
      %dma_start3A_699 = tpu.memref_slice %arg6[%dma_start3A_698, %add3A_690] : memref<64x1000000xf32, #tpu.memory_space<hbm>> -> memref<64x128xf32, #tpu.memory_space<hbm>>
      %dma_start3A_700 = arith.constant 0 : i32
      %dma_start3A_701 = arith.constant 0 : i32
      %dma_start3A_702 = tpu.memref_slice %dma_start3A_699[%dma_start3A_700, %dma_start3A_701] : memref<64x128xf32, #tpu.memory_space<hbm>> -> memref<64x128xf32, #tpu.memory_space<hbm>>
      tpu.enqueue_indirect_dma source(%dma_start3A_694 : memref<63x128xf32, #tpu.memory_space<vmem>>) target(%dma_start3A_702 : memref<64x128xf32, #tpu.memory_space<hbm>>) offsets(%dma_start3A_697 : memref<63xi32, #tpu.memory_space<vmem>>) semaphore(%arg25 : memref<!tpu.dma_semaphore, #tpu.memory_space<semaphore_mem>>)
      %dma_start3A_703 = arith.constant 0 : i32
      %dma_start3A_704 = arith.constant 0 : i32
      %dma_start3A_705 = tpu.memref_slice %arg8[%dma_start3A_703, %dma_start3A_704] : memref<1x1xi32, #tpu.memory_space<vmem>> -> memref<1x1xi32, #tpu.memory_space<vmem>>
      %dma_start3A_706 = tpu.memref_squeeze %dma_start3A_705 : memref<1x1xi32, #tpu.memory_space<vmem>> -> memref<1xi32, #tpu.memory_space<vmem>>
      %dma_start3A_707 = arith.constant 0 : i32
      %dma_start3A_708 = tpu.memref_slice %arg6[%dma_start3A_707, %add3A_674] : memref<64x1000000xf32, #tpu.memory_space<hbm>> -> memref<64x256xf32, #tpu.memory_space<hbm>>
      %dma_start3A_709 = arith.constant 0 : i32
      %dma_start3A_710 = arith.constant 0 : i32
      %dma_start3A_711 = tpu.memref_slice %dma_start3A_708[%dma_start3A_709, %dma_start3A_710] : memref<64x256xf32, #tpu.memory_space<hbm>> -> memref<64x256xf32, #tpu.memory_space<hbm>>
      tpu.enqueue_indirect_dma source(%arg17 : memref<1x256xf32, #tpu.memory_space<vmem>>) target(%dma_start3A_711 : memref<64x256xf32, #tpu.memory_space<hbm>>) offsets(%dma_start3A_706 : memref<1xi32, #tpu.memory_space<vmem>>) semaphore(%arg25 : memref<!tpu.dma_semaphore, #tpu.memory_space<semaphore_mem>>)
      %ge3A = arith.constant 2 : i32
      %ge3A_712 = arith.cmpi sge, %add3A_531, %ge3A : i32
      %convert_element_type3A_713 = arith.extui %ge3A_712 : i1 to i32
      %cond3A_714 = arith.constant 0 : i32
      %cond3A_715 = arith.cmpi ne, %convert_element_type3A_713, %cond3A_714 : i32
      scf.if %cond3A_715 {
        %dma_wait3A_1366 = arith.constant 0 : i32
        %dma_wait3A_1367 = arith.constant 0 : i32
        %dma_wait3A_1368 = arith.constant 0 : i32
        %dma_wait3A_1369 = tpu.memref_slice %arg15[%dma_wait3A_1367, %dma_wait3A_1368] : memref<63x256xf32, #tpu.memory_space<vmem>> -> memref<63x128xf32, #tpu.memory_space<vmem>>
        %dma_wait3A_1370 = arith.constant 0 : i32
        %dma_wait3A_1371 = tpu.memref_slice %arg7[%dma_wait3A_1366, %dma_wait3A_1370] : memref<1x63xi32, #tpu.memory_space<vmem>> -> memref<1x63xi32, #tpu.memory_space<vmem>>
        %dma_wait3A_1372 = tpu.memref_squeeze %dma_wait3A_1371 : memref<1x63xi32, #tpu.memory_space<vmem>> -> memref<63xi32, #tpu.memory_space<vmem>>
        %dma_wait3A_1373 = arith.constant 0 : i32
        %dma_wait3A_1374 = arith.constant 0 : i32
        %dma_wait3A_1375 = tpu.memref_slice %arg6[%dma_wait3A_1373, %dma_wait3A_1374] : memref<64x1000000xf32, #tpu.memory_space<hbm>> -> memref<64x128xf32, #tpu.memory_space<hbm>>
        %dma_wait3A_1376 = arith.constant 0 : i32
        %dma_wait3A_1377 = arith.constant 0 : i32
        %dma_wait3A_1378 = tpu.memref_slice %dma_wait3A_1375[%dma_wait3A_1376, %dma_wait3A_1377] : memref<64x128xf32, #tpu.memory_space<hbm>> -> memref<64x128xf32, #tpu.memory_space<hbm>>
        tpu.wait_indirect_dma semaphore(%arg27 : memref<!tpu.dma_semaphore, #tpu.memory_space<semaphore_mem>>) src(%dma_wait3A_1369 : memref<63x128xf32, #tpu.memory_space<vmem>>) dst(%dma_wait3A_1378 : memref<64x128xf32, #tpu.memory_space<hbm>>)
        %dma_wait3A_1379 = arith.constant 0 : i32
        %dma_wait3A_1380 = arith.constant 0 : i32
        %dma_wait3A_1381 = arith.constant 128 : i32
        %dma_wait3A_1382 = tpu.memref_slice %arg15[%dma_wait3A_1380, %dma_wait3A_1381] : memref<63x256xf32, #tpu.memory_space<vmem>> -> memref<63x128xf32, #tpu.memory_space<vmem>>
        %dma_wait3A_1383 = arith.constant 0 : i32
        %dma_wait3A_1384 = tpu.memref_slice %arg7[%dma_wait3A_1379, %dma_wait3A_1383] : memref<1x63xi32, #tpu.memory_space<vmem>> -> memref<1x63xi32, #tpu.memory_space<vmem>>
        %dma_wait3A_1385 = tpu.memref_squeeze %dma_wait3A_1384 : memref<1x63xi32, #tpu.memory_space<vmem>> -> memref<63xi32, #tpu.memory_space<vmem>>
        %dma_wait3A_1386 = arith.constant 0 : i32
        %dma_wait3A_1387 = arith.constant 128 : i32
        %dma_wait3A_1388 = tpu.memref_slice %arg6[%dma_wait3A_1386, %dma_wait3A_1387] : memref<64x1000000xf32, #tpu.memory_space<hbm>> -> memref<64x128xf32, #tpu.memory_space<hbm>>
        %dma_wait3A_1389 = arith.constant 0 : i32
        %dma_wait3A_1390 = arith.constant 0 : i32
        %dma_wait3A_1391 = tpu.memref_slice %dma_wait3A_1388[%dma_wait3A_1389, %dma_wait3A_1390] : memref<64x128xf32, #tpu.memory_space<hbm>> -> memref<64x128xf32, #tpu.memory_space<hbm>>
        tpu.wait_indirect_dma semaphore(%arg27 : memref<!tpu.dma_semaphore, #tpu.memory_space<semaphore_mem>>) src(%dma_wait3A_1382 : memref<63x128xf32, #tpu.memory_space<vmem>>) dst(%dma_wait3A_1391 : memref<64x128xf32, #tpu.memory_space<hbm>>)
        %dma_wait3A_1392 = arith.constant 0 : i32
        %dma_wait3A_1393 = arith.constant 0 : i32
        %dma_wait3A_1394 = tpu.memref_slice %arg8[%dma_wait3A_1392, %dma_wait3A_1393] : memref<1x1xi32, #tpu.memory_space<vmem>> -> memref<1x1xi32, #tpu.memory_space<vmem>>
        %dma_wait3A_1395 = tpu.memref_squeeze %dma_wait3A_1394 : memref<1x1xi32, #tpu.memory_space<vmem>> -> memref<1xi32, #tpu.memory_space<vmem>>
        %dma_wait3A_1396 = arith.constant 0 : i32
        %dma_wait3A_1397 = arith.constant 0 : i32
        %dma_wait3A_1398 = tpu.memref_slice %arg6[%dma_wait3A_1396, %dma_wait3A_1397] : memref<64x1000000xf32, #tpu.memory_space<hbm>> -> memref<64x256xf32, #tpu.memory_space<hbm>>
        %dma_wait3A_1399 = arith.constant 0 : i32
        %dma_wait3A_1400 = arith.constant 0 : i32
        %dma_wait3A_1401 = tpu.memref_slice %dma_wait3A_1398[%dma_wait3A_1399, %dma_wait3A_1400] : memref<64x256xf32, #tpu.memory_space<hbm>> -> memref<64x256xf32, #tpu.memory_space<hbm>>
        tpu.wait_indirect_dma semaphore(%arg27 : memref<!tpu.dma_semaphore, #tpu.memory_space<semaphore_mem>>) src(%arg19 : memref<1x256xf32, #tpu.memory_space<vmem>>) dst(%dma_wait3A_1401 : memref<64x256xf32, #tpu.memory_space<hbm>>)
      } else {
      }
      %add3A_716 = arith.constant 2 : i32
      %add3A_717 = arith.addi %add3A_531, %add3A_716 : i32
      %lt3A = arith.constant 122 : i32
      %lt3A_718 = arith.cmpi slt, %add3A_717, %lt3A : i32
      %convert_element_type3A_719 = arith.extui %lt3A_718 : i1 to i32
      %cond3A_720 = arith.constant 0 : i32
      %cond3A_721 = arith.cmpi ne, %convert_element_type3A_719, %cond3A_720 : i32
      scf.if %cond3A_721 {
        %add3A_1366 = arith.constant 2 : i32
        %add3A_1367 = arith.addi %add3A_531, %add3A_1366 : i32
        %mul3A_1368 = arith.constant 256 : i32
        %mul3A_1369 = arith.muli %add3A_1367, %mul3A_1368 : i32
        %add3A_1370 = arith.addi %mul3A_2, %mul3A_1369 : i32
        %dma_start3A_1371 = arith.constant 0 : i32
        %dma_start3A_1372 = tpu.memref_slice %arg5[%dma_start3A_1371, %add3A_1370] : memref<63x1000000xf32, #tpu.memory_space<hbm>> -> memref<63x256xf32, #tpu.memory_space<hbm>>
        %dma_start3A_1373 = arith.constant 0 : i32
        %dma_start3A_1374 = tpu.memref_slice %arg5[%dma_start3A_1373, %add3A_1370] : memref<63x1000000xf32, #tpu.memory_space<hbm>> -> memref<63x256xf32, #tpu.memory_space<hbm>>
        tpu.enqueue_dma source(%dma_start3A_1374 : memref<63x256xf32, #tpu.memory_space<hbm>>) target(%arg15 : memref<63x256xf32, #tpu.memory_space<vmem>>) target_semaphore(%arg23 : memref<!tpu.dma_semaphore, #tpu.memory_space<semaphore_mem>>)
        %dma_start3A_1375 = arith.constant 0 : i32
        %dma_start3A_1376 = tpu.memref_slice %arg4[%dma_start3A_1375, %add3A_1370] : memref<64x1000000xf32, #tpu.memory_space<hbm>> -> memref<8x256xf32, #tpu.memory_space<hbm>>
        %dma_start3A_1377 = arith.constant 0 : i32
        %dma_start3A_1378 = tpu.memref_slice %arg4[%dma_start3A_1377, %add3A_1370] : memref<64x1000000xf32, #tpu.memory_space<hbm>> -> memref<8x256xf32, #tpu.memory_space<hbm>>
        tpu.enqueue_dma source(%dma_start3A_1378 : memref<8x256xf32, #tpu.memory_space<hbm>>) target(%arg11 : memref<8x256xf32, #tpu.memory_space<vmem>>) target_semaphore(%arg23 : memref<!tpu.dma_semaphore, #tpu.memory_space<semaphore_mem>>)
      } else {
      }
      %add3A_722 = arith.constant 1 : i32
      %add3A_723 = arith.addi %mul3A_529, %add3A_722 : i32
      %dma_wait3A_724 = arith.constant 0 : i32
      %dma_wait3A_725 = arith.constant 0 : i32
      %dma_wait3A_726 = tpu.memref_slice %arg5[%dma_wait3A_724, %dma_wait3A_725] : memref<63x1000000xf32, #tpu.memory_space<hbm>> -> memref<63x256xf32, #tpu.memory_space<hbm>>
      %dma_wait3A_727 = arith.constant 0 : i32
      %dma_wait3A_728 = arith.constant 0 : i32
      %dma_wait3A_729 = tpu.memref_slice %arg5[%dma_wait3A_727, %dma_wait3A_728] : memref<63x1000000xf32, #tpu.memory_space<hbm>> -> memref<63x256xf32, #tpu.memory_space<hbm>>
      tpu.wait_dma2 semaphore(%arg22 : memref<!tpu.dma_semaphore, #tpu.memory_space<semaphore_mem>>) src(%dma_wait3A_729 : memref<63x256xf32, #tpu.memory_space<hbm>>) dst(%arg14 : memref<63x256xf32, #tpu.memory_space<vmem>>)
      %dma_wait3A_730 = arith.constant 0 : i32
      %dma_wait3A_731 = arith.constant 0 : i32
      %dma_wait3A_732 = tpu.memref_slice %arg4[%dma_wait3A_730, %dma_wait3A_731] : memref<64x1000000xf32, #tpu.memory_space<hbm>> -> memref<8x256xf32, #tpu.memory_space<hbm>>
      %dma_wait3A_733 = arith.constant 0 : i32
      %dma_wait3A_734 = arith.constant 0 : i32
      %dma_wait3A_735 = tpu.memref_slice %arg4[%dma_wait3A_733, %dma_wait3A_734] : memref<64x1000000xf32, #tpu.memory_space<hbm>> -> memref<8x256xf32, #tpu.memory_space<hbm>>
      tpu.wait_dma2 semaphore(%arg22 : memref<!tpu.dma_semaphore, #tpu.memory_space<semaphore_mem>>) src(%dma_wait3A_735 : memref<8x256xf32, #tpu.memory_space<hbm>>) dst(%arg10 : memref<8x256xf32, #tpu.memory_space<vmem>>)
      %get3A_736 = arith.constant 0 : i32
      %get3A_737 = arith.index_cast %get3A_736 : i32 to index
      %get3A_738 = arith.constant 0 : index
      %get3A_739 = tpu.vector_load %arg10[%get3A_737, %get3A_738] {strides = array<i32>} : memref<8x256xf32, #tpu.memory_space<vmem>>, vector<16xf32>,
      %swap3A_740 = arith.constant 0 : i32
      %swap3A_741 = arith.index_cast %swap3A_740 : i32 to index
      %swap3A_742 = arith.constant 0 : index
      %swap3A_743 = tpu.vector_load %arg18[%swap3A_741, %swap3A_742] {strides = array<i32>} : memref<1x256xf32, #tpu.memory_space<vmem>>, vector<16xf32>,
      tpu.vector_store %arg18[%swap3A_741, %swap3A_742], %get3A_739 {strides = array<i32>} : memref<1x256xf32, #tpu.memory_space<vmem>>, vector<16xf32>,
      %get3A_744 = arith.constant 0 : i32
      %get3A_745 = arith.index_cast %get3A_744 : i32 to index
      %get3A_746 = arith.constant 16 : index
      %get3A_747 = tpu.vector_load %arg10[%get3A_745, %get3A_746] {strides = array<i32>} : memref<8x256xf32, #tpu.memory_space<vmem>>, vector<16xf32>,
      %swap3A_748 = arith.constant 0 : i32
      %swap3A_749 = arith.index_cast %swap3A_748 : i32 to index
      %swap3A_750 = arith.constant 16 : index
      %swap3A_751 = tpu.vector_load %arg18[%swap3A_749, %swap3A_750] {strides = array<i32>} : memref<1x256xf32, #tpu.memory_space<vmem>>, vector<16xf32>,
      tpu.vector_store %arg18[%swap3A_749, %swap3A_750], %get3A_747 {strides = array<i32>} : memref<1x256xf32, #tpu.memory_space<vmem>>, vector<16xf32>,
      %get3A_752 = arith.constant 0 : i32
      %get3A_753 = arith.index_cast %get3A_752 : i32 to index
      %get3A_754 = arith.constant 32 : index
      %get3A_755 = tpu.vector_load %arg10[%get3A_753, %get3A_754] {strides = array<i32>} : memref<8x256xf32, #tpu.memory_space<vmem>>, vector<16xf32>,
      %swap3A_756 = arith.constant 0 : i32
      %swap3A_757 = arith.index_cast %swap3A_756 : i32 to index
      %swap3A_758 = arith.constant 32 : index
      %swap3A_759 = tpu.vector_load %arg18[%swap3A_757, %swap3A_758] {strides = array<i32>} : memref<1x256xf32, #tpu.memory_space<vmem>>, vector<16xf32>,
      tpu.vector_store %arg18[%swap3A_757, %swap3A_758], %get3A_755 {strides = array<i32>} : memref<1x256xf32, #tpu.memory_space<vmem>>, vector<16xf32>,
      %get3A_760 = arith.constant 0 : i32
      %get3A_761 = arith.index_cast %get3A_760 : i32 to index
      %get3A_762 = arith.constant 48 : index
      %get3A_763 = tpu.vector_load %arg10[%get3A_761, %get3A_762] {strides = array<i32>} : memref<8x256xf32, #tpu.memory_space<vmem>>, vector<16xf32>,
      %swap3A_764 = arith.constant 0 : i32
      %swap3A_765 = arith.index_cast %swap3A_764 : i32 to index
      %swap3A_766 = arith.constant 48 : index
      %swap3A_767 = tpu.vector_load %arg18[%swap3A_765, %swap3A_766] {strides = array<i32>} : memref<1x256xf32, #tpu.memory_space<vmem>>, vector<16xf32>,
      tpu.vector_store %arg18[%swap3A_765, %swap3A_766], %get3A_763 {strides = array<i32>} : memref<1x256xf32, #tpu.memory_space<vmem>>, vector<16xf32>,
      %get3A_768 = arith.constant 0 : i32
      %get3A_769 = arith.index_cast %get3A_768 : i32 to index
      %get3A_770 = arith.constant 64 : index
      %get3A_771 = tpu.vector_load %arg10[%get3A_769, %get3A_770] {strides = array<i32>} : memref<8x256xf32, #tpu.memory_space<vmem>>, vector<16xf32>,
      %swap3A_772 = arith.constant 0 : i32
      %swap3A_773 = arith.index_cast %swap3A_772 : i32 to index
      %swap3A_774 = arith.constant 64 : index
      %swap3A_775 = tpu.vector_load %arg18[%swap3A_773, %swap3A_774] {strides = array<i32>} : memref<1x256xf32, #tpu.memory_space<vmem>>, vector<16xf32>,
      tpu.vector_store %arg18[%swap3A_773, %swap3A_774], %get3A_771 {strides = array<i32>} : memref<1x256xf32, #tpu.memory_space<vmem>>, vector<16xf32>,
      %get3A_776 = arith.constant 0 : i32
      %get3A_777 = arith.index_cast %get3A_776 : i32 to index
      %get3A_778 = arith.constant 80 : index
      %get3A_779 = tpu.vector_load %arg10[%get3A_777, %get3A_778] {strides = array<i32>} : memref<8x256xf32, #tpu.memory_space<vmem>>, vector<16xf32>,
      %swap3A_780 = arith.constant 0 : i32
      %swap3A_781 = arith.index_cast %swap3A_780 : i32 to index
      %swap3A_782 = arith.constant 80 : index
      %swap3A_783 = tpu.vector_load %arg18[%swap3A_781, %swap3A_782] {strides = array<i32>} : memref<1x256xf32, #tpu.memory_space<vmem>>, vector<16xf32>,
      tpu.vector_store %arg18[%swap3A_781, %swap3A_782], %get3A_779 {strides = array<i32>} : memref<1x256xf32, #tpu.memory_space<vmem>>, vector<16xf32>,
      %get3A_784 = arith.constant 0 : i32
      %get3A_785 = arith.index_cast %get3A_784 : i32 to index
      %get3A_786 = arith.constant 96 : index
      %get3A_787 = tpu.vector_load %arg10[%get3A_785, %get3A_786] {strides = array<i32>} : memref<8x256xf32, #tpu.memory_space<vmem>>, vector<16xf32>,
      %swap3A_788 = arith.constant 0 : i32
      %swap3A_789 = arith.index_cast %swap3A_788 : i32 to index
      %swap3A_790 = arith.constant 96 : index
      %swap3A_791 = tpu.vector_load %arg18[%swap3A_789, %swap3A_790] {strides = array<i32>} : memref<1x256xf32, #tpu.memory_space<vmem>>, vector<16xf32>,
      tpu.vector_store %arg18[%swap3A_789, %swap3A_790], %get3A_787 {strides = array<i32>} : memref<1x256xf32, #tpu.memory_space<vmem>>, vector<16xf32>,
      %get3A_792 = arith.constant 0 : i32
      %get3A_793 = arith.index_cast %get3A_792 : i32 to index
      %get3A_794 = arith.constant 112 : index
      %get3A_795 = tpu.vector_load %arg10[%get3A_793, %get3A_794] {strides = array<i32>} : memref<8x256xf32, #tpu.memory_space<vmem>>, vector<16xf32>,
      %swap3A_796 = arith.constant 0 : i32
      %swap3A_797 = arith.index_cast %swap3A_796 : i32 to index
      %swap3A_798 = arith.constant 112 : index
      %swap3A_799 = tpu.vector_load %arg18[%swap3A_797, %swap3A_798] {strides = array<i32>} : memref<1x256xf32, #tpu.memory_space<vmem>>, vector<16xf32>,
      tpu.vector_store %arg18[%swap3A_797, %swap3A_798], %get3A_795 {strides = array<i32>} : memref<1x256xf32, #tpu.memory_space<vmem>>, vector<16xf32>,
      %get3A_800 = arith.constant 0 : i32
      %get3A_801 = arith.index_cast %get3A_800 : i32 to index
      %get3A_802 = arith.constant 128 : index
      %get3A_803 = tpu.vector_load %arg10[%get3A_801, %get3A_802] {strides = array<i32>} : memref<8x256xf32, #tpu.memory_space<vmem>>, vector<16xf32>,
      %swap3A_804 = arith.constant 0 : i32
      %swap3A_805 = arith.index_cast %swap3A_804 : i32 to index
      %swap3A_806 = arith.constant 128 : index
      %swap3A_807 = tpu.vector_load %arg18[%swap3A_805, %swap3A_806] {strides = array<i32>} : memref<1x256xf32, #tpu.memory_space<vmem>>, vector<16xf32>,
      tpu.vector_store %arg18[%swap3A_805, %swap3A_806], %get3A_803 {strides = array<i32>} : memref<1x256xf32, #tpu.memory_space<vmem>>, vector<16xf32>,
      %get3A_808 = arith.constant 0 : i32
      %get3A_809 = arith.index_cast %get3A_808 : i32 to index
      %get3A_810 = arith.constant 144 : index
      %get3A_811 = tpu.vector_load %arg10[%get3A_809, %get3A_810] {strides = array<i32>} : memref<8x256xf32, #tpu.memory_space<vmem>>, vector<16xf32>,
      %swap3A_812 = arith.constant 0 : i32
      %swap3A_813 = arith.index_cast %swap3A_812 : i32 to index
      %swap3A_814 = arith.constant 144 : index
      %swap3A_815 = tpu.vector_load %arg18[%swap3A_813, %swap3A_814] {strides = array<i32>} : memref<1x256xf32, #tpu.memory_space<vmem>>, vector<16xf32>,
      tpu.vector_store %arg18[%swap3A_813, %swap3A_814], %get3A_811 {strides = array<i32>} : memref<1x256xf32, #tpu.memory_space<vmem>>, vector<16xf32>,
      %get3A_816 = arith.constant 0 : i32
      %get3A_817 = arith.index_cast %get3A_816 : i32 to index
      %get3A_818 = arith.constant 160 : index
      %get3A_819 = tpu.vector_load %arg10[%get3A_817, %get3A_818] {strides = array<i32>} : memref<8x256xf32, #tpu.memory_space<vmem>>, vector<16xf32>,
      %swap3A_820 = arith.constant 0 : i32
      %swap3A_821 = arith.index_cast %swap3A_820 : i32 to index
      %swap3A_822 = arith.constant 160 : index
      %swap3A_823 = tpu.vector_load %arg18[%swap3A_821, %swap3A_822] {strides = array<i32>} : memref<1x256xf32, #tpu.memory_space<vmem>>, vector<16xf32>,
      tpu.vector_store %arg18[%swap3A_821, %swap3A_822], %get3A_819 {strides = array<i32>} : memref<1x256xf32, #tpu.memory_space<vmem>>, vector<16xf32>,
      %get3A_824 = arith.constant 0 : i32
      %get3A_825 = arith.index_cast %get3A_824 : i32 to index
      %get3A_826 = arith.constant 176 : index
      %get3A_827 = tpu.vector_load %arg10[%get3A_825, %get3A_826] {strides = array<i32>} : memref<8x256xf32, #tpu.memory_space<vmem>>, vector<16xf32>,
      %swap3A_828 = arith.constant 0 : i32
      %swap3A_829 = arith.index_cast %swap3A_828 : i32 to index
      %swap3A_830 = arith.constant 176 : index
      %swap3A_831 = tpu.vector_load %arg18[%swap3A_829, %swap3A_830] {strides = array<i32>} : memref<1x256xf32, #tpu.memory_space<vmem>>, vector<16xf32>,
      tpu.vector_store %arg18[%swap3A_829, %swap3A_830], %get3A_827 {strides = array<i32>} : memref<1x256xf32, #tpu.memory_space<vmem>>, vector<16xf32>,
      %get3A_832 = arith.constant 0 : i32
      %get3A_833 = arith.index_cast %get3A_832 : i32 to index
      %get3A_834 = arith.constant 192 : index
      %get3A_835 = tpu.vector_load %arg10[%get3A_833, %get3A_834] {strides = array<i32>} : memref<8x256xf32, #tpu.memory_space<vmem>>, vector<16xf32>,
      %swap3A_836 = arith.constant 0 : i32
      %swap3A_837 = arith.index_cast %swap3A_836 : i32 to index
      %swap3A_838 = arith.constant 192 : index
      %swap3A_839 = tpu.vector_load %arg18[%swap3A_837, %swap3A_838] {strides = array<i32>} : memref<1x256xf32, #tpu.memory_space<vmem>>, vector<16xf32>,
      tpu.vector_store %arg18[%swap3A_837, %swap3A_838], %get3A_835 {strides = array<i32>} : memref<1x256xf32, #tpu.memory_space<vmem>>, vector<16xf32>,
      %get3A_840 = arith.constant 0 : i32
      %get3A_841 = arith.index_cast %get3A_840 : i32 to index
      %get3A_842 = arith.constant 208 : index
      %get3A_843 = tpu.vector_load %arg10[%get3A_841, %get3A_842] {strides = array<i32>} : memref<8x256xf32, #tpu.memory_space<vmem>>, vector<16xf32>,
      %swap3A_844 = arith.constant 0 : i32
      %swap3A_845 = arith.index_cast %swap3A_844 : i32 to index
      %swap3A_846 = arith.constant 208 : index
      %swap3A_847 = tpu.vector_load %arg18[%swap3A_845, %swap3A_846] {strides = array<i32>} : memref<1x256xf32, #tpu.memory_space<vmem>>, vector<16xf32>,
      tpu.vector_store %arg18[%swap3A_845, %swap3A_846], %get3A_843 {strides = array<i32>} : memref<1x256xf32, #tpu.memory_space<vmem>>, vector<16xf32>,
      %get3A_848 = arith.constant 0 : i32
      %get3A_849 = arith.index_cast %get3A_848 : i32 to index
      %get3A_850 = arith.constant 224 : index
      %get3A_851 = tpu.vector_load %arg10[%get3A_849, %get3A_850] {strides = array<i32>} : memref<8x256xf32, #tpu.memory_space<vmem>>, vector<16xf32>,
      %swap3A_852 = arith.constant 0 : i32
      %swap3A_853 = arith.index_cast %swap3A_852 : i32 to index
      %swap3A_854 = arith.constant 224 : index
      %swap3A_855 = tpu.vector_load %arg18[%swap3A_853, %swap3A_854] {strides = array<i32>} : memref<1x256xf32, #tpu.memory_space<vmem>>, vector<16xf32>,
      tpu.vector_store %arg18[%swap3A_853, %swap3A_854], %get3A_851 {strides = array<i32>} : memref<1x256xf32, #tpu.memory_space<vmem>>, vector<16xf32>,
      %get3A_856 = arith.constant 0 : i32
      %get3A_857 = arith.index_cast %get3A_856 : i32 to index
      %get3A_858 = arith.constant 240 : index
      %get3A_859 = tpu.vector_load %arg10[%get3A_857, %get3A_858] {strides = array<i32>} : memref<8x256xf32, #tpu.memory_space<vmem>>, vector<16xf32>,
      %swap3A_860 = arith.constant 0 : i32
      %swap3A_861 = arith.index_cast %swap3A_860 : i32 to index
      %swap3A_862 = arith.constant 240 : index
      %swap3A_863 = tpu.vector_load %arg18[%swap3A_861, %swap3A_862] {strides = array<i32>} : memref<1x256xf32, #tpu.memory_space<vmem>>, vector<16xf32>,
      tpu.vector_store %arg18[%swap3A_861, %swap3A_862], %get3A_859 {strides = array<i32>} : memref<1x256xf32, #tpu.memory_space<vmem>>, vector<16xf32>,
      %mul3A_864 = arith.constant 256 : i32
      %mul3A_865 = arith.muli %add3A_723, %mul3A_864 : i32
      %add3A_866 = arith.addi %mul3A_2, %mul3A_865 : i32
      %add3A_867 = arith.constant 0 : i32
      %add3A_868 = arith.addi %add3A_866, %add3A_867 : i32
      %dma_start3A_869 = arith.constant 0 : i32
      %dma_start3A_870 = arith.constant 0 : i32
      %dma_start3A_871 = arith.constant 0 : i32
      %dma_start3A_872 = tpu.memref_slice %arg14[%dma_start3A_870, %dma_start3A_871] : memref<63x256xf32, #tpu.memory_space<vmem>> -> memref<63x128xf32, #tpu.memory_space<vmem>>
      %dma_start3A_873 = arith.constant 0 : i32
      %dma_start3A_874 = tpu.memref_slice %arg7[%dma_start3A_869, %dma_start3A_873] : memref<1x63xi32, #tpu.memory_space<vmem>> -> memref<1x63xi32, #tpu.memory_space<vmem>>
      %dma_start3A_875 = tpu.memref_squeeze %dma_start3A_874 : memref<1x63xi32, #tpu.memory_space<vmem>> -> memref<63xi32, #tpu.memory_space<vmem>>
      %dma_start3A_876 = arith.constant 0 : i32
      %dma_start3A_877 = tpu.memref_slice %arg6[%dma_start3A_876, %add3A_868] : memref<64x1000000xf32, #tpu.memory_space<hbm>> -> memref<64x128xf32, #tpu.memory_space<hbm>>
      %dma_start3A_878 = arith.constant 0 : i32
      %dma_start3A_879 = arith.constant 0 : i32
      %dma_start3A_880 = tpu.memref_slice %dma_start3A_877[%dma_start3A_878, %dma_start3A_879] : memref<64x128xf32, #tpu.memory_space<hbm>> -> memref<64x128xf32, #tpu.memory_space<hbm>>
      tpu.enqueue_indirect_dma source(%dma_start3A_872 : memref<63x128xf32, #tpu.memory_space<vmem>>) target(%dma_start3A_880 : memref<64x128xf32, #tpu.memory_space<hbm>>) offsets(%dma_start3A_875 : memref<63xi32, #tpu.memory_space<vmem>>) semaphore(%arg26 : memref<!tpu.dma_semaphore, #tpu.memory_space<semaphore_mem>>)
      %add3A_881 = arith.constant 128 : i32
      %add3A_882 = arith.addi %add3A_866, %add3A_881 : i32
      %dma_start3A_883 = arith.constant 0 : i32
      %dma_start3A_884 = arith.constant 0 : i32
      %dma_start3A_885 = arith.constant 128 : i32
      %dma_start3A_886 = tpu.memref_slice %arg14[%dma_start3A_884, %dma_start3A_885] : memref<63x256xf32, #tpu.memory_space<vmem>> -> memref<63x128xf32, #tpu.memory_space<vmem>>
      %dma_start3A_887 = arith.constant 0 : i32
      %dma_start3A_888 = tpu.memref_slice %arg7[%dma_start3A_883, %dma_start3A_887] : memref<1x63xi32, #tpu.memory_space<vmem>> -> memref<1x63xi32, #tpu.memory_space<vmem>>
      %dma_start3A_889 = tpu.memref_squeeze %dma_start3A_888 : memref<1x63xi32, #tpu.memory_space<vmem>> -> memref<63xi32, #tpu.memory_space<vmem>>
      %dma_start3A_890 = arith.constant 0 : i32
      %dma_start3A_891 = tpu.memref_slice %arg6[%dma_start3A_890, %add3A_882] : memref<64x1000000xf32, #tpu.memory_space<hbm>> -> memref<64x128xf32, #tpu.memory_space<hbm>>
      %dma_start3A_892 = arith.constant 0 : i32
      %dma_start3A_893 = arith.constant 0 : i32
      %dma_start3A_894 = tpu.memref_slice %dma_start3A_891[%dma_start3A_892, %dma_start3A_893] : memref<64x128xf32, #tpu.memory_space<hbm>> -> memref<64x128xf32, #tpu.memory_space<hbm>>
      tpu.enqueue_indirect_dma source(%dma_start3A_886 : memref<63x128xf32, #tpu.memory_space<vmem>>) target(%dma_start3A_894 : memref<64x128xf32, #tpu.memory_space<hbm>>) offsets(%dma_start3A_889 : memref<63xi32, #tpu.memory_space<vmem>>) semaphore(%arg26 : memref<!tpu.dma_semaphore, #tpu.memory_space<semaphore_mem>>)
      %dma_start3A_895 = arith.constant 0 : i32
      %dma_start3A_896 = arith.constant 0 : i32
      %dma_start3A_897 = tpu.memref_slice %arg8[%dma_start3A_895, %dma_start3A_896] : memref<1x1xi32, #tpu.memory_space<vmem>> -> memref<1x1xi32, #tpu.memory_space<vmem>>
      %dma_start3A_898 = tpu.memref_squeeze %dma_start3A_897 : memref<1x1xi32, #tpu.memory_space<vmem>> -> memref<1xi32, #tpu.memory_space<vmem>>
      %dma_start3A_899 = arith.constant 0 : i32
      %dma_start3A_900 = tpu.memref_slice %arg6[%dma_start3A_899, %add3A_866] : memref<64x1000000xf32, #tpu.memory_space<hbm>> -> memref<64x256xf32, #tpu.memory_space<hbm>>
      %dma_start3A_901 = arith.constant 0 : i32
      %dma_start3A_902 = arith.constant 0 : i32
      %dma_start3A_903 = tpu.memref_slice %dma_start3A_900[%dma_start3A_901, %dma_start3A_902] : memref<64x256xf32, #tpu.memory_space<hbm>> -> memref<64x256xf32, #tpu.memory_space<hbm>>
      tpu.enqueue_indirect_dma source(%arg18 : memref<1x256xf32, #tpu.memory_space<vmem>>) target(%dma_start3A_903 : memref<64x256xf32, #tpu.memory_space<hbm>>) offsets(%dma_start3A_898 : memref<1xi32, #tpu.memory_space<vmem>>) semaphore(%arg26 : memref<!tpu.dma_semaphore, #tpu.memory_space<semaphore_mem>>)
      %ge3A_904 = arith.constant 2 : i32
      %ge3A_905 = arith.cmpi sge, %add3A_723, %ge3A_904 : i32
      %convert_element_type3A_906 = arith.extui %ge3A_905 : i1 to i32
      %cond3A_907 = arith.constant 0 : i32
      %cond3A_908 = arith.cmpi ne, %convert_element_type3A_906, %cond3A_907 : i32
      scf.if %cond3A_908 {
        %dma_wait3A_1366 = arith.constant 0 : i32
        %dma_wait3A_1367 = arith.constant 0 : i32
        %dma_wait3A_1368 = arith.constant 0 : i32
        %dma_wait3A_1369 = tpu.memref_slice %arg16[%dma_wait3A_1367, %dma_wait3A_1368] : memref<63x256xf32, #tpu.memory_space<vmem>> -> memref<63x128xf32, #tpu.memory_space<vmem>>
        %dma_wait3A_1370 = arith.constant 0 : i32
        %dma_wait3A_1371 = tpu.memref_slice %arg7[%dma_wait3A_1366, %dma_wait3A_1370] : memref<1x63xi32, #tpu.memory_space<vmem>> -> memref<1x63xi32, #tpu.memory_space<vmem>>
        %dma_wait3A_1372 = tpu.memref_squeeze %dma_wait3A_1371 : memref<1x63xi32, #tpu.memory_space<vmem>> -> memref<63xi32, #tpu.memory_space<vmem>>
        %dma_wait3A_1373 = arith.constant 0 : i32
        %dma_wait3A_1374 = arith.constant 0 : i32
        %dma_wait3A_1375 = tpu.memref_slice %arg6[%dma_wait3A_1373, %dma_wait3A_1374] : memref<64x1000000xf32, #tpu.memory_space<hbm>> -> memref<64x128xf32, #tpu.memory_space<hbm>>
        %dma_wait3A_1376 = arith.constant 0 : i32
        %dma_wait3A_1377 = arith.constant 0 : i32
        %dma_wait3A_1378 = tpu.memref_slice %dma_wait3A_1375[%dma_wait3A_1376, %dma_wait3A_1377] : memref<64x128xf32, #tpu.memory_space<hbm>> -> memref<64x128xf32, #tpu.memory_space<hbm>>
        tpu.wait_indirect_dma semaphore(%arg28 : memref<!tpu.dma_semaphore, #tpu.memory_space<semaphore_mem>>) src(%dma_wait3A_1369 : memref<63x128xf32, #tpu.memory_space<vmem>>) dst(%dma_wait3A_1378 : memref<64x128xf32, #tpu.memory_space<hbm>>)
        %dma_wait3A_1379 = arith.constant 0 : i32
        %dma_wait3A_1380 = arith.constant 0 : i32
        %dma_wait3A_1381 = arith.constant 128 : i32
        %dma_wait3A_1382 = tpu.memref_slice %arg16[%dma_wait3A_1380, %dma_wait3A_1381] : memref<63x256xf32, #tpu.memory_space<vmem>> -> memref<63x128xf32, #tpu.memory_space<vmem>>
        %dma_wait3A_1383 = arith.constant 0 : i32
        %dma_wait3A_1384 = tpu.memref_slice %arg7[%dma_wait3A_1379, %dma_wait3A_1383] : memref<1x63xi32, #tpu.memory_space<vmem>> -> memref<1x63xi32, #tpu.memory_space<vmem>>
        %dma_wait3A_1385 = tpu.memref_squeeze %dma_wait3A_1384 : memref<1x63xi32, #tpu.memory_space<vmem>> -> memref<63xi32, #tpu.memory_space<vmem>>
        %dma_wait3A_1386 = arith.constant 0 : i32
        %dma_wait3A_1387 = arith.constant 128 : i32
        %dma_wait3A_1388 = tpu.memref_slice %arg6[%dma_wait3A_1386, %dma_wait3A_1387] : memref<64x1000000xf32, #tpu.memory_space<hbm>> -> memref<64x128xf32, #tpu.memory_space<hbm>>
        %dma_wait3A_1389 = arith.constant 0 : i32
        %dma_wait3A_1390 = arith.constant 0 : i32
        %dma_wait3A_1391 = tpu.memref_slice %dma_wait3A_1388[%dma_wait3A_1389, %dma_wait3A_1390] : memref<64x128xf32, #tpu.memory_space<hbm>> -> memref<64x128xf32, #tpu.memory_space<hbm>>
        tpu.wait_indirect_dma semaphore(%arg28 : memref<!tpu.dma_semaphore, #tpu.memory_space<semaphore_mem>>) src(%dma_wait3A_1382 : memref<63x128xf32, #tpu.memory_space<vmem>>) dst(%dma_wait3A_1391 : memref<64x128xf32, #tpu.memory_space<hbm>>)
        %dma_wait3A_1392 = arith.constant 0 : i32
        %dma_wait3A_1393 = arith.constant 0 : i32
        %dma_wait3A_1394 = tpu.memref_slice %arg8[%dma_wait3A_1392, %dma_wait3A_1393] : memref<1x1xi32, #tpu.memory_space<vmem>> -> memref<1x1xi32, #tpu.memory_space<vmem>>
        %dma_wait3A_1395 = tpu.memref_squeeze %dma_wait3A_1394 : memref<1x1xi32, #tpu.memory_space<vmem>> -> memref<1xi32, #tpu.memory_space<vmem>>
        %dma_wait3A_1396 = arith.constant 0 : i32
        %dma_wait3A_1397 = arith.constant 0 : i32
        %dma_wait3A_1398 = tpu.memref_slice %arg6[%dma_wait3A_1396, %dma_wait3A_1397] : memref<64x1000000xf32, #tpu.memory_space<hbm>> -> memref<64x256xf32, #tpu.memory_space<hbm>>
        %dma_wait3A_1399 = arith.constant 0 : i32
        %dma_wait3A_1400 = arith.constant 0 : i32
        %dma_wait3A_1401 = tpu.memref_slice %dma_wait3A_1398[%dma_wait3A_1399, %dma_wait3A_1400] : memref<64x256xf32, #tpu.memory_space<hbm>> -> memref<64x256xf32, #tpu.memory_space<hbm>>
        tpu.wait_indirect_dma semaphore(%arg28 : memref<!tpu.dma_semaphore, #tpu.memory_space<semaphore_mem>>) src(%arg20 : memref<1x256xf32, #tpu.memory_space<vmem>>) dst(%dma_wait3A_1401 : memref<64x256xf32, #tpu.memory_space<hbm>>)
      } else {
      }
      %add3A_909 = arith.constant 2 : i32
      %add3A_910 = arith.addi %add3A_723, %add3A_909 : i32
      %lt3A_911 = arith.constant 122 : i32
      %lt3A_912 = arith.cmpi slt, %add3A_910, %lt3A_911 : i32
      %convert_element_type3A_913 = arith.extui %lt3A_912 : i1 to i32
      %cond3A_914 = arith.constant 0 : i32
      %cond3A_915 = arith.cmpi ne, %convert_element_type3A_913, %cond3A_914 : i32
      scf.if %cond3A_915 {
        %add3A_1366 = arith.constant 2 : i32
        %add3A_1367 = arith.addi %add3A_723, %add3A_1366 : i32
        %mul3A_1368 = arith.constant 256 : i32
        %mul3A_1369 = arith.muli %add3A_1367, %mul3A_1368 : i32
        %add3A_1370 = arith.addi %mul3A_2, %mul3A_1369 : i32
        %dma_start3A_1371 = arith.constant 0 : i32
        %dma_start3A_1372 = tpu.memref_slice %arg5[%dma_start3A_1371, %add3A_1370] : memref<63x1000000xf32, #tpu.memory_space<hbm>> -> memref<63x256xf32, #tpu.memory_space<hbm>>
        %dma_start3A_1373 = arith.constant 0 : i32
        %dma_start3A_1374 = tpu.memref_slice %arg5[%dma_start3A_1373, %add3A_1370] : memref<63x1000000xf32, #tpu.memory_space<hbm>> -> memref<63x256xf32, #tpu.memory_space<hbm>>
        tpu.enqueue_dma source(%dma_start3A_1374 : memref<63x256xf32, #tpu.memory_space<hbm>>) target(%arg16 : memref<63x256xf32, #tpu.memory_space<vmem>>) target_semaphore(%arg24 : memref<!tpu.dma_semaphore, #tpu.memory_space<semaphore_mem>>)
        %dma_start3A_1375 = arith.constant 0 : i32
        %dma_start3A_1376 = tpu.memref_slice %arg4[%dma_start3A_1375, %add3A_1370] : memref<64x1000000xf32, #tpu.memory_space<hbm>> -> memref<8x256xf32, #tpu.memory_space<hbm>>
        %dma_start3A_1377 = arith.constant 0 : i32
        %dma_start3A_1378 = tpu.memref_slice %arg4[%dma_start3A_1377, %add3A_1370] : memref<64x1000000xf32, #tpu.memory_space<hbm>> -> memref<8x256xf32, #tpu.memory_space<hbm>>
        tpu.enqueue_dma source(%dma_start3A_1378 : memref<8x256xf32, #tpu.memory_space<hbm>>) target(%arg12 : memref<8x256xf32, #tpu.memory_space<vmem>>) target_semaphore(%arg24 : memref<!tpu.dma_semaphore, #tpu.memory_space<semaphore_mem>>)
      } else {
      }
      %add3A_916 = arith.constant 2 : i32
      %add3A_917 = arith.addi %mul3A_529, %add3A_916 : i32
      %dma_wait3A_918 = arith.constant 0 : i32
      %dma_wait3A_919 = arith.constant 0 : i32
      %dma_wait3A_920 = tpu.memref_slice %arg5[%dma_wait3A_918, %dma_wait3A_919] : memref<63x1000000xf32, #tpu.memory_space<hbm>> -> memref<63x256xf32, #tpu.memory_space<hbm>>
      %dma_wait3A_921 = arith.constant 0 : i32
      %dma_wait3A_922 = arith.constant 0 : i32
      %dma_wait3A_923 = tpu.memref_slice %arg5[%dma_wait3A_921, %dma_wait3A_922] : memref<63x1000000xf32, #tpu.memory_space<hbm>> -> memref<63x256xf32, #tpu.memory_space<hbm>>
      tpu.wait_dma2 semaphore(%arg23 : memref<!tpu.dma_semaphore, #tpu.memory_space<semaphore_mem>>) src(%dma_wait3A_923 : memref<63x256xf32, #tpu.memory_space<hbm>>) dst(%arg15 : memref<63x256xf32, #tpu.memory_space<vmem>>)
      %dma_wait3A_924 = arith.constant 0 : i32
      %dma_wait3A_925 = arith.constant 0 : i32
      %dma_wait3A_926 = tpu.memref_slice %arg4[%dma_wait3A_924, %dma_wait3A_925] : memref<64x1000000xf32, #tpu.memory_space<hbm>> -> memref<8x256xf32, #tpu.memory_space<hbm>>
      %dma_wait3A_927 = arith.constant 0 : i32
      %dma_wait3A_928 = arith.constant 0 : i32
      %dma_wait3A_929 = tpu.memref_slice %arg4[%dma_wait3A_927, %dma_wait3A_928] : memref<64x1000000xf32, #tpu.memory_space<hbm>> -> memref<8x256xf32, #tpu.memory_space<hbm>>
      tpu.wait_dma2 semaphore(%arg23 : memref<!tpu.dma_semaphore, #tpu.memory_space<semaphore_mem>>) src(%dma_wait3A_929 : memref<8x256xf32, #tpu.memory_space<hbm>>) dst(%arg11 : memref<8x256xf32, #tpu.memory_space<vmem>>)
      %get3A_930 = arith.constant 0 : i32
      %get3A_931 = arith.index_cast %get3A_930 : i32 to index
      %get3A_932 = arith.constant 0 : index
      %get3A_933 = tpu.vector_load %arg11[%get3A_931, %get3A_932] {strides = array<i32>} : memref<8x256xf32, #tpu.memory_space<vmem>>, vector<16xf32>,
      %swap3A_934 = arith.constant 0 : i32
      %swap3A_935 = arith.index_cast %swap3A_934 : i32 to index
      %swap3A_936 = arith.constant 0 : index
      %swap3A_937 = tpu.vector_load %arg19[%swap3A_935, %swap3A_936] {strides = array<i32>} : memref<1x256xf32, #tpu.memory_space<vmem>>, vector<16xf32>,
      tpu.vector_store %arg19[%swap3A_935, %swap3A_936], %get3A_933 {strides = array<i32>} : memref<1x256xf32, #tpu.memory_space<vmem>>, vector<16xf32>,
      %get3A_938 = arith.constant 0 : i32
      %get3A_939 = arith.index_cast %get3A_938 : i32 to index
      %get3A_940 = arith.constant 16 : index
      %get3A_941 = tpu.vector_load %arg11[%get3A_939, %get3A_940] {strides = array<i32>} : memref<8x256xf32, #tpu.memory_space<vmem>>, vector<16xf32>,
      %swap3A_942 = arith.constant 0 : i32
      %swap3A_943 = arith.index_cast %swap3A_942 : i32 to index
      %swap3A_944 = arith.constant 16 : index
      %swap3A_945 = tpu.vector_load %arg19[%swap3A_943, %swap3A_944] {strides = array<i32>} : memref<1x256xf32, #tpu.memory_space<vmem>>, vector<16xf32>,
      tpu.vector_store %arg19[%swap3A_943, %swap3A_944], %get3A_941 {strides = array<i32>} : memref<1x256xf32, #tpu.memory_space<vmem>>, vector<16xf32>,
      %get3A_946 = arith.constant 0 : i32
      %get3A_947 = arith.index_cast %get3A_946 : i32 to index
      %get3A_948 = arith.constant 32 : index
      %get3A_949 = tpu.vector_load %arg11[%get3A_947, %get3A_948] {strides = array<i32>} : memref<8x256xf32, #tpu.memory_space<vmem>>, vector<16xf32>,
      %swap3A_950 = arith.constant 0 : i32
      %swap3A_951 = arith.index_cast %swap3A_950 : i32 to index
      %swap3A_952 = arith.constant 32 : index
      %swap3A_953 = tpu.vector_load %arg19[%swap3A_951, %swap3A_952] {strides = array<i32>} : memref<1x256xf32, #tpu.memory_space<vmem>>, vector<16xf32>,
      tpu.vector_store %arg19[%swap3A_951, %swap3A_952], %get3A_949 {strides = array<i32>} : memref<1x256xf32, #tpu.memory_space<vmem>>, vector<16xf32>,
      %get3A_954 = arith.constant 0 : i32
      %get3A_955 = arith.index_cast %get3A_954 : i32 to index
      %get3A_956 = arith.constant 48 : index
      %get3A_957 = tpu.vector_load %arg11[%get3A_955, %get3A_956] {strides = array<i32>} : memref<8x256xf32, #tpu.memory_space<vmem>>, vector<16xf32>,
      %swap3A_958 = arith.constant 0 : i32
      %swap3A_959 = arith.index_cast %swap3A_958 : i32 to index
      %swap3A_960 = arith.constant 48 : index
      %swap3A_961 = tpu.vector_load %arg19[%swap3A_959, %swap3A_960] {strides = array<i32>} : memref<1x256xf32, #tpu.memory_space<vmem>>, vector<16xf32>,
      tpu.vector_store %arg19[%swap3A_959, %swap3A_960], %get3A_957 {strides = array<i32>} : memref<1x256xf32, #tpu.memory_space<vmem>>, vector<16xf32>,
      %get3A_962 = arith.constant 0 : i32
      %get3A_963 = arith.index_cast %get3A_962 : i32 to index
      %get3A_964 = arith.constant 64 : index
      %get3A_965 = tpu.vector_load %arg11[%get3A_963, %get3A_964] {strides = array<i32>} : memref<8x256xf32, #tpu.memory_space<vmem>>, vector<16xf32>,
      %swap3A_966 = arith.constant 0 : i32
      %swap3A_967 = arith.index_cast %swap3A_966 : i32 to index
      %swap3A_968 = arith.constant 64 : index
      %swap3A_969 = tpu.vector_load %arg19[%swap3A_967, %swap3A_968] {strides = array<i32>} : memref<1x256xf32, #tpu.memory_space<vmem>>, vector<16xf32>,
      tpu.vector_store %arg19[%swap3A_967, %swap3A_968], %get3A_965 {strides = array<i32>} : memref<1x256xf32, #tpu.memory_space<vmem>>, vector<16xf32>,
      %get3A_970 = arith.constant 0 : i32
      %get3A_971 = arith.index_cast %get3A_970 : i32 to index
      %get3A_972 = arith.constant 80 : index
      %get3A_973 = tpu.vector_load %arg11[%get3A_971, %get3A_972] {strides = array<i32>} : memref<8x256xf32, #tpu.memory_space<vmem>>, vector<16xf32>,
      %swap3A_974 = arith.constant 0 : i32
      %swap3A_975 = arith.index_cast %swap3A_974 : i32 to index
      %swap3A_976 = arith.constant 80 : index
      %swap3A_977 = tpu.vector_load %arg19[%swap3A_975, %swap3A_976] {strides = array<i32>} : memref<1x256xf32, #tpu.memory_space<vmem>>, vector<16xf32>,
      tpu.vector_store %arg19[%swap3A_975, %swap3A_976], %get3A_973 {strides = array<i32>} : memref<1x256xf32, #tpu.memory_space<vmem>>, vector<16xf32>,
      %get3A_978 = arith.constant 0 : i32
      %get3A_979 = arith.index_cast %get3A_978 : i32 to index
      %get3A_980 = arith.constant 96 : index
      %get3A_981 = tpu.vector_load %arg11[%get3A_979, %get3A_980] {strides = array<i32>} : memref<8x256xf32, #tpu.memory_space<vmem>>, vector<16xf32>,
      %swap3A_982 = arith.constant 0 : i32
      %swap3A_983 = arith.index_cast %swap3A_982 : i32 to index
      %swap3A_984 = arith.constant 96 : index
      %swap3A_985 = tpu.vector_load %arg19[%swap3A_983, %swap3A_984] {strides = array<i32>} : memref<1x256xf32, #tpu.memory_space<vmem>>, vector<16xf32>,
      tpu.vector_store %arg19[%swap3A_983, %swap3A_984], %get3A_981 {strides = array<i32>} : memref<1x256xf32, #tpu.memory_space<vmem>>, vector<16xf32>,
      %get3A_986 = arith.constant 0 : i32
      %get3A_987 = arith.index_cast %get3A_986 : i32 to index
      %get3A_988 = arith.constant 112 : index
      %get3A_989 = tpu.vector_load %arg11[%get3A_987, %get3A_988] {strides = array<i32>} : memref<8x256xf32, #tpu.memory_space<vmem>>, vector<16xf32>,
      %swap3A_990 = arith.constant 0 : i32
      %swap3A_991 = arith.index_cast %swap3A_990 : i32 to index
      %swap3A_992 = arith.constant 112 : index
      %swap3A_993 = tpu.vector_load %arg19[%swap3A_991, %swap3A_992] {strides = array<i32>} : memref<1x256xf32, #tpu.memory_space<vmem>>, vector<16xf32>,
      tpu.vector_store %arg19[%swap3A_991, %swap3A_992], %get3A_989 {strides = array<i32>} : memref<1x256xf32, #tpu.memory_space<vmem>>, vector<16xf32>,
      %get3A_994 = arith.constant 0 : i32
      %get3A_995 = arith.index_cast %get3A_994 : i32 to index
      %get3A_996 = arith.constant 128 : index
      %get3A_997 = tpu.vector_load %arg11[%get3A_995, %get3A_996] {strides = array<i32>} : memref<8x256xf32, #tpu.memory_space<vmem>>, vector<16xf32>,
      %swap3A_998 = arith.constant 0 : i32
      %swap3A_999 = arith.index_cast %swap3A_998 : i32 to index
      %swap3A_1000 = arith.constant 128 : index
      %swap3A_1001 = tpu.vector_load %arg19[%swap3A_999, %swap3A_1000] {strides = array<i32>} : memref<1x256xf32, #tpu.memory_space<vmem>>, vector<16xf32>,
      tpu.vector_store %arg19[%swap3A_999, %swap3A_1000], %get3A_997 {strides = array<i32>} : memref<1x256xf32, #tpu.memory_space<vmem>>, vector<16xf32>,
      %get3A_1002 = arith.constant 0 : i32
      %get3A_1003 = arith.index_cast %get3A_1002 : i32 to index
      %get3A_1004 = arith.constant 144 : index
      %get3A_1005 = tpu.vector_load %arg11[%get3A_1003, %get3A_1004] {strides = array<i32>} : memref<8x256xf32, #tpu.memory_space<vmem>>, vector<16xf32>,
      %swap3A_1006 = arith.constant 0 : i32
      %swap3A_1007 = arith.index_cast %swap3A_1006 : i32 to index
      %swap3A_1008 = arith.constant 144 : index
      %swap3A_1009 = tpu.vector_load %arg19[%swap3A_1007, %swap3A_1008] {strides = array<i32>} : memref<1x256xf32, #tpu.memory_space<vmem>>, vector<16xf32>,
      tpu.vector_store %arg19[%swap3A_1007, %swap3A_1008], %get3A_1005 {strides = array<i32>} : memref<1x256xf32, #tpu.memory_space<vmem>>, vector<16xf32>,
      %get3A_1010 = arith.constant 0 : i32
      %get3A_1011 = arith.index_cast %get3A_1010 : i32 to index
      %get3A_1012 = arith.constant 160 : index
      %get3A_1013 = tpu.vector_load %arg11[%get3A_1011, %get3A_1012] {strides = array<i32>} : memref<8x256xf32, #tpu.memory_space<vmem>>, vector<16xf32>,
      %swap3A_1014 = arith.constant 0 : i32
      %swap3A_1015 = arith.index_cast %swap3A_1014 : i32 to index
      %swap3A_1016 = arith.constant 160 : index
      %swap3A_1017 = tpu.vector_load %arg19[%swap3A_1015, %swap3A_1016] {strides = array<i32>} : memref<1x256xf32, #tpu.memory_space<vmem>>, vector<16xf32>,
      tpu.vector_store %arg19[%swap3A_1015, %swap3A_1016], %get3A_1013 {strides = array<i32>} : memref<1x256xf32, #tpu.memory_space<vmem>>, vector<16xf32>,
      %get3A_1018 = arith.constant 0 : i32
      %get3A_1019 = arith.index_cast %get3A_1018 : i32 to index
      %get3A_1020 = arith.constant 176 : index
      %get3A_1021 = tpu.vector_load %arg11[%get3A_1019, %get3A_1020] {strides = array<i32>} : memref<8x256xf32, #tpu.memory_space<vmem>>, vector<16xf32>,
      %swap3A_1022 = arith.constant 0 : i32
      %swap3A_1023 = arith.index_cast %swap3A_1022 : i32 to index
      %swap3A_1024 = arith.constant 176 : index
      %swap3A_1025 = tpu.vector_load %arg19[%swap3A_1023, %swap3A_1024] {strides = array<i32>} : memref<1x256xf32, #tpu.memory_space<vmem>>, vector<16xf32>,
      tpu.vector_store %arg19[%swap3A_1023, %swap3A_1024], %get3A_1021 {strides = array<i32>} : memref<1x256xf32, #tpu.memory_space<vmem>>, vector<16xf32>,
      %get3A_1026 = arith.constant 0 : i32
      %get3A_1027 = arith.index_cast %get3A_1026 : i32 to index
      %get3A_1028 = arith.constant 192 : index
      %get3A_1029 = tpu.vector_load %arg11[%get3A_1027, %get3A_1028] {strides = array<i32>} : memref<8x256xf32, #tpu.memory_space<vmem>>, vector<16xf32>,
      %swap3A_1030 = arith.constant 0 : i32
      %swap3A_1031 = arith.index_cast %swap3A_1030 : i32 to index
      %swap3A_1032 = arith.constant 192 : index
      %swap3A_1033 = tpu.vector_load %arg19[%swap3A_1031, %swap3A_1032] {strides = array<i32>} : memref<1x256xf32, #tpu.memory_space<vmem>>, vector<16xf32>,
      tpu.vector_store %arg19[%swap3A_1031, %swap3A_1032], %get3A_1029 {strides = array<i32>} : memref<1x256xf32, #tpu.memory_space<vmem>>, vector<16xf32>,
      %get3A_1034 = arith.constant 0 : i32
      %get3A_1035 = arith.index_cast %get3A_1034 : i32 to index
      %get3A_1036 = arith.constant 208 : index
      %get3A_1037 = tpu.vector_load %arg11[%get3A_1035, %get3A_1036] {strides = array<i32>} : memref<8x256xf32, #tpu.memory_space<vmem>>, vector<16xf32>,
      %swap3A_1038 = arith.constant 0 : i32
      %swap3A_1039 = arith.index_cast %swap3A_1038 : i32 to index
      %swap3A_1040 = arith.constant 208 : index
      %swap3A_1041 = tpu.vector_load %arg19[%swap3A_1039, %swap3A_1040] {strides = array<i32>} : memref<1x256xf32, #tpu.memory_space<vmem>>, vector<16xf32>,
      tpu.vector_store %arg19[%swap3A_1039, %swap3A_1040], %get3A_1037 {strides = array<i32>} : memref<1x256xf32, #tpu.memory_space<vmem>>, vector<16xf32>,
      %get3A_1042 = arith.constant 0 : i32
      %get3A_1043 = arith.index_cast %get3A_1042 : i32 to index
      %get3A_1044 = arith.constant 224 : index
      %get3A_1045 = tpu.vector_load %arg11[%get3A_1043, %get3A_1044] {strides = array<i32>} : memref<8x256xf32, #tpu.memory_space<vmem>>, vector<16xf32>,
      %swap3A_1046 = arith.constant 0 : i32
      %swap3A_1047 = arith.index_cast %swap3A_1046 : i32 to index
      %swap3A_1048 = arith.constant 224 : index
      %swap3A_1049 = tpu.vector_load %arg19[%swap3A_1047, %swap3A_1048] {strides = array<i32>} : memref<1x256xf32, #tpu.memory_space<vmem>>, vector<16xf32>,
      tpu.vector_store %arg19[%swap3A_1047, %swap3A_1048], %get3A_1045 {strides = array<i32>} : memref<1x256xf32, #tpu.memory_space<vmem>>, vector<16xf32>,
      %get3A_1050 = arith.constant 0 : i32
      %get3A_1051 = arith.index_cast %get3A_1050 : i32 to index
      %get3A_1052 = arith.constant 240 : index
      %get3A_1053 = tpu.vector_load %arg11[%get3A_1051, %get3A_1052] {strides = array<i32>} : memref<8x256xf32, #tpu.memory_space<vmem>>, vector<16xf32>,
      %swap3A_1054 = arith.constant 0 : i32
      %swap3A_1055 = arith.index_cast %swap3A_1054 : i32 to index
      %swap3A_1056 = arith.constant 240 : index
      %swap3A_1057 = tpu.vector_load %arg19[%swap3A_1055, %swap3A_1056] {strides = array<i32>} : memref<1x256xf32, #tpu.memory_space<vmem>>, vector<16xf32>,
      tpu.vector_store %arg19[%swap3A_1055, %swap3A_1056], %get3A_1053 {strides = array<i32>} : memref<1x256xf32, #tpu.memory_space<vmem>>, vector<16xf32>,
      %mul3A_1058 = arith.constant 256 : i32
      %mul3A_1059 = arith.muli %add3A_917, %mul3A_1058 : i32
      %add3A_1060 = arith.addi %mul3A_2, %mul3A_1059 : i32
      %add3A_1061 = arith.constant 0 : i32
      %add3A_1062 = arith.addi %add3A_1060, %add3A_1061 : i32
      %dma_start3A_1063 = arith.constant 0 : i32
      %dma_start3A_1064 = arith.constant 0 : i32
      %dma_start3A_1065 = arith.constant 0 : i32
      %dma_start3A_1066 = tpu.memref_slice %arg15[%dma_start3A_1064, %dma_start3A_1065] : memref<63x256xf32, #tpu.memory_space<vmem>> -> memref<63x128xf32, #tpu.memory_space<vmem>>
      %dma_start3A_1067 = arith.constant 0 : i32
      %dma_start3A_1068 = tpu.memref_slice %arg7[%dma_start3A_1063, %dma_start3A_1067] : memref<1x63xi32, #tpu.memory_space<vmem>> -> memref<1x63xi32, #tpu.memory_space<vmem>>
      %dma_start3A_1069 = tpu.memref_squeeze %dma_start3A_1068 : memref<1x63xi32, #tpu.memory_space<vmem>> -> memref<63xi32, #tpu.memory_space<vmem>>
      %dma_start3A_1070 = arith.constant 0 : i32
      %dma_start3A_1071 = tpu.memref_slice %arg6[%dma_start3A_1070, %add3A_1062] : memref<64x1000000xf32, #tpu.memory_space<hbm>> -> memref<64x128xf32, #tpu.memory_space<hbm>>
      %dma_start3A_1072 = arith.constant 0 : i32
      %dma_start3A_1073 = arith.constant 0 : i32
      %dma_start3A_1074 = tpu.memref_slice %dma_start3A_1071[%dma_start3A_1072, %dma_start3A_1073] : memref<64x128xf32, #tpu.memory_space<hbm>> -> memref<64x128xf32, #tpu.memory_space<hbm>>
      tpu.enqueue_indirect_dma source(%dma_start3A_1066 : memref<63x128xf32, #tpu.memory_space<vmem>>) target(%dma_start3A_1074 : memref<64x128xf32, #tpu.memory_space<hbm>>) offsets(%dma_start3A_1069 : memref<63xi32, #tpu.memory_space<vmem>>) semaphore(%arg27 : memref<!tpu.dma_semaphore, #tpu.memory_space<semaphore_mem>>)
      %add3A_1075 = arith.constant 128 : i32
      %add3A_1076 = arith.addi %add3A_1060, %add3A_1075 : i32
      %dma_start3A_1077 = arith.constant 0 : i32
      %dma_start3A_1078 = arith.constant 0 : i32
      %dma_start3A_1079 = arith.constant 128 : i32
      %dma_start3A_1080 = tpu.memref_slice %arg15[%dma_start3A_1078, %dma_start3A_1079] : memref<63x256xf32, #tpu.memory_space<vmem>> -> memref<63x128xf32, #tpu.memory_space<vmem>>
      %dma_start3A_1081 = arith.constant 0 : i32
      %dma_start3A_1082 = tpu.memref_slice %arg7[%dma_start3A_1077, %dma_start3A_1081] : memref<1x63xi32, #tpu.memory_space<vmem>> -> memref<1x63xi32, #tpu.memory_space<vmem>>
      %dma_start3A_1083 = tpu.memref_squeeze %dma_start3A_1082 : memref<1x63xi32, #tpu.memory_space<vmem>> -> memref<63xi32, #tpu.memory_space<vmem>>
      %dma_start3A_1084 = arith.constant 0 : i32
      %dma_start3A_1085 = tpu.memref_slice %arg6[%dma_start3A_1084, %add3A_1076] : memref<64x1000000xf32, #tpu.memory_space<hbm>> -> memref<64x128xf32, #tpu.memory_space<hbm>>
      %dma_start3A_1086 = arith.constant 0 : i32
      %dma_start3A_1087 = arith.constant 0 : i32
      %dma_start3A_1088 = tpu.memref_slice %dma_start3A_1085[%dma_start3A_1086, %dma_start3A_1087] : memref<64x128xf32, #tpu.memory_space<hbm>> -> memref<64x128xf32, #tpu.memory_space<hbm>>
      tpu.enqueue_indirect_dma source(%dma_start3A_1080 : memref<63x128xf32, #tpu.memory_space<vmem>>) target(%dma_start3A_1088 : memref<64x128xf32, #tpu.memory_space<hbm>>) offsets(%dma_start3A_1083 : memref<63xi32, #tpu.memory_space<vmem>>) semaphore(%arg27 : memref<!tpu.dma_semaphore, #tpu.memory_space<semaphore_mem>>)
      %dma_start3A_1089 = arith.constant 0 : i32
      %dma_start3A_1090 = arith.constant 0 : i32
      %dma_start3A_1091 = tpu.memref_slice %arg8[%dma_start3A_1089, %dma_start3A_1090] : memref<1x1xi32, #tpu.memory_space<vmem>> -> memref<1x1xi32, #tpu.memory_space<vmem>>
      %dma_start3A_1092 = tpu.memref_squeeze %dma_start3A_1091 : memref<1x1xi32, #tpu.memory_space<vmem>> -> memref<1xi32, #tpu.memory_space<vmem>>
      %dma_start3A_1093 = arith.constant 0 : i32
      %dma_start3A_1094 = tpu.memref_slice %arg6[%dma_start3A_1093, %add3A_1060] : memref<64x1000000xf32, #tpu.memory_space<hbm>> -> memref<64x256xf32, #tpu.memory_space<hbm>>
      %dma_start3A_1095 = arith.constant 0 : i32
      %dma_start3A_1096 = arith.constant 0 : i32
      %dma_start3A_1097 = tpu.memref_slice %dma_start3A_1094[%dma_start3A_1095, %dma_start3A_1096] : memref<64x256xf32, #tpu.memory_space<hbm>> -> memref<64x256xf32, #tpu.memory_space<hbm>>
      tpu.enqueue_indirect_dma source(%arg19 : memref<1x256xf32, #tpu.memory_space<vmem>>) target(%dma_start3A_1097 : memref<64x256xf32, #tpu.memory_space<hbm>>) offsets(%dma_start3A_1092 : memref<1xi32, #tpu.memory_space<vmem>>) semaphore(%arg27 : memref<!tpu.dma_semaphore, #tpu.memory_space<semaphore_mem>>)
      %dma_wait3A_1098 = arith.constant 0 : i32
      %dma_wait3A_1099 = arith.constant 0 : i32
      %dma_wait3A_1100 = arith.constant 0 : i32
      %dma_wait3A_1101 = tpu.memref_slice %arg13[%dma_wait3A_1099, %dma_wait3A_1100] : memref<63x256xf32, #tpu.memory_space<vmem>> -> memref<63x128xf32, #tpu.memory_space<vmem>>
      %dma_wait3A_1102 = arith.constant 0 : i32
      %dma_wait3A_1103 = tpu.memref_slice %arg7[%dma_wait3A_1098, %dma_wait3A_1102] : memref<1x63xi32, #tpu.memory_space<vmem>> -> memref<1x63xi32, #tpu.memory_space<vmem>>
      %dma_wait3A_1104 = tpu.memref_squeeze %dma_wait3A_1103 : memref<1x63xi32, #tpu.memory_space<vmem>> -> memref<63xi32, #tpu.memory_space<vmem>>
      %dma_wait3A_1105 = arith.constant 0 : i32
      %dma_wait3A_1106 = arith.constant 0 : i32
      %dma_wait3A_1107 = tpu.memref_slice %arg6[%dma_wait3A_1105, %dma_wait3A_1106] : memref<64x1000000xf32, #tpu.memory_space<hbm>> -> memref<64x128xf32, #tpu.memory_space<hbm>>
      %dma_wait3A_1108 = arith.constant 0 : i32
      %dma_wait3A_1109 = arith.constant 0 : i32
      %dma_wait3A_1110 = tpu.memref_slice %dma_wait3A_1107[%dma_wait3A_1108, %dma_wait3A_1109] : memref<64x128xf32, #tpu.memory_space<hbm>> -> memref<64x128xf32, #tpu.memory_space<hbm>>
      tpu.wait_indirect_dma semaphore(%arg25 : memref<!tpu.dma_semaphore, #tpu.memory_space<semaphore_mem>>) src(%dma_wait3A_1101 : memref<63x128xf32, #tpu.memory_space<vmem>>) dst(%dma_wait3A_1110 : memref<64x128xf32, #tpu.memory_space<hbm>>)
      %dma_wait3A_1111 = arith.constant 0 : i32
      %dma_wait3A_1112 = arith.constant 0 : i32
      %dma_wait3A_1113 = arith.constant 128 : i32
      %dma_wait3A_1114 = tpu.memref_slice %arg13[%dma_wait3A_1112, %dma_wait3A_1113] : memref<63x256xf32, #tpu.memory_space<vmem>> -> memref<63x128xf32, #tpu.memory_space<vmem>>
      %dma_wait3A_1115 = arith.constant 0 : i32
      %dma_wait3A_1116 = tpu.memref_slice %arg7[%dma_wait3A_1111, %dma_wait3A_1115] : memref<1x63xi32, #tpu.memory_space<vmem>> -> memref<1x63xi32, #tpu.memory_space<vmem>>
      %dma_wait3A_1117 = tpu.memref_squeeze %dma_wait3A_1116 : memref<1x63xi32, #tpu.memory_space<vmem>> -> memref<63xi32, #tpu.memory_space<vmem>>
      %dma_wait3A_1118 = arith.constant 0 : i32
      %dma_wait3A_1119 = arith.constant 128 : i32
      %dma_wait3A_1120 = tpu.memref_slice %arg6[%dma_wait3A_1118, %dma_wait3A_1119] : memref<64x1000000xf32, #tpu.memory_space<hbm>> -> memref<64x128xf32, #tpu.memory_space<hbm>>
      %dma_wait3A_1121 = arith.constant 0 : i32
      %dma_wait3A_1122 = arith.constant 0 : i32
      %dma_wait3A_1123 = tpu.memref_slice %dma_wait3A_1120[%dma_wait3A_1121, %dma_wait3A_1122] : memref<64x128xf32, #tpu.memory_space<hbm>> -> memref<64x128xf32, #tpu.memory_space<hbm>>
      tpu.wait_indirect_dma semaphore(%arg25 : memref<!tpu.dma_semaphore, #tpu.memory_space<semaphore_mem>>) src(%dma_wait3A_1114 : memref<63x128xf32, #tpu.memory_space<vmem>>) dst(%dma_wait3A_1123 : memref<64x128xf32, #tpu.memory_space<hbm>>)
      %dma_wait3A_1124 = arith.constant 0 : i32
      %dma_wait3A_1125 = arith.constant 0 : i32
      %dma_wait3A_1126 = tpu.memref_slice %arg8[%dma_wait3A_1124, %dma_wait3A_1125] : memref<1x1xi32, #tpu.memory_space<vmem>> -> memref<1x1xi32, #tpu.memory_space<vmem>>
      %dma_wait3A_1127 = tpu.memref_squeeze %dma_wait3A_1126 : memref<1x1xi32, #tpu.memory_space<vmem>> -> memref<1xi32, #tpu.memory_space<vmem>>
      %dma_wait3A_1128 = arith.constant 0 : i32
      %dma_wait3A_1129 = arith.constant 0 : i32
      %dma_wait3A_1130 = tpu.memref_slice %arg6[%dma_wait3A_1128, %dma_wait3A_1129] : memref<64x1000000xf32, #tpu.memory_space<hbm>> -> memref<64x256xf32, #tpu.memory_space<hbm>>
      %dma_wait3A_1131 = arith.constant 0 : i32
      %dma_wait3A_1132 = arith.constant 0 : i32
      %dma_wait3A_1133 = tpu.memref_slice %dma_wait3A_1130[%dma_wait3A_1131, %dma_wait3A_1132] : memref<64x256xf32, #tpu.memory_space<hbm>> -> memref<64x256xf32, #tpu.memory_space<hbm>>
      tpu.wait_indirect_dma semaphore(%arg25 : memref<!tpu.dma_semaphore, #tpu.memory_space<semaphore_mem>>) src(%arg17 : memref<1x256xf32, #tpu.memory_space<vmem>>) dst(%dma_wait3A_1133 : memref<64x256xf32, #tpu.memory_space<hbm>>)
      %add3A_1134 = arith.constant 2 : i32
      %add3A_1135 = arith.addi %add3A_917, %add3A_1134 : i32
      %lt3A_1136 = arith.constant 122 : i32
      %lt3A_1137 = arith.cmpi slt, %add3A_1135, %lt3A_1136 : i32
      %convert_element_type3A_1138 = arith.extui %lt3A_1137 : i1 to i32
      %cond3A_1139 = arith.constant 0 : i32
      %cond3A_1140 = arith.cmpi ne, %convert_element_type3A_1138, %cond3A_1139 : i32
      scf.if %cond3A_1140 {
        %add3A_1366 = arith.constant 2 : i32
        %add3A_1367 = arith.addi %add3A_917, %add3A_1366 : i32
        %mul3A_1368 = arith.constant 256 : i32
        %mul3A_1369 = arith.muli %add3A_1367, %mul3A_1368 : i32
        %add3A_1370 = arith.addi %mul3A_2, %mul3A_1369 : i32
        %dma_start3A_1371 = arith.constant 0 : i32
        %dma_start3A_1372 = tpu.memref_slice %arg5[%dma_start3A_1371, %add3A_1370] : memref<63x1000000xf32, #tpu.memory_space<hbm>> -> memref<63x256xf32, #tpu.memory_space<hbm>>
        %dma_start3A_1373 = arith.constant 0 : i32
        %dma_start3A_1374 = tpu.memref_slice %arg5[%dma_start3A_1373, %add3A_1370] : memref<63x1000000xf32, #tpu.memory_space<hbm>> -> memref<63x256xf32, #tpu.memory_space<hbm>>
        tpu.enqueue_dma source(%dma_start3A_1374 : memref<63x256xf32, #tpu.memory_space<hbm>>) target(%arg13 : memref<63x256xf32, #tpu.memory_space<vmem>>) target_semaphore(%arg21 : memref<!tpu.dma_semaphore, #tpu.memory_space<semaphore_mem>>)
        %dma_start3A_1375 = arith.constant 0 : i32
        %dma_start3A_1376 = tpu.memref_slice %arg4[%dma_start3A_1375, %add3A_1370] : memref<64x1000000xf32, #tpu.memory_space<hbm>> -> memref<8x256xf32, #tpu.memory_space<hbm>>
        %dma_start3A_1377 = arith.constant 0 : i32
        %dma_start3A_1378 = tpu.memref_slice %arg4[%dma_start3A_1377, %add3A_1370] : memref<64x1000000xf32, #tpu.memory_space<hbm>> -> memref<8x256xf32, #tpu.memory_space<hbm>>
        tpu.enqueue_dma source(%dma_start3A_1378 : memref<8x256xf32, #tpu.memory_space<hbm>>) target(%arg9 : memref<8x256xf32, #tpu.memory_space<vmem>>) target_semaphore(%arg21 : memref<!tpu.dma_semaphore, #tpu.memory_space<semaphore_mem>>)
      } else {
      }
      %add3A_1141 = arith.constant 3 : i32
      %add3A_1142 = arith.addi %mul3A_529, %add3A_1141 : i32
      %dma_wait3A_1143 = arith.constant 0 : i32
      %dma_wait3A_1144 = arith.constant 0 : i32
      %dma_wait3A_1145 = tpu.memref_slice %arg5[%dma_wait3A_1143, %dma_wait3A_1144] : memref<63x1000000xf32, #tpu.memory_space<hbm>> -> memref<63x256xf32, #tpu.memory_space<hbm>>
      %dma_wait3A_1146 = arith.constant 0 : i32
      %dma_wait3A_1147 = arith.constant 0 : i32
      %dma_wait3A_1148 = tpu.memref_slice %arg5[%dma_wait3A_1146, %dma_wait3A_1147] : memref<63x1000000xf32, #tpu.memory_space<hbm>> -> memref<63x256xf32, #tpu.memory_space<hbm>>
      tpu.wait_dma2 semaphore(%arg24 : memref<!tpu.dma_semaphore, #tpu.memory_space<semaphore_mem>>) src(%dma_wait3A_1148 : memref<63x256xf32, #tpu.memory_space<hbm>>) dst(%arg16 : memref<63x256xf32, #tpu.memory_space<vmem>>)
      %dma_wait3A_1149 = arith.constant 0 : i32
      %dma_wait3A_1150 = arith.constant 0 : i32
      %dma_wait3A_1151 = tpu.memref_slice %arg4[%dma_wait3A_1149, %dma_wait3A_1150] : memref<64x1000000xf32, #tpu.memory_space<hbm>> -> memref<8x256xf32, #tpu.memory_space<hbm>>
      %dma_wait3A_1152 = arith.constant 0 : i32
      %dma_wait3A_1153 = arith.constant 0 : i32
      %dma_wait3A_1154 = tpu.memref_slice %arg4[%dma_wait3A_1152, %dma_wait3A_1153] : memref<64x1000000xf32, #tpu.memory_space<hbm>> -> memref<8x256xf32, #tpu.memory_space<hbm>>
      tpu.wait_dma2 semaphore(%arg24 : memref<!tpu.dma_semaphore, #tpu.memory_space<semaphore_mem>>) src(%dma_wait3A_1154 : memref<8x256xf32, #tpu.memory_space<hbm>>) dst(%arg12 : memref<8x256xf32, #tpu.memory_space<vmem>>)
      %get3A_1155 = arith.constant 0 : i32
      %get3A_1156 = arith.index_cast %get3A_1155 : i32 to index
      %get3A_1157 = arith.constant 0 : index
      %get3A_1158 = tpu.vector_load %arg12[%get3A_1156, %get3A_1157] {strides = array<i32>} : memref<8x256xf32, #tpu.memory_space<vmem>>, vector<16xf32>,
      %swap3A_1159 = arith.constant 0 : i32
      %swap3A_1160 = arith.index_cast %swap3A_1159 : i32 to index
      %swap3A_1161 = arith.constant 0 : index
      %swap3A_1162 = tpu.vector_load %arg20[%swap3A_1160, %swap3A_1161] {strides = array<i32>} : memref<1x256xf32, #tpu.memory_space<vmem>>, vector<16xf32>,
      tpu.vector_store %arg20[%swap3A_1160, %swap3A_1161], %get3A_1158 {strides = array<i32>} : memref<1x256xf32, #tpu.memory_space<vmem>>, vector<16xf32>,
      %get3A_1163 = arith.constant 0 : i32
      %get3A_1164 = arith.index_cast %get3A_1163 : i32 to index
      %get3A_1165 = arith.constant 16 : index
      %get3A_1166 = tpu.vector_load %arg12[%get3A_1164, %get3A_1165] {strides = array<i32>} : memref<8x256xf32, #tpu.memory_space<vmem>>, vector<16xf32>,
      %swap3A_1167 = arith.constant 0 : i32
      %swap3A_1168 = arith.index_cast %swap3A_1167 : i32 to index
      %swap3A_1169 = arith.constant 16 : index
      %swap3A_1170 = tpu.vector_load %arg20[%swap3A_1168, %swap3A_1169] {strides = array<i32>} : memref<1x256xf32, #tpu.memory_space<vmem>>, vector<16xf32>,
      tpu.vector_store %arg20[%swap3A_1168, %swap3A_1169], %get3A_1166 {strides = array<i32>} : memref<1x256xf32, #tpu.memory_space<vmem>>, vector<16xf32>,
      %get3A_1171 = arith.constant 0 : i32
      %get3A_1172 = arith.index_cast %get3A_1171 : i32 to index
      %get3A_1173 = arith.constant 32 : index
      %get3A_1174 = tpu.vector_load %arg12[%get3A_1172, %get3A_1173] {strides = array<i32>} : memref<8x256xf32, #tpu.memory_space<vmem>>, vector<16xf32>,
      %swap3A_1175 = arith.constant 0 : i32
      %swap3A_1176 = arith.index_cast %swap3A_1175 : i32 to index
      %swap3A_1177 = arith.constant 32 : index
      %swap3A_1178 = tpu.vector_load %arg20[%swap3A_1176, %swap3A_1177] {strides = array<i32>} : memref<1x256xf32, #tpu.memory_space<vmem>>, vector<16xf32>,
      tpu.vector_store %arg20[%swap3A_1176, %swap3A_1177], %get3A_1174 {strides = array<i32>} : memref<1x256xf32, #tpu.memory_space<vmem>>, vector<16xf32>,
      %get3A_1179 = arith.constant 0 : i32
      %get3A_1180 = arith.index_cast %get3A_1179 : i32 to index
      %get3A_1181 = arith.constant 48 : index
      %get3A_1182 = tpu.vector_load %arg12[%get3A_1180, %get3A_1181] {strides = array<i32>} : memref<8x256xf32, #tpu.memory_space<vmem>>, vector<16xf32>,
      %swap3A_1183 = arith.constant 0 : i32
      %swap3A_1184 = arith.index_cast %swap3A_1183 : i32 to index
      %swap3A_1185 = arith.constant 48 : index
      %swap3A_1186 = tpu.vector_load %arg20[%swap3A_1184, %swap3A_1185] {strides = array<i32>} : memref<1x256xf32, #tpu.memory_space<vmem>>, vector<16xf32>,
      tpu.vector_store %arg20[%swap3A_1184, %swap3A_1185], %get3A_1182 {strides = array<i32>} : memref<1x256xf32, #tpu.memory_space<vmem>>, vector<16xf32>,
      %get3A_1187 = arith.constant 0 : i32
      %get3A_1188 = arith.index_cast %get3A_1187 : i32 to index
      %get3A_1189 = arith.constant 64 : index
      %get3A_1190 = tpu.vector_load %arg12[%get3A_1188, %get3A_1189] {strides = array<i32>} : memref<8x256xf32, #tpu.memory_space<vmem>>, vector<16xf32>,
      %swap3A_1191 = arith.constant 0 : i32
      %swap3A_1192 = arith.index_cast %swap3A_1191 : i32 to index
      %swap3A_1193 = arith.constant 64 : index
      %swap3A_1194 = tpu.vector_load %arg20[%swap3A_1192, %swap3A_1193] {strides = array<i32>} : memref<1x256xf32, #tpu.memory_space<vmem>>, vector<16xf32>,
      tpu.vector_store %arg20[%swap3A_1192, %swap3A_1193], %get3A_1190 {strides = array<i32>} : memref<1x256xf32, #tpu.memory_space<vmem>>, vector<16xf32>,
      %get3A_1195 = arith.constant 0 : i32
      %get3A_1196 = arith.index_cast %get3A_1195 : i32 to index
      %get3A_1197 = arith.constant 80 : index
      %get3A_1198 = tpu.vector_load %arg12[%get3A_1196, %get3A_1197] {strides = array<i32>} : memref<8x256xf32, #tpu.memory_space<vmem>>, vector<16xf32>,
      %swap3A_1199 = arith.constant 0 : i32
      %swap3A_1200 = arith.index_cast %swap3A_1199 : i32 to index
      %swap3A_1201 = arith.constant 80 : index
      %swap3A_1202 = tpu.vector_load %arg20[%swap3A_1200, %swap3A_1201] {strides = array<i32>} : memref<1x256xf32, #tpu.memory_space<vmem>>, vector<16xf32>,
      tpu.vector_store %arg20[%swap3A_1200, %swap3A_1201], %get3A_1198 {strides = array<i32>} : memref<1x256xf32, #tpu.memory_space<vmem>>, vector<16xf32>,
      %get3A_1203 = arith.constant 0 : i32
      %get3A_1204 = arith.index_cast %get3A_1203 : i32 to index
      %get3A_1205 = arith.constant 96 : index
      %get3A_1206 = tpu.vector_load %arg12[%get3A_1204, %get3A_1205] {strides = array<i32>} : memref<8x256xf32, #tpu.memory_space<vmem>>, vector<16xf32>,
      %swap3A_1207 = arith.constant 0 : i32
      %swap3A_1208 = arith.index_cast %swap3A_1207 : i32 to index
      %swap3A_1209 = arith.constant 96 : index
      %swap3A_1210 = tpu.vector_load %arg20[%swap3A_1208, %swap3A_1209] {strides = array<i32>} : memref<1x256xf32, #tpu.memory_space<vmem>>, vector<16xf32>,
      tpu.vector_store %arg20[%swap3A_1208, %swap3A_1209], %get3A_1206 {strides = array<i32>} : memref<1x256xf32, #tpu.memory_space<vmem>>, vector<16xf32>,
      %get3A_1211 = arith.constant 0 : i32
      %get3A_1212 = arith.index_cast %get3A_1211 : i32 to index
      %get3A_1213 = arith.constant 112 : index
      %get3A_1214 = tpu.vector_load %arg12[%get3A_1212, %get3A_1213] {strides = array<i32>} : memref<8x256xf32, #tpu.memory_space<vmem>>, vector<16xf32>,
      %swap3A_1215 = arith.constant 0 : i32
      %swap3A_1216 = arith.index_cast %swap3A_1215 : i32 to index
      %swap3A_1217 = arith.constant 112 : index
      %swap3A_1218 = tpu.vector_load %arg20[%swap3A_1216, %swap3A_1217] {strides = array<i32>} : memref<1x256xf32, #tpu.memory_space<vmem>>, vector<16xf32>,
      tpu.vector_store %arg20[%swap3A_1216, %swap3A_1217], %get3A_1214 {strides = array<i32>} : memref<1x256xf32, #tpu.memory_space<vmem>>, vector<16xf32>,
      %get3A_1219 = arith.constant 0 : i32
      %get3A_1220 = arith.index_cast %get3A_1219 : i32 to index
      %get3A_1221 = arith.constant 128 : index
      %get3A_1222 = tpu.vector_load %arg12[%get3A_1220, %get3A_1221] {strides = array<i32>} : memref<8x256xf32, #tpu.memory_space<vmem>>, vector<16xf32>,
      %swap3A_1223 = arith.constant 0 : i32
      %swap3A_1224 = arith.index_cast %swap3A_1223 : i32 to index
      %swap3A_1225 = arith.constant 128 : index
      %swap3A_1226 = tpu.vector_load %arg20[%swap3A_1224, %swap3A_1225] {strides = array<i32>} : memref<1x256xf32, #tpu.memory_space<vmem>>, vector<16xf32>,
      tpu.vector_store %arg20[%swap3A_1224, %swap3A_1225], %get3A_1222 {strides = array<i32>} : memref<1x256xf32, #tpu.memory_space<vmem>>, vector<16xf32>,
      %get3A_1227 = arith.constant 0 : i32
      %get3A_1228 = arith.index_cast %get3A_1227 : i32 to index
      %get3A_1229 = arith.constant 144 : index
      %get3A_1230 = tpu.vector_load %arg12[%get3A_1228, %get3A_1229] {strides = array<i32>} : memref<8x256xf32, #tpu.memory_space<vmem>>, vector<16xf32>,
      %swap3A_1231 = arith.constant 0 : i32
      %swap3A_1232 = arith.index_cast %swap3A_1231 : i32 to index
      %swap3A_1233 = arith.constant 144 : index
      %swap3A_1234 = tpu.vector_load %arg20[%swap3A_1232, %swap3A_1233] {strides = array<i32>} : memref<1x256xf32, #tpu.memory_space<vmem>>, vector<16xf32>,
      tpu.vector_store %arg20[%swap3A_1232, %swap3A_1233], %get3A_1230 {strides = array<i32>} : memref<1x256xf32, #tpu.memory_space<vmem>>, vector<16xf32>,
      %get3A_1235 = arith.constant 0 : i32
      %get3A_1236 = arith.index_cast %get3A_1235 : i32 to index
      %get3A_1237 = arith.constant 160 : index
      %get3A_1238 = tpu.vector_load %arg12[%get3A_1236, %get3A_1237] {strides = array<i32>} : memref<8x256xf32, #tpu.memory_space<vmem>>, vector<16xf32>,
      %swap3A_1239 = arith.constant 0 : i32
      %swap3A_1240 = arith.index_cast %swap3A_1239 : i32 to index
      %swap3A_1241 = arith.constant 160 : index
      %swap3A_1242 = tpu.vector_load %arg20[%swap3A_1240, %swap3A_1241] {strides = array<i32>} : memref<1x256xf32, #tpu.memory_space<vmem>>, vector<16xf32>,
      tpu.vector_store %arg20[%swap3A_1240, %swap3A_1241], %get3A_1238 {strides = array<i32>} : memref<1x256xf32, #tpu.memory_space<vmem>>, vector<16xf32>,
      %get3A_1243 = arith.constant 0 : i32
      %get3A_1244 = arith.index_cast %get3A_1243 : i32 to index
      %get3A_1245 = arith.constant 176 : index
      %get3A_1246 = tpu.vector_load %arg12[%get3A_1244, %get3A_1245] {strides = array<i32>} : memref<8x256xf32, #tpu.memory_space<vmem>>, vector<16xf32>,
      %swap3A_1247 = arith.constant 0 : i32
      %swap3A_1248 = arith.index_cast %swap3A_1247 : i32 to index
      %swap3A_1249 = arith.constant 176 : index
      %swap3A_1250 = tpu.vector_load %arg20[%swap3A_1248, %swap3A_1249] {strides = array<i32>} : memref<1x256xf32, #tpu.memory_space<vmem>>, vector<16xf32>,
      tpu.vector_store %arg20[%swap3A_1248, %swap3A_1249], %get3A_1246 {strides = array<i32>} : memref<1x256xf32, #tpu.memory_space<vmem>>, vector<16xf32>,
      %get3A_1251 = arith.constant 0 : i32
      %get3A_1252 = arith.index_cast %get3A_1251 : i32 to index
      %get3A_1253 = arith.constant 192 : index
      %get3A_1254 = tpu.vector_load %arg12[%get3A_1252, %get3A_1253] {strides = array<i32>} : memref<8x256xf32, #tpu.memory_space<vmem>>, vector<16xf32>,
      %swap3A_1255 = arith.constant 0 : i32
      %swap3A_1256 = arith.index_cast %swap3A_1255 : i32 to index
      %swap3A_1257 = arith.constant 192 : index
      %swap3A_1258 = tpu.vector_load %arg20[%swap3A_1256, %swap3A_1257] {strides = array<i32>} : memref<1x256xf32, #tpu.memory_space<vmem>>, vector<16xf32>,
      tpu.vector_store %arg20[%swap3A_1256, %swap3A_1257], %get3A_1254 {strides = array<i32>} : memref<1x256xf32, #tpu.memory_space<vmem>>, vector<16xf32>,
      %get3A_1259 = arith.constant 0 : i32
      %get3A_1260 = arith.index_cast %get3A_1259 : i32 to index
      %get3A_1261 = arith.constant 208 : index
      %get3A_1262 = tpu.vector_load %arg12[%get3A_1260, %get3A_1261] {strides = array<i32>} : memref<8x256xf32, #tpu.memory_space<vmem>>, vector<16xf32>,
      %swap3A_1263 = arith.constant 0 : i32
      %swap3A_1264 = arith.index_cast %swap3A_1263 : i32 to index
      %swap3A_1265 = arith.constant 208 : index
      %swap3A_1266 = tpu.vector_load %arg20[%swap3A_1264, %swap3A_1265] {strides = array<i32>} : memref<1x256xf32, #tpu.memory_space<vmem>>, vector<16xf32>,
      tpu.vector_store %arg20[%swap3A_1264, %swap3A_1265], %get3A_1262 {strides = array<i32>} : memref<1x256xf32, #tpu.memory_space<vmem>>, vector<16xf32>,
      %get3A_1267 = arith.constant 0 : i32
      %get3A_1268 = arith.index_cast %get3A_1267 : i32 to index
      %get3A_1269 = arith.constant 224 : index
      %get3A_1270 = tpu.vector_load %arg12[%get3A_1268, %get3A_1269] {strides = array<i32>} : memref<8x256xf32, #tpu.memory_space<vmem>>, vector<16xf32>,
      %swap3A_1271 = arith.constant 0 : i32
      %swap3A_1272 = arith.index_cast %swap3A_1271 : i32 to index
      %swap3A_1273 = arith.constant 224 : index
      %swap3A_1274 = tpu.vector_load %arg20[%swap3A_1272, %swap3A_1273] {strides = array<i32>} : memref<1x256xf32, #tpu.memory_space<vmem>>, vector<16xf32>,
      tpu.vector_store %arg20[%swap3A_1272, %swap3A_1273], %get3A_1270 {strides = array<i32>} : memref<1x256xf32, #tpu.memory_space<vmem>>, vector<16xf32>,
      %get3A_1275 = arith.constant 0 : i32
      %get3A_1276 = arith.index_cast %get3A_1275 : i32 to index
      %get3A_1277 = arith.constant 240 : index
      %get3A_1278 = tpu.vector_load %arg12[%get3A_1276, %get3A_1277] {strides = array<i32>} : memref<8x256xf32, #tpu.memory_space<vmem>>, vector<16xf32>,
      %swap3A_1279 = arith.constant 0 : i32
      %swap3A_1280 = arith.index_cast %swap3A_1279 : i32 to index
      %swap3A_1281 = arith.constant 240 : index
      %swap3A_1282 = tpu.vector_load %arg20[%swap3A_1280, %swap3A_1281] {strides = array<i32>} : memref<1x256xf32, #tpu.memory_space<vmem>>, vector<16xf32>,
      tpu.vector_store %arg20[%swap3A_1280, %swap3A_1281], %get3A_1278 {strides = array<i32>} : memref<1x256xf32, #tpu.memory_space<vmem>>, vector<16xf32>,
      %mul3A_1283 = arith.constant 256 : i32
      %mul3A_1284 = arith.muli %add3A_1142, %mul3A_1283 : i32
      %add3A_1285 = arith.addi %mul3A_2, %mul3A_1284 : i32
      %add3A_1286 = arith.constant 0 : i32
      %add3A_1287 = arith.addi %add3A_1285, %add3A_1286 : i32
      %dma_start3A_1288 = arith.constant 0 : i32
      %dma_start3A_1289 = arith.constant 0 : i32
      %dma_start3A_1290 = arith.constant 0 : i32
      %dma_start3A_1291 = tpu.memref_slice %arg16[%dma_start3A_1289, %dma_start3A_1290] : memref<63x256xf32, #tpu.memory_space<vmem>> -> memref<63x128xf32, #tpu.memory_space<vmem>>
      %dma_start3A_1292 = arith.constant 0 : i32
      %dma_start3A_1293 = tpu.memref_slice %arg7[%dma_start3A_1288, %dma_start3A_1292] : memref<1x63xi32, #tpu.memory_space<vmem>> -> memref<1x63xi32, #tpu.memory_space<vmem>>
      %dma_start3A_1294 = tpu.memref_squeeze %dma_start3A_1293 : memref<1x63xi32, #tpu.memory_space<vmem>> -> memref<63xi32, #tpu.memory_space<vmem>>
      %dma_start3A_1295 = arith.constant 0 : i32
      %dma_start3A_1296 = tpu.memref_slice %arg6[%dma_start3A_1295, %add3A_1287] : memref<64x1000000xf32, #tpu.memory_space<hbm>> -> memref<64x128xf32, #tpu.memory_space<hbm>>
      %dma_start3A_1297 = arith.constant 0 : i32
      %dma_start3A_1298 = arith.constant 0 : i32
      %dma_start3A_1299 = tpu.memref_slice %dma_start3A_1296[%dma_start3A_1297, %dma_start3A_1298] : memref<64x128xf32, #tpu.memory_space<hbm>> -> memref<64x128xf32, #tpu.memory_space<hbm>>
      tpu.enqueue_indirect_dma source(%dma_start3A_1291 : memref<63x128xf32, #tpu.memory_space<vmem>>) target(%dma_start3A_1299 : memref<64x128xf32, #tpu.memory_space<hbm>>) offsets(%dma_start3A_1294 : memref<63xi32, #tpu.memory_space<vmem>>) semaphore(%arg28 : memref<!tpu.dma_semaphore, #tpu.memory_space<semaphore_mem>>)
      %add3A_1300 = arith.constant 128 : i32
      %add3A_1301 = arith.addi %add3A_1285, %add3A_1300 : i32
      %dma_start3A_1302 = arith.constant 0 : i32
      %dma_start3A_1303 = arith.constant 0 : i32
      %dma_start3A_1304 = arith.constant 128 : i32
      %dma_start3A_1305 = tpu.memref_slice %arg16[%dma_start3A_1303, %dma_start3A_1304] : memref<63x256xf32, #tpu.memory_space<vmem>> -> memref<63x128xf32, #tpu.memory_space<vmem>>
      %dma_start3A_1306 = arith.constant 0 : i32
      %dma_start3A_1307 = tpu.memref_slice %arg7[%dma_start3A_1302, %dma_start3A_1306] : memref<1x63xi32, #tpu.memory_space<vmem>> -> memref<1x63xi32, #tpu.memory_space<vmem>>
      %dma_start3A_1308 = tpu.memref_squeeze %dma_start3A_1307 : memref<1x63xi32, #tpu.memory_space<vmem>> -> memref<63xi32, #tpu.memory_space<vmem>>
      %dma_start3A_1309 = arith.constant 0 : i32
      %dma_start3A_1310 = tpu.memref_slice %arg6[%dma_start3A_1309, %add3A_1301] : memref<64x1000000xf32, #tpu.memory_space<hbm>> -> memref<64x128xf32, #tpu.memory_space<hbm>>
      %dma_start3A_1311 = arith.constant 0 : i32
      %dma_start3A_1312 = arith.constant 0 : i32
      %dma_start3A_1313 = tpu.memref_slice %dma_start3A_1310[%dma_start3A_1311, %dma_start3A_1312] : memref<64x128xf32, #tpu.memory_space<hbm>> -> memref<64x128xf32, #tpu.memory_space<hbm>>
      tpu.enqueue_indirect_dma source(%dma_start3A_1305 : memref<63x128xf32, #tpu.memory_space<vmem>>) target(%dma_start3A_1313 : memref<64x128xf32, #tpu.memory_space<hbm>>) offsets(%dma_start3A_1308 : memref<63xi32, #tpu.memory_space<vmem>>) semaphore(%arg28 : memref<!tpu.dma_semaphore, #tpu.memory_space<semaphore_mem>>)
      %dma_start3A_1314 = arith.constant 0 : i32
      %dma_start3A_1315 = arith.constant 0 : i32
      %dma_start3A_1316 = tpu.memref_slice %arg8[%dma_start3A_1314, %dma_start3A_1315] : memref<1x1xi32, #tpu.memory_space<vmem>> -> memref<1x1xi32, #tpu.memory_space<vmem>>
      %dma_start3A_1317 = tpu.memref_squeeze %dma_start3A_1316 : memref<1x1xi32, #tpu.memory_space<vmem>> -> memref<1xi32, #tpu.memory_space<vmem>>
      %dma_start3A_1318 = arith.constant 0 : i32
      %dma_start3A_1319 = tpu.memref_slice %arg6[%dma_start3A_1318, %add3A_1285] : memref<64x1000000xf32, #tpu.memory_space<hbm>> -> memref<64x256xf32, #tpu.memory_space<hbm>>
      %dma_start3A_1320 = arith.constant 0 : i32
      %dma_start3A_1321 = arith.constant 0 : i32
      %dma_start3A_1322 = tpu.memref_slice %dma_start3A_1319[%dma_start3A_1320, %dma_start3A_1321] : memref<64x256xf32, #tpu.memory_space<hbm>> -> memref<64x256xf32, #tpu.memory_space<hbm>>
      tpu.enqueue_indirect_dma source(%arg20 : memref<1x256xf32, #tpu.memory_space<vmem>>) target(%dma_start3A_1322 : memref<64x256xf32, #tpu.memory_space<hbm>>) offsets(%dma_start3A_1317 : memref<1xi32, #tpu.memory_space<vmem>>) semaphore(%arg28 : memref<!tpu.dma_semaphore, #tpu.memory_space<semaphore_mem>>)
      %dma_wait3A_1323 = arith.constant 0 : i32
      %dma_wait3A_1324 = arith.constant 0 : i32
      %dma_wait3A_1325 = arith.constant 0 : i32
      %dma_wait3A_1326 = tpu.memref_slice %arg14[%dma_wait3A_1324, %dma_wait3A_1325] : memref<63x256xf32, #tpu.memory_space<vmem>> -> memref<63x128xf32, #tpu.memory_space<vmem>>
      %dma_wait3A_1327 = arith.constant 0 : i32
      %dma_wait3A_1328 = tpu.memref_slice %arg7[%dma_wait3A_1323, %dma_wait3A_1327] : memref<1x63xi32, #tpu.memory_space<vmem>> -> memref<1x63xi32, #tpu.memory_space<vmem>>
      %dma_wait3A_1329 = tpu.memref_squeeze %dma_wait3A_1328 : memref<1x63xi32, #tpu.memory_space<vmem>> -> memref<63xi32, #tpu.memory_space<vmem>>
      %dma_wait3A_1330 = arith.constant 0 : i32
      %dma_wait3A_1331 = arith.constant 0 : i32
      %dma_wait3A_1332 = tpu.memref_slice %arg6[%dma_wait3A_1330, %dma_wait3A_1331] : memref<64x1000000xf32, #tpu.memory_space<hbm>> -> memref<64x128xf32, #tpu.memory_space<hbm>>
      %dma_wait3A_1333 = arith.constant 0 : i32
      %dma_wait3A_1334 = arith.constant 0 : i32
      %dma_wait3A_1335 = tpu.memref_slice %dma_wait3A_1332[%dma_wait3A_1333, %dma_wait3A_1334] : memref<64x128xf32, #tpu.memory_space<hbm>> -> memref<64x128xf32, #tpu.memory_space<hbm>>
      tpu.wait_indirect_dma semaphore(%arg26 : memref<!tpu.dma_semaphore, #tpu.memory_space<semaphore_mem>>) src(%dma_wait3A_1326 : memref<63x128xf32, #tpu.memory_space<vmem>>) dst(%dma_wait3A_1335 : memref<64x128xf32, #tpu.memory_space<hbm>>)
      %dma_wait3A_1336 = arith.constant 0 : i32
      %dma_wait3A_1337 = arith.constant 0 : i32
      %dma_wait3A_1338 = arith.constant 128 : i32
      %dma_wait3A_1339 = tpu.memref_slice %arg14[%dma_wait3A_1337, %dma_wait3A_1338] : memref<63x256xf32, #tpu.memory_space<vmem>> -> memref<63x128xf32, #tpu.memory_space<vmem>>
      %dma_wait3A_1340 = arith.constant 0 : i32
      %dma_wait3A_1341 = tpu.memref_slice %arg7[%dma_wait3A_1336, %dma_wait3A_1340] : memref<1x63xi32, #tpu.memory_space<vmem>> -> memref<1x63xi32, #tpu.memory_space<vmem>>
      %dma_wait3A_1342 = tpu.memref_squeeze %dma_wait3A_1341 : memref<1x63xi32, #tpu.memory_space<vmem>> -> memref<63xi32, #tpu.memory_space<vmem>>
      %dma_wait3A_1343 = arith.constant 0 : i32
      %dma_wait3A_1344 = arith.constant 128 : i32
      %dma_wait3A_1345 = tpu.memref_slice %arg6[%dma_wait3A_1343, %dma_wait3A_1344] : memref<64x1000000xf32, #tpu.memory_space<hbm>> -> memref<64x128xf32, #tpu.memory_space<hbm>>
      %dma_wait3A_1346 = arith.constant 0 : i32
      %dma_wait3A_1347 = arith.constant 0 : i32
      %dma_wait3A_1348 = tpu.memref_slice %dma_wait3A_1345[%dma_wait3A_1346, %dma_wait3A_1347] : memref<64x128xf32, #tpu.memory_space<hbm>> -> memref<64x128xf32, #tpu.memory_space<hbm>>
      tpu.wait_indirect_dma semaphore(%arg26 : memref<!tpu.dma_semaphore, #tpu.memory_space<semaphore_mem>>) src(%dma_wait3A_1339 : memref<63x128xf32, #tpu.memory_space<vmem>>) dst(%dma_wait3A_1348 : memref<64x128xf32, #tpu.memory_space<hbm>>)
      %dma_wait3A_1349 = arith.constant 0 : i32
      %dma_wait3A_1350 = arith.constant 0 : i32
      %dma_wait3A_1351 = tpu.memref_slice %arg8[%dma_wait3A_1349, %dma_wait3A_1350] : memref<1x1xi32, #tpu.memory_space<vmem>> -> memref<1x1xi32, #tpu.memory_space<vmem>>
      %dma_wait3A_1352 = tpu.memref_squeeze %dma_wait3A_1351 : memref<1x1xi32, #tpu.memory_space<vmem>> -> memref<1xi32, #tpu.memory_space<vmem>>
      %dma_wait3A_1353 = arith.constant 0 : i32
      %dma_wait3A_1354 = arith.constant 0 : i32
      %dma_wait3A_1355 = tpu.memref_slice %arg6[%dma_wait3A_1353, %dma_wait3A_1354] : memref<64x1000000xf32, #tpu.memory_space<hbm>> -> memref<64x256xf32, #tpu.memory_space<hbm>>
      %dma_wait3A_1356 = arith.constant 0 : i32
      %dma_wait3A_1357 = arith.constant 0 : i32
      %dma_wait3A_1358 = tpu.memref_slice %dma_wait3A_1355[%dma_wait3A_1356, %dma_wait3A_1357] : memref<64x256xf32, #tpu.memory_space<hbm>> -> memref<64x256xf32, #tpu.memory_space<hbm>>
      tpu.wait_indirect_dma semaphore(%arg26 : memref<!tpu.dma_semaphore, #tpu.memory_space<semaphore_mem>>) src(%arg18 : memref<1x256xf32, #tpu.memory_space<vmem>>) dst(%dma_wait3A_1358 : memref<64x256xf32, #tpu.memory_space<hbm>>)
      %add3A_1359 = arith.constant 2 : i32
      %add3A_1360 = arith.addi %add3A_1142, %add3A_1359 : i32
      %lt3A_1361 = arith.constant 122 : i32
      %lt3A_1362 = arith.cmpi slt, %add3A_1360, %lt3A_1361 : i32
      %convert_element_type3A_1363 = arith.extui %lt3A_1362 : i1 to i32
      %cond3A_1364 = arith.constant 0 : i32
      %cond3A_1365 = arith.cmpi ne, %convert_element_type3A_1363, %cond3A_1364 : i32
      scf.if %cond3A_1365 {
        %add3A_1366 = arith.constant 2 : i32
        %add3A_1367 = arith.addi %add3A_1142, %add3A_1366 : i32
        %mul3A_1368 = arith.constant 256 : i32
        %mul3A_1369 = arith.muli %add3A_1367, %mul3A_1368 : i32
        %add3A_1370 = arith.addi %mul3A_2, %mul3A_1369 : i32
        %dma_start3A_1371 = arith.constant 0 : i32
        %dma_start3A_1372 = tpu.memref_slice %arg5[%dma_start3A_1371, %add3A_1370] : memref<63x1000000xf32, #tpu.memory_space<hbm>> -> memref<63x256xf32, #tpu.memory_space<hbm>>
        %dma_start3A_1373 = arith.constant 0 : i32
        %dma_start3A_1374 = tpu.memref_slice %arg5[%dma_start3A_1373, %add3A_1370] : memref<63x1000000xf32, #tpu.memory_space<hbm>> -> memref<63x256xf32, #tpu.memory_space<hbm>>
        tpu.enqueue_dma source(%dma_start3A_1374 : memref<63x256xf32, #tpu.memory_space<hbm>>) target(%arg14 : memref<63x256xf32, #tpu.memory_space<vmem>>) target_semaphore(%arg22 : memref<!tpu.dma_semaphore, #tpu.memory_space<semaphore_mem>>)
        %dma_start3A_1375 = arith.constant 0 : i32
        %dma_start3A_1376 = tpu.memref_slice %arg4[%dma_start3A_1375, %add3A_1370] : memref<64x1000000xf32, #tpu.memory_space<hbm>> -> memref<8x256xf32, #tpu.memory_space<hbm>>
        %dma_start3A_1377 = arith.constant 0 : i32
        %dma_start3A_1378 = tpu.memref_slice %arg4[%dma_start3A_1377, %add3A_1370] : memref<64x1000000xf32, #tpu.memory_space<hbm>> -> memref<8x256xf32, #tpu.memory_space<hbm>>
        tpu.enqueue_dma source(%dma_start3A_1378 : memref<8x256xf32, #tpu.memory_space<hbm>>) target(%arg10 : memref<8x256xf32, #tpu.memory_space<vmem>>) target_semaphore(%arg22 : memref<!tpu.dma_semaphore, #tpu.memory_space<semaphore_mem>>)
      } else {
      }
    }
    %scan3A_25 = arith.constant 30 : i32
    %dma_wait3A = arith.constant 0 : i32
    %dma_wait3A_26 = arith.constant 0 : i32
    %dma_wait3A_27 = tpu.memref_slice %arg5[%dma_wait3A, %dma_wait3A_26] : memref<63x1000000xf32, #tpu.memory_space<hbm>> -> memref<63x256xf32, #tpu.memory_space<hbm>>
    %dma_wait3A_28 = arith.constant 0 : i32
    %dma_wait3A_29 = arith.constant 0 : i32
    %dma_wait3A_30 = tpu.memref_slice %arg5[%dma_wait3A_28, %dma_wait3A_29] : memref<63x1000000xf32, #tpu.memory_space<hbm>> -> memref<63x256xf32, #tpu.memory_space<hbm>>
    tpu.wait_dma2 semaphore(%arg21 : memref<!tpu.dma_semaphore, #tpu.memory_space<semaphore_mem>>) src(%dma_wait3A_30 : memref<63x256xf32, #tpu.memory_space<hbm>>) dst(%arg13 : memref<63x256xf32, #tpu.memory_space<vmem>>)
    %dma_wait3A_31 = arith.constant 0 : i32
    %dma_wait3A_32 = arith.constant 0 : i32
    %dma_wait3A_33 = tpu.memref_slice %arg4[%dma_wait3A_31, %dma_wait3A_32] : memref<64x1000000xf32, #tpu.memory_space<hbm>> -> memref<8x256xf32, #tpu.memory_space<hbm>>
    %dma_wait3A_34 = arith.constant 0 : i32
    %dma_wait3A_35 = arith.constant 0 : i32
    %dma_wait3A_36 = tpu.memref_slice %arg4[%dma_wait3A_34, %dma_wait3A_35] : memref<64x1000000xf32, #tpu.memory_space<hbm>> -> memref<8x256xf32, #tpu.memory_space<hbm>>
    tpu.wait_dma2 semaphore(%arg21 : memref<!tpu.dma_semaphore, #tpu.memory_space<semaphore_mem>>) src(%dma_wait3A_36 : memref<8x256xf32, #tpu.memory_space<hbm>>) dst(%arg9 : memref<8x256xf32, #tpu.memory_space<vmem>>)
    %get3A = arith.constant 0 : i32
    %get3A_37 = arith.index_cast %get3A : i32 to index
    %get3A_38 = arith.constant 0 : index
    %get3A_39 = tpu.vector_load %arg9[%get3A_37, %get3A_38] {strides = array<i32>} : memref<8x256xf32, #tpu.memory_space<vmem>>, vector<16xf32>,
    %swap3A = arith.constant 0 : i32
    %swap3A_40 = arith.index_cast %swap3A : i32 to index
    %swap3A_41 = arith.constant 0 : index
    %swap3A_42 = tpu.vector_load %arg17[%swap3A_40, %swap3A_41] {strides = array<i32>} : memref<1x256xf32, #tpu.memory_space<vmem>>, vector<16xf32>,
    tpu.vector_store %arg17[%swap3A_40, %swap3A_41], %get3A_39 {strides = array<i32>} : memref<1x256xf32, #tpu.memory_space<vmem>>, vector<16xf32>,
    %get3A_43 = arith.constant 0 : i32
    %get3A_44 = arith.index_cast %get3A_43 : i32 to index
    %get3A_45 = arith.constant 16 : index
    %get3A_46 = tpu.vector_load %arg9[%get3A_44, %get3A_45] {strides = array<i32>} : memref<8x256xf32, #tpu.memory_space<vmem>>, vector<16xf32>,
    %swap3A_47 = arith.constant 0 : i32
    %swap3A_48 = arith.index_cast %swap3A_47 : i32 to index
    %swap3A_49 = arith.constant 16 : index
    %swap3A_50 = tpu.vector_load %arg17[%swap3A_48, %swap3A_49] {strides = array<i32>} : memref<1x256xf32, #tpu.memory_space<vmem>>, vector<16xf32>,
    tpu.vector_store %arg17[%swap3A_48, %swap3A_49], %get3A_46 {strides = array<i32>} : memref<1x256xf32, #tpu.memory_space<vmem>>, vector<16xf32>,
    %get3A_51 = arith.constant 0 : i32
    %get3A_52 = arith.index_cast %get3A_51 : i32 to index
    %get3A_53 = arith.constant 32 : index
    %get3A_54 = tpu.vector_load %arg9[%get3A_52, %get3A_53] {strides = array<i32>} : memref<8x256xf32, #tpu.memory_space<vmem>>, vector<16xf32>,
    %swap3A_55 = arith.constant 0 : i32
    %swap3A_56 = arith.index_cast %swap3A_55 : i32 to index
    %swap3A_57 = arith.constant 32 : index
    %swap3A_58 = tpu.vector_load %arg17[%swap3A_56, %swap3A_57] {strides = array<i32>} : memref<1x256xf32, #tpu.memory_space<vmem>>, vector<16xf32>,
    tpu.vector_store %arg17[%swap3A_56, %swap3A_57], %get3A_54 {strides = array<i32>} : memref<1x256xf32, #tpu.memory_space<vmem>>, vector<16xf32>,
    %get3A_59 = arith.constant 0 : i32
    %get3A_60 = arith.index_cast %get3A_59 : i32 to index
    %get3A_61 = arith.constant 48 : index
    %get3A_62 = tpu.vector_load %arg9[%get3A_60, %get3A_61] {strides = array<i32>} : memref<8x256xf32, #tpu.memory_space<vmem>>, vector<16xf32>,
    %swap3A_63 = arith.constant 0 : i32
    %swap3A_64 = arith.index_cast %swap3A_63 : i32 to index
    %swap3A_65 = arith.constant 48 : index
    %swap3A_66 = tpu.vector_load %arg17[%swap3A_64, %swap3A_65] {strides = array<i32>} : memref<1x256xf32, #tpu.memory_space<vmem>>, vector<16xf32>,
    tpu.vector_store %arg17[%swap3A_64, %swap3A_65], %get3A_62 {strides = array<i32>} : memref<1x256xf32, #tpu.memory_space<vmem>>, vector<16xf32>,
    %get3A_67 = arith.constant 0 : i32
    %get3A_68 = arith.index_cast %get3A_67 : i32 to index
    %get3A_69 = arith.constant 64 : index
    %get3A_70 = tpu.vector_load %arg9[%get3A_68, %get3A_69] {strides = array<i32>} : memref<8x256xf32, #tpu.memory_space<vmem>>, vector<16xf32>,
    %swap3A_71 = arith.constant 0 : i32
    %swap3A_72 = arith.index_cast %swap3A_71 : i32 to index
    %swap3A_73 = arith.constant 64 : index
    %swap3A_74 = tpu.vector_load %arg17[%swap3A_72, %swap3A_73] {strides = array<i32>} : memref<1x256xf32, #tpu.memory_space<vmem>>, vector<16xf32>,
    tpu.vector_store %arg17[%swap3A_72, %swap3A_73], %get3A_70 {strides = array<i32>} : memref<1x256xf32, #tpu.memory_space<vmem>>, vector<16xf32>,
    %get3A_75 = arith.constant 0 : i32
    %get3A_76 = arith.index_cast %get3A_75 : i32 to index
    %get3A_77 = arith.constant 80 : index
    %get3A_78 = tpu.vector_load %arg9[%get3A_76, %get3A_77] {strides = array<i32>} : memref<8x256xf32, #tpu.memory_space<vmem>>, vector<16xf32>,
    %swap3A_79 = arith.constant 0 : i32
    %swap3A_80 = arith.index_cast %swap3A_79 : i32 to index
    %swap3A_81 = arith.constant 80 : index
    %swap3A_82 = tpu.vector_load %arg17[%swap3A_80, %swap3A_81] {strides = array<i32>} : memref<1x256xf32, #tpu.memory_space<vmem>>, vector<16xf32>,
    tpu.vector_store %arg17[%swap3A_80, %swap3A_81], %get3A_78 {strides = array<i32>} : memref<1x256xf32, #tpu.memory_space<vmem>>, vector<16xf32>,
    %get3A_83 = arith.constant 0 : i32
    %get3A_84 = arith.index_cast %get3A_83 : i32 to index
    %get3A_85 = arith.constant 96 : index
    %get3A_86 = tpu.vector_load %arg9[%get3A_84, %get3A_85] {strides = array<i32>} : memref<8x256xf32, #tpu.memory_space<vmem>>, vector<16xf32>,
    %swap3A_87 = arith.constant 0 : i32
    %swap3A_88 = arith.index_cast %swap3A_87 : i32 to index
    %swap3A_89 = arith.constant 96 : index
    %swap3A_90 = tpu.vector_load %arg17[%swap3A_88, %swap3A_89] {strides = array<i32>} : memref<1x256xf32, #tpu.memory_space<vmem>>, vector<16xf32>,
    tpu.vector_store %arg17[%swap3A_88, %swap3A_89], %get3A_86 {strides = array<i32>} : memref<1x256xf32, #tpu.memory_space<vmem>>, vector<16xf32>,
    %get3A_91 = arith.constant 0 : i32
    %get3A_92 = arith.index_cast %get3A_91 : i32 to index
    %get3A_93 = arith.constant 112 : index
    %get3A_94 = tpu.vector_load %arg9[%get3A_92, %get3A_93] {strides = array<i32>} : memref<8x256xf32, #tpu.memory_space<vmem>>, vector<16xf32>,
    %swap3A_95 = arith.constant 0 : i32
    %swap3A_96 = arith.index_cast %swap3A_95 : i32 to index
    %swap3A_97 = arith.constant 112 : index
    %swap3A_98 = tpu.vector_load %arg17[%swap3A_96, %swap3A_97] {strides = array<i32>} : memref<1x256xf32, #tpu.memory_space<vmem>>, vector<16xf32>,
    tpu.vector_store %arg17[%swap3A_96, %swap3A_97], %get3A_94 {strides = array<i32>} : memref<1x256xf32, #tpu.memory_space<vmem>>, vector<16xf32>,
    %get3A_99 = arith.constant 0 : i32
    %get3A_100 = arith.index_cast %get3A_99 : i32 to index
    %get3A_101 = arith.constant 128 : index
    %get3A_102 = tpu.vector_load %arg9[%get3A_100, %get3A_101] {strides = array<i32>} : memref<8x256xf32, #tpu.memory_space<vmem>>, vector<16xf32>,
    %swap3A_103 = arith.constant 0 : i32
    %swap3A_104 = arith.index_cast %swap3A_103 : i32 to index
    %swap3A_105 = arith.constant 128 : index
    %swap3A_106 = tpu.vector_load %arg17[%swap3A_104, %swap3A_105] {strides = array<i32>} : memref<1x256xf32, #tpu.memory_space<vmem>>, vector<16xf32>,
    tpu.vector_store %arg17[%swap3A_104, %swap3A_105], %get3A_102 {strides = array<i32>} : memref<1x256xf32, #tpu.memory_space<vmem>>, vector<16xf32>,
    %get3A_107 = arith.constant 0 : i32
    %get3A_108 = arith.index_cast %get3A_107 : i32 to index
    %get3A_109 = arith.constant 144 : index
    %get3A_110 = tpu.vector_load %arg9[%get3A_108, %get3A_109] {strides = array<i32>} : memref<8x256xf32, #tpu.memory_space<vmem>>, vector<16xf32>,
    %swap3A_111 = arith.constant 0 : i32
    %swap3A_112 = arith.index_cast %swap3A_111 : i32 to index
    %swap3A_113 = arith.constant 144 : index
    %swap3A_114 = tpu.vector_load %arg17[%swap3A_112, %swap3A_113] {strides = array<i32>} : memref<1x256xf32, #tpu.memory_space<vmem>>, vector<16xf32>,
    tpu.vector_store %arg17[%swap3A_112, %swap3A_113], %get3A_110 {strides = array<i32>} : memref<1x256xf32, #tpu.memory_space<vmem>>, vector<16xf32>,
    %get3A_115 = arith.constant 0 : i32
    %get3A_116 = arith.index_cast %get3A_115 : i32 to index
    %get3A_117 = arith.constant 160 : index
    %get3A_118 = tpu.vector_load %arg9[%get3A_116, %get3A_117] {strides = array<i32>} : memref<8x256xf32, #tpu.memory_space<vmem>>, vector<16xf32>,
    %swap3A_119 = arith.constant 0 : i32
    %swap3A_120 = arith.index_cast %swap3A_119 : i32 to index
    %swap3A_121 = arith.constant 160 : index
    %swap3A_122 = tpu.vector_load %arg17[%swap3A_120, %swap3A_121] {strides = array<i32>} : memref<1x256xf32, #tpu.memory_space<vmem>>, vector<16xf32>,
    tpu.vector_store %arg17[%swap3A_120, %swap3A_121], %get3A_118 {strides = array<i32>} : memref<1x256xf32, #tpu.memory_space<vmem>>, vector<16xf32>,
    %get3A_123 = arith.constant 0 : i32
    %get3A_124 = arith.index_cast %get3A_123 : i32 to index
    %get3A_125 = arith.constant 176 : index
    %get3A_126 = tpu.vector_load %arg9[%get3A_124, %get3A_125] {strides = array<i32>} : memref<8x256xf32, #tpu.memory_space<vmem>>, vector<16xf32>,
    %swap3A_127 = arith.constant 0 : i32
    %swap3A_128 = arith.index_cast %swap3A_127 : i32 to index
    %swap3A_129 = arith.constant 176 : index
    %swap3A_130 = tpu.vector_load %arg17[%swap3A_128, %swap3A_129] {strides = array<i32>} : memref<1x256xf32, #tpu.memory_space<vmem>>, vector<16xf32>,
    tpu.vector_store %arg17[%swap3A_128, %swap3A_129], %get3A_126 {strides = array<i32>} : memref<1x256xf32, #tpu.memory_space<vmem>>, vector<16xf32>,
    %get3A_131 = arith.constant 0 : i32
    %get3A_132 = arith.index_cast %get3A_131 : i32 to index
    %get3A_133 = arith.constant 192 : index
    %get3A_134 = tpu.vector_load %arg9[%get3A_132, %get3A_133] {strides = array<i32>} : memref<8x256xf32, #tpu.memory_space<vmem>>, vector<16xf32>,
    %swap3A_135 = arith.constant 0 : i32
    %swap3A_136 = arith.index_cast %swap3A_135 : i32 to index
    %swap3A_137 = arith.constant 192 : index
    %swap3A_138 = tpu.vector_load %arg17[%swap3A_136, %swap3A_137] {strides = array<i32>} : memref<1x256xf32, #tpu.memory_space<vmem>>, vector<16xf32>,
    tpu.vector_store %arg17[%swap3A_136, %swap3A_137], %get3A_134 {strides = array<i32>} : memref<1x256xf32, #tpu.memory_space<vmem>>, vector<16xf32>,
    %get3A_139 = arith.constant 0 : i32
    %get3A_140 = arith.index_cast %get3A_139 : i32 to index
    %get3A_141 = arith.constant 208 : index
    %get3A_142 = tpu.vector_load %arg9[%get3A_140, %get3A_141] {strides = array<i32>} : memref<8x256xf32, #tpu.memory_space<vmem>>, vector<16xf32>,
    %swap3A_143 = arith.constant 0 : i32
    %swap3A_144 = arith.index_cast %swap3A_143 : i32 to index
    %swap3A_145 = arith.constant 208 : index
    %swap3A_146 = tpu.vector_load %arg17[%swap3A_144, %swap3A_145] {strides = array<i32>} : memref<1x256xf32, #tpu.memory_space<vmem>>, vector<16xf32>,
    tpu.vector_store %arg17[%swap3A_144, %swap3A_145], %get3A_142 {strides = array<i32>} : memref<1x256xf32, #tpu.memory_space<vmem>>, vector<16xf32>,
    %get3A_147 = arith.constant 0 : i32
    %get3A_148 = arith.index_cast %get3A_147 : i32 to index
    %get3A_149 = arith.constant 224 : index
    %get3A_150 = tpu.vector_load %arg9[%get3A_148, %get3A_149] {strides = array<i32>} : memref<8x256xf32, #tpu.memory_space<vmem>>, vector<16xf32>,
    %swap3A_151 = arith.constant 0 : i32
    %swap3A_152 = arith.index_cast %swap3A_151 : i32 to index
    %swap3A_153 = arith.constant 224 : index
    %swap3A_154 = tpu.vector_load %arg17[%swap3A_152, %swap3A_153] {strides = array<i32>} : memref<1x256xf32, #tpu.memory_space<vmem>>, vector<16xf32>,
    tpu.vector_store %arg17[%swap3A_152, %swap3A_153], %get3A_150 {strides = array<i32>} : memref<1x256xf32, #tpu.memory_space<vmem>>, vector<16xf32>,
    %get3A_155 = arith.constant 0 : i32
    %get3A_156 = arith.index_cast %get3A_155 : i32 to index
    %get3A_157 = arith.constant 240 : index
    %get3A_158 = tpu.vector_load %arg9[%get3A_156, %get3A_157] {strides = array<i32>} : memref<8x256xf32, #tpu.memory_space<vmem>>, vector<16xf32>,
    %swap3A_159 = arith.constant 0 : i32
    %swap3A_160 = arith.index_cast %swap3A_159 : i32 to index
    %swap3A_161 = arith.constant 240 : index
    %swap3A_162 = tpu.vector_load %arg17[%swap3A_160, %swap3A_161] {strides = array<i32>} : memref<1x256xf32, #tpu.memory_space<vmem>>, vector<16xf32>,
    tpu.vector_store %arg17[%swap3A_160, %swap3A_161], %get3A_158 {strides = array<i32>} : memref<1x256xf32, #tpu.memory_space<vmem>>, vector<16xf32>,
    %add3A_163 = arith.constant 30720 : i32
    %add3A_164 = arith.addi %mul3A_2, %add3A_163 : i32
    %add3A_165 = arith.constant 0 : i32
    %add3A_166 = arith.addi %add3A_164, %add3A_165 : i32
    %dma_start3A_167 = arith.constant 0 : i32
    %dma_start3A_168 = arith.constant 0 : i32
    %dma_start3A_169 = arith.constant 0 : i32
    %dma_start3A_170 = tpu.memref_slice %arg13[%dma_start3A_168, %dma_start3A_169] : memref<63x256xf32, #tpu.memory_space<vmem>> -> memref<63x128xf32, #tpu.memory_space<vmem>>
    %dma_start3A_171 = arith.constant 0 : i32
    %dma_start3A_172 = tpu.memref_slice %arg7[%dma_start3A_167, %dma_start3A_171] : memref<1x63xi32, #tpu.memory_space<vmem>> -> memref<1x63xi32, #tpu.memory_space<vmem>>
    %dma_start3A_173 = tpu.memref_squeeze %dma_start3A_172 : memref<1x63xi32, #tpu.memory_space<vmem>> -> memref<63xi32, #tpu.memory_space<vmem>>
    %dma_start3A_174 = arith.constant 0 : i32
    %dma_start3A_175 = tpu.memref_slice %arg6[%dma_start3A_174, %add3A_166] : memref<64x1000000xf32, #tpu.memory_space<hbm>> -> memref<64x128xf32, #tpu.memory_space<hbm>>
    %dma_start3A_176 = arith.constant 0 : i32
    %dma_start3A_177 = arith.constant 0 : i32
    %dma_start3A_178 = tpu.memref_slice %dma_start3A_175[%dma_start3A_176, %dma_start3A_177] : memref<64x128xf32, #tpu.memory_space<hbm>> -> memref<64x128xf32, #tpu.memory_space<hbm>>
    tpu.enqueue_indirect_dma source(%dma_start3A_170 : memref<63x128xf32, #tpu.memory_space<vmem>>) target(%dma_start3A_178 : memref<64x128xf32, #tpu.memory_space<hbm>>) offsets(%dma_start3A_173 : memref<63xi32, #tpu.memory_space<vmem>>) semaphore(%arg25 : memref<!tpu.dma_semaphore, #tpu.memory_space<semaphore_mem>>)
    %add3A_179 = arith.constant 128 : i32
    %add3A_180 = arith.addi %add3A_164, %add3A_179 : i32
    %dma_start3A_181 = arith.constant 0 : i32
    %dma_start3A_182 = arith.constant 0 : i32
    %dma_start3A_183 = arith.constant 128 : i32
    %dma_start3A_184 = tpu.memref_slice %arg13[%dma_start3A_182, %dma_start3A_183] : memref<63x256xf32, #tpu.memory_space<vmem>> -> memref<63x128xf32, #tpu.memory_space<vmem>>
    %dma_start3A_185 = arith.constant 0 : i32
    %dma_start3A_186 = tpu.memref_slice %arg7[%dma_start3A_181, %dma_start3A_185] : memref<1x63xi32, #tpu.memory_space<vmem>> -> memref<1x63xi32, #tpu.memory_space<vmem>>
    %dma_start3A_187 = tpu.memref_squeeze %dma_start3A_186 : memref<1x63xi32, #tpu.memory_space<vmem>> -> memref<63xi32, #tpu.memory_space<vmem>>
    %dma_start3A_188 = arith.constant 0 : i32
    %dma_start3A_189 = tpu.memref_slice %arg6[%dma_start3A_188, %add3A_180] : memref<64x1000000xf32, #tpu.memory_space<hbm>> -> memref<64x128xf32, #tpu.memory_space<hbm>>
    %dma_start3A_190 = arith.constant 0 : i32
    %dma_start3A_191 = arith.constant 0 : i32
    %dma_start3A_192 = tpu.memref_slice %dma_start3A_189[%dma_start3A_190, %dma_start3A_191] : memref<64x128xf32, #tpu.memory_space<hbm>> -> memref<64x128xf32, #tpu.memory_space<hbm>>
    tpu.enqueue_indirect_dma source(%dma_start3A_184 : memref<63x128xf32, #tpu.memory_space<vmem>>) target(%dma_start3A_192 : memref<64x128xf32, #tpu.memory_space<hbm>>) offsets(%dma_start3A_187 : memref<63xi32, #tpu.memory_space<vmem>>) semaphore(%arg25 : memref<!tpu.dma_semaphore, #tpu.memory_space<semaphore_mem>>)
    %dma_start3A_193 = arith.constant 0 : i32
    %dma_start3A_194 = arith.constant 0 : i32
    %dma_start3A_195 = tpu.memref_slice %arg8[%dma_start3A_193, %dma_start3A_194] : memref<1x1xi32, #tpu.memory_space<vmem>> -> memref<1x1xi32, #tpu.memory_space<vmem>>
    %dma_start3A_196 = tpu.memref_squeeze %dma_start3A_195 : memref<1x1xi32, #tpu.memory_space<vmem>> -> memref<1xi32, #tpu.memory_space<vmem>>
    %dma_start3A_197 = arith.constant 0 : i32
    %dma_start3A_198 = tpu.memref_slice %arg6[%dma_start3A_197, %add3A_164] : memref<64x1000000xf32, #tpu.memory_space<hbm>> -> memref<64x256xf32, #tpu.memory_space<hbm>>
    %dma_start3A_199 = arith.constant 0 : i32
    %dma_start3A_200 = arith.constant 0 : i32
    %dma_start3A_201 = tpu.memref_slice %dma_start3A_198[%dma_start3A_199, %dma_start3A_200] : memref<64x256xf32, #tpu.memory_space<hbm>> -> memref<64x256xf32, #tpu.memory_space<hbm>>
    tpu.enqueue_indirect_dma source(%arg17 : memref<1x256xf32, #tpu.memory_space<vmem>>) target(%dma_start3A_201 : memref<64x256xf32, #tpu.memory_space<hbm>>) offsets(%dma_start3A_196 : memref<1xi32, #tpu.memory_space<vmem>>) semaphore(%arg25 : memref<!tpu.dma_semaphore, #tpu.memory_space<semaphore_mem>>)
    %dma_wait3A_202 = arith.constant 0 : i32
    %dma_wait3A_203 = arith.constant 0 : i32
    %dma_wait3A_204 = arith.constant 0 : i32
    %dma_wait3A_205 = tpu.memref_slice %arg15[%dma_wait3A_203, %dma_wait3A_204] : memref<63x256xf32, #tpu.memory_space<vmem>> -> memref<63x128xf32, #tpu.memory_space<vmem>>
    %dma_wait3A_206 = arith.constant 0 : i32
    %dma_wait3A_207 = tpu.memref_slice %arg7[%dma_wait3A_202, %dma_wait3A_206] : memref<1x63xi32, #tpu.memory_space<vmem>> -> memref<1x63xi32, #tpu.memory_space<vmem>>
    %dma_wait3A_208 = tpu.memref_squeeze %dma_wait3A_207 : memref<1x63xi32, #tpu.memory_space<vmem>> -> memref<63xi32, #tpu.memory_space<vmem>>
    %dma_wait3A_209 = arith.constant 0 : i32
    %dma_wait3A_210 = arith.constant 0 : i32
    %dma_wait3A_211 = tpu.memref_slice %arg6[%dma_wait3A_209, %dma_wait3A_210] : memref<64x1000000xf32, #tpu.memory_space<hbm>> -> memref<64x128xf32, #tpu.memory_space<hbm>>
    %dma_wait3A_212 = arith.constant 0 : i32
    %dma_wait3A_213 = arith.constant 0 : i32
    %dma_wait3A_214 = tpu.memref_slice %dma_wait3A_211[%dma_wait3A_212, %dma_wait3A_213] : memref<64x128xf32, #tpu.memory_space<hbm>> -> memref<64x128xf32, #tpu.memory_space<hbm>>
    tpu.wait_indirect_dma semaphore(%arg27 : memref<!tpu.dma_semaphore, #tpu.memory_space<semaphore_mem>>) src(%dma_wait3A_205 : memref<63x128xf32, #tpu.memory_space<vmem>>) dst(%dma_wait3A_214 : memref<64x128xf32, #tpu.memory_space<hbm>>)
    %dma_wait3A_215 = arith.constant 0 : i32
    %dma_wait3A_216 = arith.constant 0 : i32
    %dma_wait3A_217 = arith.constant 128 : i32
    %dma_wait3A_218 = tpu.memref_slice %arg15[%dma_wait3A_216, %dma_wait3A_217] : memref<63x256xf32, #tpu.memory_space<vmem>> -> memref<63x128xf32, #tpu.memory_space<vmem>>
    %dma_wait3A_219 = arith.constant 0 : i32
    %dma_wait3A_220 = tpu.memref_slice %arg7[%dma_wait3A_215, %dma_wait3A_219] : memref<1x63xi32, #tpu.memory_space<vmem>> -> memref<1x63xi32, #tpu.memory_space<vmem>>
    %dma_wait3A_221 = tpu.memref_squeeze %dma_wait3A_220 : memref<1x63xi32, #tpu.memory_space<vmem>> -> memref<63xi32, #tpu.memory_space<vmem>>
    %dma_wait3A_222 = arith.constant 0 : i32
    %dma_wait3A_223 = arith.constant 128 : i32
    %dma_wait3A_224 = tpu.memref_slice %arg6[%dma_wait3A_222, %dma_wait3A_223] : memref<64x1000000xf32, #tpu.memory_space<hbm>> -> memref<64x128xf32, #tpu.memory_space<hbm>>
    %dma_wait3A_225 = arith.constant 0 : i32
    %dma_wait3A_226 = arith.constant 0 : i32
    %dma_wait3A_227 = tpu.memref_slice %dma_wait3A_224[%dma_wait3A_225, %dma_wait3A_226] : memref<64x128xf32, #tpu.memory_space<hbm>> -> memref<64x128xf32, #tpu.memory_space<hbm>>
    tpu.wait_indirect_dma semaphore(%arg27 : memref<!tpu.dma_semaphore, #tpu.memory_space<semaphore_mem>>) src(%dma_wait3A_218 : memref<63x128xf32, #tpu.memory_space<vmem>>) dst(%dma_wait3A_227 : memref<64x128xf32, #tpu.memory_space<hbm>>)
    %dma_wait3A_228 = arith.constant 0 : i32
    %dma_wait3A_229 = arith.constant 0 : i32
    %dma_wait3A_230 = tpu.memref_slice %arg8[%dma_wait3A_228, %dma_wait3A_229] : memref<1x1xi32, #tpu.memory_space<vmem>> -> memref<1x1xi32, #tpu.memory_space<vmem>>
    %dma_wait3A_231 = tpu.memref_squeeze %dma_wait3A_230 : memref<1x1xi32, #tpu.memory_space<vmem>> -> memref<1xi32, #tpu.memory_space<vmem>>
    %dma_wait3A_232 = arith.constant 0 : i32
    %dma_wait3A_233 = arith.constant 0 : i32
    %dma_wait3A_234 = tpu.memref_slice %arg6[%dma_wait3A_232, %dma_wait3A_233] : memref<64x1000000xf32, #tpu.memory_space<hbm>> -> memref<64x256xf32, #tpu.memory_space<hbm>>
    %dma_wait3A_235 = arith.constant 0 : i32
    %dma_wait3A_236 = arith.constant 0 : i32
    %dma_wait3A_237 = tpu.memref_slice %dma_wait3A_234[%dma_wait3A_235, %dma_wait3A_236] : memref<64x256xf32, #tpu.memory_space<hbm>> -> memref<64x256xf32, #tpu.memory_space<hbm>>
    tpu.wait_indirect_dma semaphore(%arg27 : memref<!tpu.dma_semaphore, #tpu.memory_space<semaphore_mem>>) src(%arg19 : memref<1x256xf32, #tpu.memory_space<vmem>>) dst(%dma_wait3A_237 : memref<64x256xf32, #tpu.memory_space<hbm>>)
    %dma_wait3A_238 = arith.constant 0 : i32
    %dma_wait3A_239 = arith.constant 0 : i32
    %dma_wait3A_240 = tpu.memref_slice %arg5[%dma_wait3A_238, %dma_wait3A_239] : memref<63x1000000xf32, #tpu.memory_space<hbm>> -> memref<63x256xf32, #tpu.memory_space<hbm>>
    %dma_wait3A_241 = arith.constant 0 : i32
    %dma_wait3A_242 = arith.constant 0 : i32
    %dma_wait3A_243 = tpu.memref_slice %arg5[%dma_wait3A_241, %dma_wait3A_242] : memref<63x1000000xf32, #tpu.memory_space<hbm>> -> memref<63x256xf32, #tpu.memory_space<hbm>>
    tpu.wait_dma2 semaphore(%arg22 : memref<!tpu.dma_semaphore, #tpu.memory_space<semaphore_mem>>) src(%dma_wait3A_243 : memref<63x256xf32, #tpu.memory_space<hbm>>) dst(%arg14 : memref<63x256xf32, #tpu.memory_space<vmem>>)
    %dma_wait3A_244 = arith.constant 0 : i32
    %dma_wait3A_245 = arith.constant 0 : i32
    %dma_wait3A_246 = tpu.memref_slice %arg4[%dma_wait3A_244, %dma_wait3A_245] : memref<64x1000000xf32, #tpu.memory_space<hbm>> -> memref<8x256xf32, #tpu.memory_space<hbm>>
    %dma_wait3A_247 = arith.constant 0 : i32
    %dma_wait3A_248 = arith.constant 0 : i32
    %dma_wait3A_249 = tpu.memref_slice %arg4[%dma_wait3A_247, %dma_wait3A_248] : memref<64x1000000xf32, #tpu.memory_space<hbm>> -> memref<8x256xf32, #tpu.memory_space<hbm>>
    tpu.wait_dma2 semaphore(%arg22 : memref<!tpu.dma_semaphore, #tpu.memory_space<semaphore_mem>>) src(%dma_wait3A_249 : memref<8x256xf32, #tpu.memory_space<hbm>>) dst(%arg10 : memref<8x256xf32, #tpu.memory_space<vmem>>)
    %get3A_250 = arith.constant 0 : i32
    %get3A_251 = arith.index_cast %get3A_250 : i32 to index
    %get3A_252 = arith.constant 0 : index
    %get3A_253 = tpu.vector_load %arg10[%get3A_251, %get3A_252] {strides = array<i32>} : memref<8x256xf32, #tpu.memory_space<vmem>>, vector<16xf32>,
    %swap3A_254 = arith.constant 0 : i32
    %swap3A_255 = arith.index_cast %swap3A_254 : i32 to index
    %swap3A_256 = arith.constant 0 : index
    %swap3A_257 = tpu.vector_load %arg18[%swap3A_255, %swap3A_256] {strides = array<i32>} : memref<1x256xf32, #tpu.memory_space<vmem>>, vector<16xf32>,
    tpu.vector_store %arg18[%swap3A_255, %swap3A_256], %get3A_253 {strides = array<i32>} : memref<1x256xf32, #tpu.memory_space<vmem>>, vector<16xf32>,
    %get3A_258 = arith.constant 0 : i32
    %get3A_259 = arith.index_cast %get3A_258 : i32 to index
    %get3A_260 = arith.constant 16 : index
    %get3A_261 = tpu.vector_load %arg10[%get3A_259, %get3A_260] {strides = array<i32>} : memref<8x256xf32, #tpu.memory_space<vmem>>, vector<16xf32>,
    %swap3A_262 = arith.constant 0 : i32
    %swap3A_263 = arith.index_cast %swap3A_262 : i32 to index
    %swap3A_264 = arith.constant 16 : index
    %swap3A_265 = tpu.vector_load %arg18[%swap3A_263, %swap3A_264] {strides = array<i32>} : memref<1x256xf32, #tpu.memory_space<vmem>>, vector<16xf32>,
    tpu.vector_store %arg18[%swap3A_263, %swap3A_264], %get3A_261 {strides = array<i32>} : memref<1x256xf32, #tpu.memory_space<vmem>>, vector<16xf32>,
    %get3A_266 = arith.constant 0 : i32
    %get3A_267 = arith.index_cast %get3A_266 : i32 to index
    %get3A_268 = arith.constant 32 : index
    %get3A_269 = tpu.vector_load %arg10[%get3A_267, %get3A_268] {strides = array<i32>} : memref<8x256xf32, #tpu.memory_space<vmem>>, vector<16xf32>,
    %swap3A_270 = arith.constant 0 : i32
    %swap3A_271 = arith.index_cast %swap3A_270 : i32 to index
    %swap3A_272 = arith.constant 32 : index
    %swap3A_273 = tpu.vector_load %arg18[%swap3A_271, %swap3A_272] {strides = array<i32>} : memref<1x256xf32, #tpu.memory_space<vmem>>, vector<16xf32>,
    tpu.vector_store %arg18[%swap3A_271, %swap3A_272], %get3A_269 {strides = array<i32>} : memref<1x256xf32, #tpu.memory_space<vmem>>, vector<16xf32>,
    %get3A_274 = arith.constant 0 : i32
    %get3A_275 = arith.index_cast %get3A_274 : i32 to index
    %get3A_276 = arith.constant 48 : index
    %get3A_277 = tpu.vector_load %arg10[%get3A_275, %get3A_276] {strides = array<i32>} : memref<8x256xf32, #tpu.memory_space<vmem>>, vector<16xf32>,
    %swap3A_278 = arith.constant 0 : i32
    %swap3A_279 = arith.index_cast %swap3A_278 : i32 to index
    %swap3A_280 = arith.constant 48 : index
    %swap3A_281 = tpu.vector_load %arg18[%swap3A_279, %swap3A_280] {strides = array<i32>} : memref<1x256xf32, #tpu.memory_space<vmem>>, vector<16xf32>,
    tpu.vector_store %arg18[%swap3A_279, %swap3A_280], %get3A_277 {strides = array<i32>} : memref<1x256xf32, #tpu.memory_space<vmem>>, vector<16xf32>,
    %get3A_282 = arith.constant 0 : i32
    %get3A_283 = arith.index_cast %get3A_282 : i32 to index
    %get3A_284 = arith.constant 64 : index
    %get3A_285 = tpu.vector_load %arg10[%get3A_283, %get3A_284] {strides = array<i32>} : memref<8x256xf32, #tpu.memory_space<vmem>>, vector<16xf32>,
    %swap3A_286 = arith.constant 0 : i32
    %swap3A_287 = arith.index_cast %swap3A_286 : i32 to index
    %swap3A_288 = arith.constant 64 : index
    %swap3A_289 = tpu.vector_load %arg18[%swap3A_287, %swap3A_288] {strides = array<i32>} : memref<1x256xf32, #tpu.memory_space<vmem>>, vector<16xf32>,
    tpu.vector_store %arg18[%swap3A_287, %swap3A_288], %get3A_285 {strides = array<i32>} : memref<1x256xf32, #tpu.memory_space<vmem>>, vector<16xf32>,
    %get3A_290 = arith.constant 0 : i32
    %get3A_291 = arith.index_cast %get3A_290 : i32 to index
    %get3A_292 = arith.constant 80 : index
    %get3A_293 = tpu.vector_load %arg10[%get3A_291, %get3A_292] {strides = array<i32>} : memref<8x256xf32, #tpu.memory_space<vmem>>, vector<16xf32>,
    %swap3A_294 = arith.constant 0 : i32
    %swap3A_295 = arith.index_cast %swap3A_294 : i32 to index
    %swap3A_296 = arith.constant 80 : index
    %swap3A_297 = tpu.vector_load %arg18[%swap3A_295, %swap3A_296] {strides = array<i32>} : memref<1x256xf32, #tpu.memory_space<vmem>>, vector<16xf32>,
    tpu.vector_store %arg18[%swap3A_295, %swap3A_296], %get3A_293 {strides = array<i32>} : memref<1x256xf32, #tpu.memory_space<vmem>>, vector<16xf32>,
    %get3A_298 = arith.constant 0 : i32
    %get3A_299 = arith.index_cast %get3A_298 : i32 to index
    %get3A_300 = arith.constant 96 : index
    %get3A_301 = tpu.vector_load %arg10[%get3A_299, %get3A_300] {strides = array<i32>} : memref<8x256xf32, #tpu.memory_space<vmem>>, vector<16xf32>,
    %swap3A_302 = arith.constant 0 : i32
    %swap3A_303 = arith.index_cast %swap3A_302 : i32 to index
    %swap3A_304 = arith.constant 96 : index
    %swap3A_305 = tpu.vector_load %arg18[%swap3A_303, %swap3A_304] {strides = array<i32>} : memref<1x256xf32, #tpu.memory_space<vmem>>, vector<16xf32>,
    tpu.vector_store %arg18[%swap3A_303, %swap3A_304], %get3A_301 {strides = array<i32>} : memref<1x256xf32, #tpu.memory_space<vmem>>, vector<16xf32>,
    %get3A_306 = arith.constant 0 : i32
    %get3A_307 = arith.index_cast %get3A_306 : i32 to index
    %get3A_308 = arith.constant 112 : index
    %get3A_309 = tpu.vector_load %arg10[%get3A_307, %get3A_308] {strides = array<i32>} : memref<8x256xf32, #tpu.memory_space<vmem>>, vector<16xf32>,
    %swap3A_310 = arith.constant 0 : i32
    %swap3A_311 = arith.index_cast %swap3A_310 : i32 to index
    %swap3A_312 = arith.constant 112 : index
    %swap3A_313 = tpu.vector_load %arg18[%swap3A_311, %swap3A_312] {strides = array<i32>} : memref<1x256xf32, #tpu.memory_space<vmem>>, vector<16xf32>,
    tpu.vector_store %arg18[%swap3A_311, %swap3A_312], %get3A_309 {strides = array<i32>} : memref<1x256xf32, #tpu.memory_space<vmem>>, vector<16xf32>,
    %get3A_314 = arith.constant 0 : i32
    %get3A_315 = arith.index_cast %get3A_314 : i32 to index
    %get3A_316 = arith.constant 128 : index
    %get3A_317 = tpu.vector_load %arg10[%get3A_315, %get3A_316] {strides = array<i32>} : memref<8x256xf32, #tpu.memory_space<vmem>>, vector<16xf32>,
    %swap3A_318 = arith.constant 0 : i32
    %swap3A_319 = arith.index_cast %swap3A_318 : i32 to index
    %swap3A_320 = arith.constant 128 : index
    %swap3A_321 = tpu.vector_load %arg18[%swap3A_319, %swap3A_320] {strides = array<i32>} : memref<1x256xf32, #tpu.memory_space<vmem>>, vector<16xf32>,
    tpu.vector_store %arg18[%swap3A_319, %swap3A_320], %get3A_317 {strides = array<i32>} : memref<1x256xf32, #tpu.memory_space<vmem>>, vector<16xf32>,
    %get3A_322 = arith.constant 0 : i32
    %get3A_323 = arith.index_cast %get3A_322 : i32 to index
    %get3A_324 = arith.constant 144 : index
    %get3A_325 = tpu.vector_load %arg10[%get3A_323, %get3A_324] {strides = array<i32>} : memref<8x256xf32, #tpu.memory_space<vmem>>, vector<16xf32>,
    %swap3A_326 = arith.constant 0 : i32
    %swap3A_327 = arith.index_cast %swap3A_326 : i32 to index
    %swap3A_328 = arith.constant 144 : index
    %swap3A_329 = tpu.vector_load %arg18[%swap3A_327, %swap3A_328] {strides = array<i32>} : memref<1x256xf32, #tpu.memory_space<vmem>>, vector<16xf32>,
    tpu.vector_store %arg18[%swap3A_327, %swap3A_328], %get3A_325 {strides = array<i32>} : memref<1x256xf32, #tpu.memory_space<vmem>>, vector<16xf32>,
    %get3A_330 = arith.constant 0 : i32
    %get3A_331 = arith.index_cast %get3A_330 : i32 to index
    %get3A_332 = arith.constant 160 : index
    %get3A_333 = tpu.vector_load %arg10[%get3A_331, %get3A_332] {strides = array<i32>} : memref<8x256xf32, #tpu.memory_space<vmem>>, vector<16xf32>,
    %swap3A_334 = arith.constant 0 : i32
    %swap3A_335 = arith.index_cast %swap3A_334 : i32 to index
    %swap3A_336 = arith.constant 160 : index
    %swap3A_337 = tpu.vector_load %arg18[%swap3A_335, %swap3A_336] {strides = array<i32>} : memref<1x256xf32, #tpu.memory_space<vmem>>, vector<16xf32>,
    tpu.vector_store %arg18[%swap3A_335, %swap3A_336], %get3A_333 {strides = array<i32>} : memref<1x256xf32, #tpu.memory_space<vmem>>, vector<16xf32>,
    %get3A_338 = arith.constant 0 : i32
    %get3A_339 = arith.index_cast %get3A_338 : i32 to index
    %get3A_340 = arith.constant 176 : index
    %get3A_341 = tpu.vector_load %arg10[%get3A_339, %get3A_340] {strides = array<i32>} : memref<8x256xf32, #tpu.memory_space<vmem>>, vector<16xf32>,
    %swap3A_342 = arith.constant 0 : i32
    %swap3A_343 = arith.index_cast %swap3A_342 : i32 to index
    %swap3A_344 = arith.constant 176 : index
    %swap3A_345 = tpu.vector_load %arg18[%swap3A_343, %swap3A_344] {strides = array<i32>} : memref<1x256xf32, #tpu.memory_space<vmem>>, vector<16xf32>,
    tpu.vector_store %arg18[%swap3A_343, %swap3A_344], %get3A_341 {strides = array<i32>} : memref<1x256xf32, #tpu.memory_space<vmem>>, vector<16xf32>,
    %get3A_346 = arith.constant 0 : i32
    %get3A_347 = arith.index_cast %get3A_346 : i32 to index
    %get3A_348 = arith.constant 192 : index
    %get3A_349 = tpu.vector_load %arg10[%get3A_347, %get3A_348] {strides = array<i32>} : memref<8x256xf32, #tpu.memory_space<vmem>>, vector<16xf32>,
    %swap3A_350 = arith.constant 0 : i32
    %swap3A_351 = arith.index_cast %swap3A_350 : i32 to index
    %swap3A_352 = arith.constant 192 : index
    %swap3A_353 = tpu.vector_load %arg18[%swap3A_351, %swap3A_352] {strides = array<i32>} : memref<1x256xf32, #tpu.memory_space<vmem>>, vector<16xf32>,
    tpu.vector_store %arg18[%swap3A_351, %swap3A_352], %get3A_349 {strides = array<i32>} : memref<1x256xf32, #tpu.memory_space<vmem>>, vector<16xf32>,
    %get3A_354 = arith.constant 0 : i32
    %get3A_355 = arith.index_cast %get3A_354 : i32 to index
    %get3A_356 = arith.constant 208 : index
    %get3A_357 = tpu.vector_load %arg10[%get3A_355, %get3A_356] {strides = array<i32>} : memref<8x256xf32, #tpu.memory_space<vmem>>, vector<16xf32>,
    %swap3A_358 = arith.constant 0 : i32
    %swap3A_359 = arith.index_cast %swap3A_358 : i32 to index
    %swap3A_360 = arith.constant 208 : index
    %swap3A_361 = tpu.vector_load %arg18[%swap3A_359, %swap3A_360] {strides = array<i32>} : memref<1x256xf32, #tpu.memory_space<vmem>>, vector<16xf32>,
    tpu.vector_store %arg18[%swap3A_359, %swap3A_360], %get3A_357 {strides = array<i32>} : memref<1x256xf32, #tpu.memory_space<vmem>>, vector<16xf32>,
    %get3A_362 = arith.constant 0 : i32
    %get3A_363 = arith.index_cast %get3A_362 : i32 to index
    %get3A_364 = arith.constant 224 : index
    %get3A_365 = tpu.vector_load %arg10[%get3A_363, %get3A_364] {strides = array<i32>} : memref<8x256xf32, #tpu.memory_space<vmem>>, vector<16xf32>,
    %swap3A_366 = arith.constant 0 : i32
    %swap3A_367 = arith.index_cast %swap3A_366 : i32 to index
    %swap3A_368 = arith.constant 224 : index
    %swap3A_369 = tpu.vector_load %arg18[%swap3A_367, %swap3A_368] {strides = array<i32>} : memref<1x256xf32, #tpu.memory_space<vmem>>, vector<16xf32>,
    tpu.vector_store %arg18[%swap3A_367, %swap3A_368], %get3A_365 {strides = array<i32>} : memref<1x256xf32, #tpu.memory_space<vmem>>, vector<16xf32>,
    %get3A_370 = arith.constant 0 : i32
    %get3A_371 = arith.index_cast %get3A_370 : i32 to index
    %get3A_372 = arith.constant 240 : index
    %get3A_373 = tpu.vector_load %arg10[%get3A_371, %get3A_372] {strides = array<i32>} : memref<8x256xf32, #tpu.memory_space<vmem>>, vector<16xf32>,
    %swap3A_374 = arith.constant 0 : i32
    %swap3A_375 = arith.index_cast %swap3A_374 : i32 to index
    %swap3A_376 = arith.constant 240 : index
    %swap3A_377 = tpu.vector_load %arg18[%swap3A_375, %swap3A_376] {strides = array<i32>} : memref<1x256xf32, #tpu.memory_space<vmem>>, vector<16xf32>,
    tpu.vector_store %arg18[%swap3A_375, %swap3A_376], %get3A_373 {strides = array<i32>} : memref<1x256xf32, #tpu.memory_space<vmem>>, vector<16xf32>,
    %add3A_378 = arith.constant 30976 : i32
    %add3A_379 = arith.addi %mul3A_2, %add3A_378 : i32
    %add3A_380 = arith.constant 0 : i32
    %add3A_381 = arith.addi %add3A_379, %add3A_380 : i32
    %dma_start3A_382 = arith.constant 0 : i32
    %dma_start3A_383 = arith.constant 0 : i32
    %dma_start3A_384 = arith.constant 0 : i32
    %dma_start3A_385 = tpu.memref_slice %arg14[%dma_start3A_383, %dma_start3A_384] : memref<63x256xf32, #tpu.memory_space<vmem>> -> memref<63x128xf32, #tpu.memory_space<vmem>>
    %dma_start3A_386 = arith.constant 0 : i32
    %dma_start3A_387 = tpu.memref_slice %arg7[%dma_start3A_382, %dma_start3A_386] : memref<1x63xi32, #tpu.memory_space<vmem>> -> memref<1x63xi32, #tpu.memory_space<vmem>>
    %dma_start3A_388 = tpu.memref_squeeze %dma_start3A_387 : memref<1x63xi32, #tpu.memory_space<vmem>> -> memref<63xi32, #tpu.memory_space<vmem>>
    %dma_start3A_389 = arith.constant 0 : i32
    %dma_start3A_390 = tpu.memref_slice %arg6[%dma_start3A_389, %add3A_381] : memref<64x1000000xf32, #tpu.memory_space<hbm>> -> memref<64x128xf32, #tpu.memory_space<hbm>>
    %dma_start3A_391 = arith.constant 0 : i32
    %dma_start3A_392 = arith.constant 0 : i32
    %dma_start3A_393 = tpu.memref_slice %dma_start3A_390[%dma_start3A_391, %dma_start3A_392] : memref<64x128xf32, #tpu.memory_space<hbm>> -> memref<64x128xf32, #tpu.memory_space<hbm>>
    tpu.enqueue_indirect_dma source(%dma_start3A_385 : memref<63x128xf32, #tpu.memory_space<vmem>>) target(%dma_start3A_393 : memref<64x128xf32, #tpu.memory_space<hbm>>) offsets(%dma_start3A_388 : memref<63xi32, #tpu.memory_space<vmem>>) semaphore(%arg26 : memref<!tpu.dma_semaphore, #tpu.memory_space<semaphore_mem>>)
    %add3A_394 = arith.constant 128 : i32
    %add3A_395 = arith.addi %add3A_379, %add3A_394 : i32
    %dma_start3A_396 = arith.constant 0 : i32
    %dma_start3A_397 = arith.constant 0 : i32
    %dma_start3A_398 = arith.constant 128 : i32
    %dma_start3A_399 = tpu.memref_slice %arg14[%dma_start3A_397, %dma_start3A_398] : memref<63x256xf32, #tpu.memory_space<vmem>> -> memref<63x128xf32, #tpu.memory_space<vmem>>
    %dma_start3A_400 = arith.constant 0 : i32
    %dma_start3A_401 = tpu.memref_slice %arg7[%dma_start3A_396, %dma_start3A_400] : memref<1x63xi32, #tpu.memory_space<vmem>> -> memref<1x63xi32, #tpu.memory_space<vmem>>
    %dma_start3A_402 = tpu.memref_squeeze %dma_start3A_401 : memref<1x63xi32, #tpu.memory_space<vmem>> -> memref<63xi32, #tpu.memory_space<vmem>>
    %dma_start3A_403 = arith.constant 0 : i32
    %dma_start3A_404 = tpu.memref_slice %arg6[%dma_start3A_403, %add3A_395] : memref<64x1000000xf32, #tpu.memory_space<hbm>> -> memref<64x128xf32, #tpu.memory_space<hbm>>
    %dma_start3A_405 = arith.constant 0 : i32
    %dma_start3A_406 = arith.constant 0 : i32
    %dma_start3A_407 = tpu.memref_slice %dma_start3A_404[%dma_start3A_405, %dma_start3A_406] : memref<64x128xf32, #tpu.memory_space<hbm>> -> memref<64x128xf32, #tpu.memory_space<hbm>>
    tpu.enqueue_indirect_dma source(%dma_start3A_399 : memref<63x128xf32, #tpu.memory_space<vmem>>) target(%dma_start3A_407 : memref<64x128xf32, #tpu.memory_space<hbm>>) offsets(%dma_start3A_402 : memref<63xi32, #tpu.memory_space<vmem>>) semaphore(%arg26 : memref<!tpu.dma_semaphore, #tpu.memory_space<semaphore_mem>>)
    %dma_start3A_408 = arith.constant 0 : i32
    %dma_start3A_409 = arith.constant 0 : i32
    %dma_start3A_410 = tpu.memref_slice %arg8[%dma_start3A_408, %dma_start3A_409] : memref<1x1xi32, #tpu.memory_space<vmem>> -> memref<1x1xi32, #tpu.memory_space<vmem>>
    %dma_start3A_411 = tpu.memref_squeeze %dma_start3A_410 : memref<1x1xi32, #tpu.memory_space<vmem>> -> memref<1xi32, #tpu.memory_space<vmem>>
    %dma_start3A_412 = arith.constant 0 : i32
    %dma_start3A_413 = tpu.memref_slice %arg6[%dma_start3A_412, %add3A_379] : memref<64x1000000xf32, #tpu.memory_space<hbm>> -> memref<64x256xf32, #tpu.memory_space<hbm>>
    %dma_start3A_414 = arith.constant 0 : i32
    %dma_start3A_415 = arith.constant 0 : i32
    %dma_start3A_416 = tpu.memref_slice %dma_start3A_413[%dma_start3A_414, %dma_start3A_415] : memref<64x256xf32, #tpu.memory_space<hbm>> -> memref<64x256xf32, #tpu.memory_space<hbm>>
    tpu.enqueue_indirect_dma source(%arg18 : memref<1x256xf32, #tpu.memory_space<vmem>>) target(%dma_start3A_416 : memref<64x256xf32, #tpu.memory_space<hbm>>) offsets(%dma_start3A_411 : memref<1xi32, #tpu.memory_space<vmem>>) semaphore(%arg26 : memref<!tpu.dma_semaphore, #tpu.memory_space<semaphore_mem>>)
    %dma_wait3A_417 = arith.constant 0 : i32
    %dma_wait3A_418 = arith.constant 0 : i32
    %dma_wait3A_419 = arith.constant 0 : i32
    %dma_wait3A_420 = tpu.memref_slice %arg16[%dma_wait3A_418, %dma_wait3A_419] : memref<63x256xf32, #tpu.memory_space<vmem>> -> memref<63x128xf32, #tpu.memory_space<vmem>>
    %dma_wait3A_421 = arith.constant 0 : i32
    %dma_wait3A_422 = tpu.memref_slice %arg7[%dma_wait3A_417, %dma_wait3A_421] : memref<1x63xi32, #tpu.memory_space<vmem>> -> memref<1x63xi32, #tpu.memory_space<vmem>>
    %dma_wait3A_423 = tpu.memref_squeeze %dma_wait3A_422 : memref<1x63xi32, #tpu.memory_space<vmem>> -> memref<63xi32, #tpu.memory_space<vmem>>
    %dma_wait3A_424 = arith.constant 0 : i32
    %dma_wait3A_425 = arith.constant 0 : i32
    %dma_wait3A_426 = tpu.memref_slice %arg6[%dma_wait3A_424, %dma_wait3A_425] : memref<64x1000000xf32, #tpu.memory_space<hbm>> -> memref<64x128xf32, #tpu.memory_space<hbm>>
    %dma_wait3A_427 = arith.constant 0 : i32
    %dma_wait3A_428 = arith.constant 0 : i32
    %dma_wait3A_429 = tpu.memref_slice %dma_wait3A_426[%dma_wait3A_427, %dma_wait3A_428] : memref<64x128xf32, #tpu.memory_space<hbm>> -> memref<64x128xf32, #tpu.memory_space<hbm>>
    tpu.wait_indirect_dma semaphore(%arg28 : memref<!tpu.dma_semaphore, #tpu.memory_space<semaphore_mem>>) src(%dma_wait3A_420 : memref<63x128xf32, #tpu.memory_space<vmem>>) dst(%dma_wait3A_429 : memref<64x128xf32, #tpu.memory_space<hbm>>)
    %dma_wait3A_430 = arith.constant 0 : i32
    %dma_wait3A_431 = arith.constant 0 : i32
    %dma_wait3A_432 = arith.constant 128 : i32
    %dma_wait3A_433 = tpu.memref_slice %arg16[%dma_wait3A_431, %dma_wait3A_432] : memref<63x256xf32, #tpu.memory_space<vmem>> -> memref<63x128xf32, #tpu.memory_space<vmem>>
    %dma_wait3A_434 = arith.constant 0 : i32
    %dma_wait3A_435 = tpu.memref_slice %arg7[%dma_wait3A_430, %dma_wait3A_434] : memref<1x63xi32, #tpu.memory_space<vmem>> -> memref<1x63xi32, #tpu.memory_space<vmem>>
    %dma_wait3A_436 = tpu.memref_squeeze %dma_wait3A_435 : memref<1x63xi32, #tpu.memory_space<vmem>> -> memref<63xi32, #tpu.memory_space<vmem>>
    %dma_wait3A_437 = arith.constant 0 : i32
    %dma_wait3A_438 = arith.constant 128 : i32
    %dma_wait3A_439 = tpu.memref_slice %arg6[%dma_wait3A_437, %dma_wait3A_438] : memref<64x1000000xf32, #tpu.memory_space<hbm>> -> memref<64x128xf32, #tpu.memory_space<hbm>>
    %dma_wait3A_440 = arith.constant 0 : i32
    %dma_wait3A_441 = arith.constant 0 : i32
    %dma_wait3A_442 = tpu.memref_slice %dma_wait3A_439[%dma_wait3A_440, %dma_wait3A_441] : memref<64x128xf32, #tpu.memory_space<hbm>> -> memref<64x128xf32, #tpu.memory_space<hbm>>
    tpu.wait_indirect_dma semaphore(%arg28 : memref<!tpu.dma_semaphore, #tpu.memory_space<semaphore_mem>>) src(%dma_wait3A_433 : memref<63x128xf32, #tpu.memory_space<vmem>>) dst(%dma_wait3A_442 : memref<64x128xf32, #tpu.memory_space<hbm>>)
    %dma_wait3A_443 = arith.constant 0 : i32
    %dma_wait3A_444 = arith.constant 0 : i32
    %dma_wait3A_445 = tpu.memref_slice %arg8[%dma_wait3A_443, %dma_wait3A_444] : memref<1x1xi32, #tpu.memory_space<vmem>> -> memref<1x1xi32, #tpu.memory_space<vmem>>
    %dma_wait3A_446 = tpu.memref_squeeze %dma_wait3A_445 : memref<1x1xi32, #tpu.memory_space<vmem>> -> memref<1xi32, #tpu.memory_space<vmem>>
    %dma_wait3A_447 = arith.constant 0 : i32
    %dma_wait3A_448 = arith.constant 0 : i32
    %dma_wait3A_449 = tpu.memref_slice %arg6[%dma_wait3A_447, %dma_wait3A_448] : memref<64x1000000xf32, #tpu.memory_space<hbm>> -> memref<64x256xf32, #tpu.memory_space<hbm>>
    %dma_wait3A_450 = arith.constant 0 : i32
    %dma_wait3A_451 = arith.constant 0 : i32
    %dma_wait3A_452 = tpu.memref_slice %dma_wait3A_449[%dma_wait3A_450, %dma_wait3A_451] : memref<64x256xf32, #tpu.memory_space<hbm>> -> memref<64x256xf32, #tpu.memory_space<hbm>>
    tpu.wait_indirect_dma semaphore(%arg28 : memref<!tpu.dma_semaphore, #tpu.memory_space<semaphore_mem>>) src(%arg20 : memref<1x256xf32, #tpu.memory_space<vmem>>) dst(%dma_wait3A_452 : memref<64x256xf32, #tpu.memory_space<hbm>>)
    %dma_wait3A_453 = arith.constant 0 : i32
    %dma_wait3A_454 = arith.constant 0 : i32
    %dma_wait3A_455 = arith.constant 0 : i32
    %dma_wait3A_456 = tpu.memref_slice %arg13[%dma_wait3A_454, %dma_wait3A_455] : memref<63x256xf32, #tpu.memory_space<vmem>> -> memref<63x128xf32, #tpu.memory_space<vmem>>
    %dma_wait3A_457 = arith.constant 0 : i32
    %dma_wait3A_458 = tpu.memref_slice %arg7[%dma_wait3A_453, %dma_wait3A_457] : memref<1x63xi32, #tpu.memory_space<vmem>> -> memref<1x63xi32, #tpu.memory_space<vmem>>
    %dma_wait3A_459 = tpu.memref_squeeze %dma_wait3A_458 : memref<1x63xi32, #tpu.memory_space<vmem>> -> memref<63xi32, #tpu.memory_space<vmem>>
    %dma_wait3A_460 = arith.constant 0 : i32
    %dma_wait3A_461 = arith.constant 0 : i32
    %dma_wait3A_462 = tpu.memref_slice %arg6[%dma_wait3A_460, %dma_wait3A_461] : memref<64x1000000xf32, #tpu.memory_space<hbm>> -> memref<64x128xf32, #tpu.memory_space<hbm>>
    %dma_wait3A_463 = arith.constant 0 : i32
    %dma_wait3A_464 = arith.constant 0 : i32
    %dma_wait3A_465 = tpu.memref_slice %dma_wait3A_462[%dma_wait3A_463, %dma_wait3A_464] : memref<64x128xf32, #tpu.memory_space<hbm>> -> memref<64x128xf32, #tpu.memory_space<hbm>>
    tpu.wait_indirect_dma semaphore(%arg25 : memref<!tpu.dma_semaphore, #tpu.memory_space<semaphore_mem>>) src(%dma_wait3A_456 : memref<63x128xf32, #tpu.memory_space<vmem>>) dst(%dma_wait3A_465 : memref<64x128xf32, #tpu.memory_space<hbm>>)
    %dma_wait3A_466 = arith.constant 0 : i32
    %dma_wait3A_467 = arith.constant 0 : i32
    %dma_wait3A_468 = arith.constant 128 : i32
    %dma_wait3A_469 = tpu.memref_slice %arg13[%dma_wait3A_467, %dma_wait3A_468] : memref<63x256xf32, #tpu.memory_space<vmem>> -> memref<63x128xf32, #tpu.memory_space<vmem>>
    %dma_wait3A_470 = arith.constant 0 : i32
    %dma_wait3A_471 = tpu.memref_slice %arg7[%dma_wait3A_466, %dma_wait3A_470] : memref<1x63xi32, #tpu.memory_space<vmem>> -> memref<1x63xi32, #tpu.memory_space<vmem>>
    %dma_wait3A_472 = tpu.memref_squeeze %dma_wait3A_471 : memref<1x63xi32, #tpu.memory_space<vmem>> -> memref<63xi32, #tpu.memory_space<vmem>>
    %dma_wait3A_473 = arith.constant 0 : i32
    %dma_wait3A_474 = arith.constant 128 : i32
    %dma_wait3A_475 = tpu.memref_slice %arg6[%dma_wait3A_473, %dma_wait3A_474] : memref<64x1000000xf32, #tpu.memory_space<hbm>> -> memref<64x128xf32, #tpu.memory_space<hbm>>
    %dma_wait3A_476 = arith.constant 0 : i32
    %dma_wait3A_477 = arith.constant 0 : i32
    %dma_wait3A_478 = tpu.memref_slice %dma_wait3A_475[%dma_wait3A_476, %dma_wait3A_477] : memref<64x128xf32, #tpu.memory_space<hbm>> -> memref<64x128xf32, #tpu.memory_space<hbm>>
    tpu.wait_indirect_dma semaphore(%arg25 : memref<!tpu.dma_semaphore, #tpu.memory_space<semaphore_mem>>) src(%dma_wait3A_469 : memref<63x128xf32, #tpu.memory_space<vmem>>) dst(%dma_wait3A_478 : memref<64x128xf32, #tpu.memory_space<hbm>>)
    %dma_wait3A_479 = arith.constant 0 : i32
    %dma_wait3A_480 = arith.constant 0 : i32
    %dma_wait3A_481 = tpu.memref_slice %arg8[%dma_wait3A_479, %dma_wait3A_480] : memref<1x1xi32, #tpu.memory_space<vmem>> -> memref<1x1xi32, #tpu.memory_space<vmem>>
    %dma_wait3A_482 = tpu.memref_squeeze %dma_wait3A_481 : memref<1x1xi32, #tpu.memory_space<vmem>> -> memref<1xi32, #tpu.memory_space<vmem>>
    %dma_wait3A_483 = arith.constant 0 : i32
    %dma_wait3A_484 = arith.constant 0 : i32
    %dma_wait3A_485 = tpu.memref_slice %arg6[%dma_wait3A_483, %dma_wait3A_484] : memref<64x1000000xf32, #tpu.memory_space<hbm>> -> memref<64x256xf32, #tpu.memory_space<hbm>>
    %dma_wait3A_486 = arith.constant 0 : i32
    %dma_wait3A_487 = arith.constant 0 : i32
    %dma_wait3A_488 = tpu.memref_slice %dma_wait3A_485[%dma_wait3A_486, %dma_wait3A_487] : memref<64x256xf32, #tpu.memory_space<hbm>> -> memref<64x256xf32, #tpu.memory_space<hbm>>
    tpu.wait_indirect_dma semaphore(%arg25 : memref<!tpu.dma_semaphore, #tpu.memory_space<semaphore_mem>>) src(%arg17 : memref<1x256xf32, #tpu.memory_space<vmem>>) dst(%dma_wait3A_488 : memref<64x256xf32, #tpu.memory_space<hbm>>)
    %dma_wait3A_489 = arith.constant 0 : i32
    %dma_wait3A_490 = arith.constant 0 : i32
    %dma_wait3A_491 = arith.constant 0 : i32
    %dma_wait3A_492 = tpu.memref_slice %arg14[%dma_wait3A_490, %dma_wait3A_491] : memref<63x256xf32, #tpu.memory_space<vmem>> -> memref<63x128xf32, #tpu.memory_space<vmem>>
    %dma_wait3A_493 = arith.constant 0 : i32
    %dma_wait3A_494 = tpu.memref_slice %arg7[%dma_wait3A_489, %dma_wait3A_493] : memref<1x63xi32, #tpu.memory_space<vmem>> -> memref<1x63xi32, #tpu.memory_space<vmem>>
    %dma_wait3A_495 = tpu.memref_squeeze %dma_wait3A_494 : memref<1x63xi32, #tpu.memory_space<vmem>> -> memref<63xi32, #tpu.memory_space<vmem>>
    %dma_wait3A_496 = arith.constant 0 : i32
    %dma_wait3A_497 = arith.constant 0 : i32
    %dma_wait3A_498 = tpu.memref_slice %arg6[%dma_wait3A_496, %dma_wait3A_497] : memref<64x1000000xf32, #tpu.memory_space<hbm>> -> memref<64x128xf32, #tpu.memory_space<hbm>>
    %dma_wait3A_499 = arith.constant 0 : i32
    %dma_wait3A_500 = arith.constant 0 : i32
    %dma_wait3A_501 = tpu.memref_slice %dma_wait3A_498[%dma_wait3A_499, %dma_wait3A_500] : memref<64x128xf32, #tpu.memory_space<hbm>> -> memref<64x128xf32, #tpu.memory_space<hbm>>
    tpu.wait_indirect_dma semaphore(%arg26 : memref<!tpu.dma_semaphore, #tpu.memory_space<semaphore_mem>>) src(%dma_wait3A_492 : memref<63x128xf32, #tpu.memory_space<vmem>>) dst(%dma_wait3A_501 : memref<64x128xf32, #tpu.memory_space<hbm>>)
    %dma_wait3A_502 = arith.constant 0 : i32
    %dma_wait3A_503 = arith.constant 0 : i32
    %dma_wait3A_504 = arith.constant 128 : i32
    %dma_wait3A_505 = tpu.memref_slice %arg14[%dma_wait3A_503, %dma_wait3A_504] : memref<63x256xf32, #tpu.memory_space<vmem>> -> memref<63x128xf32, #tpu.memory_space<vmem>>
    %dma_wait3A_506 = arith.constant 0 : i32
    %dma_wait3A_507 = tpu.memref_slice %arg7[%dma_wait3A_502, %dma_wait3A_506] : memref<1x63xi32, #tpu.memory_space<vmem>> -> memref<1x63xi32, #tpu.memory_space<vmem>>
    %dma_wait3A_508 = tpu.memref_squeeze %dma_wait3A_507 : memref<1x63xi32, #tpu.memory_space<vmem>> -> memref<63xi32, #tpu.memory_space<vmem>>
    %dma_wait3A_509 = arith.constant 0 : i32
    %dma_wait3A_510 = arith.constant 128 : i32
    %dma_wait3A_511 = tpu.memref_slice %arg6[%dma_wait3A_509, %dma_wait3A_510] : memref<64x1000000xf32, #tpu.memory_space<hbm>> -> memref<64x128xf32, #tpu.memory_space<hbm>>
    %dma_wait3A_512 = arith.constant 0 : i32
    %dma_wait3A_513 = arith.constant 0 : i32
    %dma_wait3A_514 = tpu.memref_slice %dma_wait3A_511[%dma_wait3A_512, %dma_wait3A_513] : memref<64x128xf32, #tpu.memory_space<hbm>> -> memref<64x128xf32, #tpu.memory_space<hbm>>
    tpu.wait_indirect_dma semaphore(%arg26 : memref<!tpu.dma_semaphore, #tpu.memory_space<semaphore_mem>>) src(%dma_wait3A_505 : memref<63x128xf32, #tpu.memory_space<vmem>>) dst(%dma_wait3A_514 : memref<64x128xf32, #tpu.memory_space<hbm>>)
    %dma_wait3A_515 = arith.constant 0 : i32
    %dma_wait3A_516 = arith.constant 0 : i32
    %dma_wait3A_517 = tpu.memref_slice %arg8[%dma_wait3A_515, %dma_wait3A_516] : memref<1x1xi32, #tpu.memory_space<vmem>> -> memref<1x1xi32, #tpu.memory_space<vmem>>
    %dma_wait3A_518 = tpu.memref_squeeze %dma_wait3A_517 : memref<1x1xi32, #tpu.memory_space<vmem>> -> memref<1xi32, #tpu.memory_space<vmem>>
    %dma_wait3A_519 = arith.constant 0 : i32
    %dma_wait3A_520 = arith.constant 0 : i32
    %dma_wait3A_521 = tpu.memref_slice %arg6[%dma_wait3A_519, %dma_wait3A_520] : memref<64x1000000xf32, #tpu.memory_space<hbm>> -> memref<64x256xf32, #tpu.memory_space<hbm>>
    %dma_wait3A_522 = arith.constant 0 : i32
    %dma_wait3A_523 = arith.constant 0 : i32
    %dma_wait3A_524 = tpu.memref_slice %dma_wait3A_521[%dma_wait3A_522, %dma_wait3A_523] : memref<64x256xf32, #tpu.memory_space<hbm>> -> memref<64x256xf32, #tpu.memory_space<hbm>>
    tpu.wait_indirect_dma semaphore(%arg26 : memref<!tpu.dma_semaphore, #tpu.memory_space<semaphore_mem>>) src(%arg18 : memref<1x256xf32, #tpu.memory_space<vmem>>) dst(%dma_wait3A_524 : memref<64x256xf32, #tpu.memory_space<hbm>>)
    %eq3A = arith.constant 0 : i32
    %eq3A_525 = arith.cmpi eq, %add3A, %eq3A : i32
    %convert_element_type3A = arith.extui %eq3A_525 : i1 to i32
    %cond3A = arith.constant 0 : i32
    %cond3A_526 = arith.cmpi ne, %convert_element_type3A, %cond3A : i32
    scf.if %cond3A_526 {
      "tpu.region"() ({
        %run_scoped3A_788 = tpu.sem_alloc : memref<!tpu.dma_semaphore, #tpu.memory_space<semaphore_mem>>
        %dma_start3A_789 = arith.constant 0 : i32
        %dma_start3A_790 = arith.constant 999424 : i32
        %dma_start3A_791 = tpu.memref_slice %arg5[%dma_start3A_789, %dma_start3A_790] : memref<63x1000000xf32, #tpu.memory_space<hbm>> -> memref<63x256xf32, #tpu.memory_space<hbm>>
        %dma_start3A_792 = arith.constant 0 : i32
        %dma_start3A_793 = arith.constant 999424 : i32
        %dma_start3A_794 = tpu.memref_slice %arg5[%dma_start3A_792, %dma_start3A_793] : memref<63x1000000xf32, #tpu.memory_space<hbm>> -> memref<63x256xf32, #tpu.memory_space<hbm>>
        tpu.enqueue_dma source(%dma_start3A_794 : memref<63x256xf32, #tpu.memory_space<hbm>>) target(%arg13 : memref<63x256xf32, #tpu.memory_space<vmem>>) target_semaphore(%run_scoped3A_788 : memref<!tpu.dma_semaphore, #tpu.memory_space<semaphore_mem>>)
        %dma_wait3A_795 = arith.constant 0 : i32
        %dma_wait3A_796 = arith.constant 999424 : i32
        %dma_wait3A_797 = tpu.memref_slice %arg5[%dma_wait3A_795, %dma_wait3A_796] : memref<63x1000000xf32, #tpu.memory_space<hbm>> -> memref<63x256xf32, #tpu.memory_space<hbm>>
        %dma_wait3A_798 = arith.constant 0 : i32
        %dma_wait3A_799 = arith.constant 999424 : i32
        %dma_wait3A_800 = tpu.memref_slice %arg5[%dma_wait3A_798, %dma_wait3A_799] : memref<63x1000000xf32, #tpu.memory_space<hbm>> -> memref<63x256xf32, #tpu.memory_space<hbm>>
        tpu.wait_dma2 semaphore(%run_scoped3A_788 : memref<!tpu.dma_semaphore, #tpu.memory_space<semaphore_mem>>) src(%dma_wait3A_800 : memref<63x256xf32, #tpu.memory_space<hbm>>) dst(%arg13 : memref<63x256xf32, #tpu.memory_space<vmem>>)
        tpu.yield
      }) : () -> ()
      "tpu.region"() ({
        %run_scoped3A_788 = tpu.sem_alloc : memref<!tpu.dma_semaphore, #tpu.memory_space<semaphore_mem>>
        %dma_start3A_789 = arith.constant 0 : i32
        %dma_start3A_790 = arith.constant 999424 : i32
        %dma_start3A_791 = tpu.memref_slice %arg4[%dma_start3A_789, %dma_start3A_790] : memref<64x1000000xf32, #tpu.memory_space<hbm>> -> memref<8x256xf32, #tpu.memory_space<hbm>>
        %dma_start3A_792 = arith.constant 0 : i32
        %dma_start3A_793 = arith.constant 999424 : i32
        %dma_start3A_794 = tpu.memref_slice %arg4[%dma_start3A_792, %dma_start3A_793] : memref<64x1000000xf32, #tpu.memory_space<hbm>> -> memref<8x256xf32, #tpu.memory_space<hbm>>
        tpu.enqueue_dma source(%dma_start3A_794 : memref<8x256xf32, #tpu.memory_space<hbm>>) target(%arg9 : memref<8x256xf32, #tpu.memory_space<vmem>>) target_semaphore(%run_scoped3A_788 : memref<!tpu.dma_semaphore, #tpu.memory_space<semaphore_mem>>)
        %dma_wait3A_795 = arith.constant 0 : i32
        %dma_wait3A_796 = arith.constant 999424 : i32
        %dma_wait3A_797 = tpu.memref_slice %arg4[%dma_wait3A_795, %dma_wait3A_796] : memref<64x1000000xf32, #tpu.memory_space<hbm>> -> memref<8x256xf32, #tpu.memory_space<hbm>>
        %dma_wait3A_798 = arith.constant 0 : i32
        %dma_wait3A_799 = arith.constant 999424 : i32
        %dma_wait3A_800 = tpu.memref_slice %arg4[%dma_wait3A_798, %dma_wait3A_799] : memref<64x1000000xf32, #tpu.memory_space<hbm>> -> memref<8x256xf32, #tpu.memory_space<hbm>>
        tpu.wait_dma2 semaphore(%run_scoped3A_788 : memref<!tpu.dma_semaphore, #tpu.memory_space<semaphore_mem>>) src(%dma_wait3A_800 : memref<8x256xf32, #tpu.memory_space<hbm>>) dst(%arg9 : memref<8x256xf32, #tpu.memory_space<vmem>>)
        tpu.yield
      }) : () -> ()
      %get3A_527 = arith.constant 0 : i32
      %get3A_528 = arith.index_cast %get3A_527 : i32 to index
      %get3A_529 = arith.constant 0 : index
      %get3A_530 = tpu.vector_load %arg9[%get3A_528, %get3A_529] {strides = array<i32>} : memref<8x256xf32, #tpu.memory_space<vmem>>, vector<16xf32>,
      %swap3A_531 = arith.constant 0 : i32
      %swap3A_532 = arith.index_cast %swap3A_531 : i32 to index
      %swap3A_533 = arith.constant 0 : index
      %swap3A_534 = tpu.vector_load %arg17[%swap3A_532, %swap3A_533] {strides = array<i32>} : memref<1x256xf32, #tpu.memory_space<vmem>>, vector<16xf32>,
      tpu.vector_store %arg17[%swap3A_532, %swap3A_533], %get3A_530 {strides = array<i32>} : memref<1x256xf32, #tpu.memory_space<vmem>>, vector<16xf32>,
      %get3A_535 = arith.constant 0 : i32
      %get3A_536 = arith.index_cast %get3A_535 : i32 to index
      %get3A_537 = arith.constant 16 : index
      %get3A_538 = tpu.vector_load %arg9[%get3A_536, %get3A_537] {strides = array<i32>} : memref<8x256xf32, #tpu.memory_space<vmem>>, vector<16xf32>,
      %swap3A_539 = arith.constant 0 : i32
      %swap3A_540 = arith.index_cast %swap3A_539 : i32 to index
      %swap3A_541 = arith.constant 16 : index
      %swap3A_542 = tpu.vector_load %arg17[%swap3A_540, %swap3A_541] {strides = array<i32>} : memref<1x256xf32, #tpu.memory_space<vmem>>, vector<16xf32>,
      tpu.vector_store %arg17[%swap3A_540, %swap3A_541], %get3A_538 {strides = array<i32>} : memref<1x256xf32, #tpu.memory_space<vmem>>, vector<16xf32>,
      %get3A_543 = arith.constant 0 : i32
      %get3A_544 = arith.index_cast %get3A_543 : i32 to index
      %get3A_545 = arith.constant 32 : index
      %get3A_546 = tpu.vector_load %arg9[%get3A_544, %get3A_545] {strides = array<i32>} : memref<8x256xf32, #tpu.memory_space<vmem>>, vector<16xf32>,
      %swap3A_547 = arith.constant 0 : i32
      %swap3A_548 = arith.index_cast %swap3A_547 : i32 to index
      %swap3A_549 = arith.constant 32 : index
      %swap3A_550 = tpu.vector_load %arg17[%swap3A_548, %swap3A_549] {strides = array<i32>} : memref<1x256xf32, #tpu.memory_space<vmem>>, vector<16xf32>,
      tpu.vector_store %arg17[%swap3A_548, %swap3A_549], %get3A_546 {strides = array<i32>} : memref<1x256xf32, #tpu.memory_space<vmem>>, vector<16xf32>,
      %get3A_551 = arith.constant 0 : i32
      %get3A_552 = arith.index_cast %get3A_551 : i32 to index
      %get3A_553 = arith.constant 48 : index
      %get3A_554 = tpu.vector_load %arg9[%get3A_552, %get3A_553] {strides = array<i32>} : memref<8x256xf32, #tpu.memory_space<vmem>>, vector<16xf32>,
      %swap3A_555 = arith.constant 0 : i32
      %swap3A_556 = arith.index_cast %swap3A_555 : i32 to index
      %swap3A_557 = arith.constant 48 : index
      %swap3A_558 = tpu.vector_load %arg17[%swap3A_556, %swap3A_557] {strides = array<i32>} : memref<1x256xf32, #tpu.memory_space<vmem>>, vector<16xf32>,
      tpu.vector_store %arg17[%swap3A_556, %swap3A_557], %get3A_554 {strides = array<i32>} : memref<1x256xf32, #tpu.memory_space<vmem>>, vector<16xf32>,
      %get3A_559 = arith.constant 0 : i32
      %get3A_560 = arith.index_cast %get3A_559 : i32 to index
      %get3A_561 = arith.constant 64 : index
      %get3A_562 = tpu.vector_load %arg9[%get3A_560, %get3A_561] {strides = array<i32>} : memref<8x256xf32, #tpu.memory_space<vmem>>, vector<16xf32>,
      %swap3A_563 = arith.constant 0 : i32
      %swap3A_564 = arith.index_cast %swap3A_563 : i32 to index
      %swap3A_565 = arith.constant 64 : index
      %swap3A_566 = tpu.vector_load %arg17[%swap3A_564, %swap3A_565] {strides = array<i32>} : memref<1x256xf32, #tpu.memory_space<vmem>>, vector<16xf32>,
      tpu.vector_store %arg17[%swap3A_564, %swap3A_565], %get3A_562 {strides = array<i32>} : memref<1x256xf32, #tpu.memory_space<vmem>>, vector<16xf32>,
      %get3A_567 = arith.constant 0 : i32
      %get3A_568 = arith.index_cast %get3A_567 : i32 to index
      %get3A_569 = arith.constant 80 : index
      %get3A_570 = tpu.vector_load %arg9[%get3A_568, %get3A_569] {strides = array<i32>} : memref<8x256xf32, #tpu.memory_space<vmem>>, vector<16xf32>,
      %swap3A_571 = arith.constant 0 : i32
      %swap3A_572 = arith.index_cast %swap3A_571 : i32 to index
      %swap3A_573 = arith.constant 80 : index
      %swap3A_574 = tpu.vector_load %arg17[%swap3A_572, %swap3A_573] {strides = array<i32>} : memref<1x256xf32, #tpu.memory_space<vmem>>, vector<16xf32>,
      tpu.vector_store %arg17[%swap3A_572, %swap3A_573], %get3A_570 {strides = array<i32>} : memref<1x256xf32, #tpu.memory_space<vmem>>, vector<16xf32>,
      %get3A_575 = arith.constant 0 : i32
      %get3A_576 = arith.index_cast %get3A_575 : i32 to index
      %get3A_577 = arith.constant 96 : index
      %get3A_578 = tpu.vector_load %arg9[%get3A_576, %get3A_577] {strides = array<i32>} : memref<8x256xf32, #tpu.memory_space<vmem>>, vector<16xf32>,
      %swap3A_579 = arith.constant 0 : i32
      %swap3A_580 = arith.index_cast %swap3A_579 : i32 to index
      %swap3A_581 = arith.constant 96 : index
      %swap3A_582 = tpu.vector_load %arg17[%swap3A_580, %swap3A_581] {strides = array<i32>} : memref<1x256xf32, #tpu.memory_space<vmem>>, vector<16xf32>,
      tpu.vector_store %arg17[%swap3A_580, %swap3A_581], %get3A_578 {strides = array<i32>} : memref<1x256xf32, #tpu.memory_space<vmem>>, vector<16xf32>,
      %get3A_583 = arith.constant 0 : i32
      %get3A_584 = arith.index_cast %get3A_583 : i32 to index
      %get3A_585 = arith.constant 112 : index
      %get3A_586 = tpu.vector_load %arg9[%get3A_584, %get3A_585] {strides = array<i32>} : memref<8x256xf32, #tpu.memory_space<vmem>>, vector<16xf32>,
      %swap3A_587 = arith.constant 0 : i32
      %swap3A_588 = arith.index_cast %swap3A_587 : i32 to index
      %swap3A_589 = arith.constant 112 : index
      %swap3A_590 = tpu.vector_load %arg17[%swap3A_588, %swap3A_589] {strides = array<i32>} : memref<1x256xf32, #tpu.memory_space<vmem>>, vector<16xf32>,
      tpu.vector_store %arg17[%swap3A_588, %swap3A_589], %get3A_586 {strides = array<i32>} : memref<1x256xf32, #tpu.memory_space<vmem>>, vector<16xf32>,
      %get3A_591 = arith.constant 0 : i32
      %get3A_592 = arith.index_cast %get3A_591 : i32 to index
      %get3A_593 = arith.constant 128 : index
      %get3A_594 = tpu.vector_load %arg9[%get3A_592, %get3A_593] {strides = array<i32>} : memref<8x256xf32, #tpu.memory_space<vmem>>, vector<16xf32>,
      %swap3A_595 = arith.constant 0 : i32
      %swap3A_596 = arith.index_cast %swap3A_595 : i32 to index
      %swap3A_597 = arith.constant 128 : index
      %swap3A_598 = tpu.vector_load %arg17[%swap3A_596, %swap3A_597] {strides = array<i32>} : memref<1x256xf32, #tpu.memory_space<vmem>>, vector<16xf32>,
      tpu.vector_store %arg17[%swap3A_596, %swap3A_597], %get3A_594 {strides = array<i32>} : memref<1x256xf32, #tpu.memory_space<vmem>>, vector<16xf32>,
      %get3A_599 = arith.constant 0 : i32
      %get3A_600 = arith.index_cast %get3A_599 : i32 to index
      %get3A_601 = arith.constant 144 : index
      %get3A_602 = tpu.vector_load %arg9[%get3A_600, %get3A_601] {strides = array<i32>} : memref<8x256xf32, #tpu.memory_space<vmem>>, vector<16xf32>,
      %swap3A_603 = arith.constant 0 : i32
      %swap3A_604 = arith.index_cast %swap3A_603 : i32 to index
      %swap3A_605 = arith.constant 144 : index
      %swap3A_606 = tpu.vector_load %arg17[%swap3A_604, %swap3A_605] {strides = array<i32>} : memref<1x256xf32, #tpu.memory_space<vmem>>, vector<16xf32>,
      tpu.vector_store %arg17[%swap3A_604, %swap3A_605], %get3A_602 {strides = array<i32>} : memref<1x256xf32, #tpu.memory_space<vmem>>, vector<16xf32>,
      %get3A_607 = arith.constant 0 : i32
      %get3A_608 = arith.index_cast %get3A_607 : i32 to index
      %get3A_609 = arith.constant 160 : index
      %get3A_610 = tpu.vector_load %arg9[%get3A_608, %get3A_609] {strides = array<i32>} : memref<8x256xf32, #tpu.memory_space<vmem>>, vector<16xf32>,
      %swap3A_611 = arith.constant 0 : i32
      %swap3A_612 = arith.index_cast %swap3A_611 : i32 to index
      %swap3A_613 = arith.constant 160 : index
      %swap3A_614 = tpu.vector_load %arg17[%swap3A_612, %swap3A_613] {strides = array<i32>} : memref<1x256xf32, #tpu.memory_space<vmem>>, vector<16xf32>,
      tpu.vector_store %arg17[%swap3A_612, %swap3A_613], %get3A_610 {strides = array<i32>} : memref<1x256xf32, #tpu.memory_space<vmem>>, vector<16xf32>,
      %get3A_615 = arith.constant 0 : i32
      %get3A_616 = arith.index_cast %get3A_615 : i32 to index
      %get3A_617 = arith.constant 176 : index
      %get3A_618 = tpu.vector_load %arg9[%get3A_616, %get3A_617] {strides = array<i32>} : memref<8x256xf32, #tpu.memory_space<vmem>>, vector<16xf32>,
      %swap3A_619 = arith.constant 0 : i32
      %swap3A_620 = arith.index_cast %swap3A_619 : i32 to index
      %swap3A_621 = arith.constant 176 : index
      %swap3A_622 = tpu.vector_load %arg17[%swap3A_620, %swap3A_621] {strides = array<i32>} : memref<1x256xf32, #tpu.memory_space<vmem>>, vector<16xf32>,
      tpu.vector_store %arg17[%swap3A_620, %swap3A_621], %get3A_618 {strides = array<i32>} : memref<1x256xf32, #tpu.memory_space<vmem>>, vector<16xf32>,
      %get3A_623 = arith.constant 0 : i32
      %get3A_624 = arith.index_cast %get3A_623 : i32 to index
      %get3A_625 = arith.constant 192 : index
      %get3A_626 = tpu.vector_load %arg9[%get3A_624, %get3A_625] {strides = array<i32>} : memref<8x256xf32, #tpu.memory_space<vmem>>, vector<16xf32>,
      %swap3A_627 = arith.constant 0 : i32
      %swap3A_628 = arith.index_cast %swap3A_627 : i32 to index
      %swap3A_629 = arith.constant 192 : index
      %swap3A_630 = tpu.vector_load %arg17[%swap3A_628, %swap3A_629] {strides = array<i32>} : memref<1x256xf32, #tpu.memory_space<vmem>>, vector<16xf32>,
      tpu.vector_store %arg17[%swap3A_628, %swap3A_629], %get3A_626 {strides = array<i32>} : memref<1x256xf32, #tpu.memory_space<vmem>>, vector<16xf32>,
      %get3A_631 = arith.constant 0 : i32
      %get3A_632 = arith.index_cast %get3A_631 : i32 to index
      %get3A_633 = arith.constant 208 : index
      %get3A_634 = tpu.vector_load %arg9[%get3A_632, %get3A_633] {strides = array<i32>} : memref<8x256xf32, #tpu.memory_space<vmem>>, vector<16xf32>,
      %swap3A_635 = arith.constant 0 : i32
      %swap3A_636 = arith.index_cast %swap3A_635 : i32 to index
      %swap3A_637 = arith.constant 208 : index
      %swap3A_638 = tpu.vector_load %arg17[%swap3A_636, %swap3A_637] {strides = array<i32>} : memref<1x256xf32, #tpu.memory_space<vmem>>, vector<16xf32>,
      tpu.vector_store %arg17[%swap3A_636, %swap3A_637], %get3A_634 {strides = array<i32>} : memref<1x256xf32, #tpu.memory_space<vmem>>, vector<16xf32>,
      %get3A_639 = arith.constant 0 : i32
      %get3A_640 = arith.index_cast %get3A_639 : i32 to index
      %get3A_641 = arith.constant 224 : index
      %get3A_642 = tpu.vector_load %arg9[%get3A_640, %get3A_641] {strides = array<i32>} : memref<8x256xf32, #tpu.memory_space<vmem>>, vector<16xf32>,
      %swap3A_643 = arith.constant 0 : i32
      %swap3A_644 = arith.index_cast %swap3A_643 : i32 to index
      %swap3A_645 = arith.constant 224 : index
      %swap3A_646 = tpu.vector_load %arg17[%swap3A_644, %swap3A_645] {strides = array<i32>} : memref<1x256xf32, #tpu.memory_space<vmem>>, vector<16xf32>,
      tpu.vector_store %arg17[%swap3A_644, %swap3A_645], %get3A_642 {strides = array<i32>} : memref<1x256xf32, #tpu.memory_space<vmem>>, vector<16xf32>,
      %get3A_647 = arith.constant 0 : i32
      %get3A_648 = arith.index_cast %get3A_647 : i32 to index
      %get3A_649 = arith.constant 240 : index
      %get3A_650 = tpu.vector_load %arg9[%get3A_648, %get3A_649] {strides = array<i32>} : memref<8x256xf32, #tpu.memory_space<vmem>>, vector<16xf32>,
      %swap3A_651 = arith.constant 0 : i32
      %swap3A_652 = arith.index_cast %swap3A_651 : i32 to index
      %swap3A_653 = arith.constant 240 : index
      %swap3A_654 = tpu.vector_load %arg17[%swap3A_652, %swap3A_653] {strides = array<i32>} : memref<1x256xf32, #tpu.memory_space<vmem>>, vector<16xf32>,
      tpu.vector_store %arg17[%swap3A_652, %swap3A_653], %get3A_650 {strides = array<i32>} : memref<1x256xf32, #tpu.memory_space<vmem>>, vector<16xf32>,
      %run_scoped3A = arith.constant 0 : i32
      "tpu.region"() ({
        %run_scoped3A_788 = tpu.sem_alloc : memref<!tpu.dma_semaphore, #tpu.memory_space<semaphore_mem>>
        %dma_start3A_789 = arith.constant 0 : i32
        %dma_start3A_790 = arith.constant 0 : i32
        %dma_start3A_791 = tpu.memref_slice %arg13[%dma_start3A_789, %dma_start3A_790] : memref<63x256xf32, #tpu.memory_space<vmem>> -> memref<63x128xf32, #tpu.memory_space<vmem>>
        %dma_start3A_792 = arith.constant 0 : i32
        %dma_start3A_793 = tpu.memref_slice %arg7[%run_scoped3A, %dma_start3A_792] : memref<1x63xi32, #tpu.memory_space<vmem>> -> memref<1x63xi32, #tpu.memory_space<vmem>>
        %dma_start3A_794 = tpu.memref_squeeze %dma_start3A_793 : memref<1x63xi32, #tpu.memory_space<vmem>> -> memref<63xi32, #tpu.memory_space<vmem>>
        %dma_start3A_795 = arith.constant 0 : i32
        %dma_start3A_796 = arith.constant 999424 : i32
        %dma_start3A_797 = tpu.memref_slice %arg6[%dma_start3A_795, %dma_start3A_796] : memref<64x1000000xf32, #tpu.memory_space<hbm>> -> memref<64x128xf32, #tpu.memory_space<hbm>>
        %dma_start3A_798 = arith.constant 0 : i32
        %dma_start3A_799 = arith.constant 0 : i32
        %dma_start3A_800 = tpu.memref_slice %dma_start3A_797[%dma_start3A_798, %dma_start3A_799] : memref<64x128xf32, #tpu.memory_space<hbm>> -> memref<64x128xf32, #tpu.memory_space<hbm>>
        tpu.enqueue_indirect_dma source(%dma_start3A_791 : memref<63x128xf32, #tpu.memory_space<vmem>>) target(%dma_start3A_800 : memref<64x128xf32, #tpu.memory_space<hbm>>) offsets(%dma_start3A_794 : memref<63xi32, #tpu.memory_space<vmem>>) semaphore(%run_scoped3A_788 : memref<!tpu.dma_semaphore, #tpu.memory_space<semaphore_mem>>)
        %dma_wait3A_801 = arith.constant 0 : i32
        %dma_wait3A_802 = arith.constant 0 : i32
        %dma_wait3A_803 = tpu.memref_slice %arg13[%dma_wait3A_801, %dma_wait3A_802] : memref<63x256xf32, #tpu.memory_space<vmem>> -> memref<63x128xf32, #tpu.memory_space<vmem>>
        %dma_wait3A_804 = arith.constant 0 : i32
        %dma_wait3A_805 = tpu.memref_slice %arg7[%run_scoped3A, %dma_wait3A_804] : memref<1x63xi32, #tpu.memory_space<vmem>> -> memref<1x63xi32, #tpu.memory_space<vmem>>
        %dma_wait3A_806 = tpu.memref_squeeze %dma_wait3A_805 : memref<1x63xi32, #tpu.memory_space<vmem>> -> memref<63xi32, #tpu.memory_space<vmem>>
        %dma_wait3A_807 = arith.constant 0 : i32
        %dma_wait3A_808 = arith.constant 999424 : i32
        %dma_wait3A_809 = tpu.memref_slice %arg6[%dma_wait3A_807, %dma_wait3A_808] : memref<64x1000000xf32, #tpu.memory_space<hbm>> -> memref<64x128xf32, #tpu.memory_space<hbm>>
        %dma_wait3A_810 = arith.constant 0 : i32
        %dma_wait3A_811 = arith.constant 0 : i32
        %dma_wait3A_812 = tpu.memref_slice %dma_wait3A_809[%dma_wait3A_810, %dma_wait3A_811] : memref<64x128xf32, #tpu.memory_space<hbm>> -> memref<64x128xf32, #tpu.memory_space<hbm>>
        tpu.wait_indirect_dma semaphore(%run_scoped3A_788 : memref<!tpu.dma_semaphore, #tpu.memory_space<semaphore_mem>>) src(%dma_wait3A_803 : memref<63x128xf32, #tpu.memory_space<vmem>>) dst(%dma_wait3A_812 : memref<64x128xf32, #tpu.memory_space<hbm>>)
        tpu.yield
      }) : () -> ()
      %run_scoped3A_655 = arith.constant 0 : i32
      "tpu.region"() ({
        %run_scoped3A_788 = tpu.sem_alloc : memref<!tpu.dma_semaphore, #tpu.memory_space<semaphore_mem>>
        %dma_start3A_789 = arith.constant 0 : i32
        %dma_start3A_790 = arith.constant 128 : i32
        %dma_start3A_791 = tpu.memref_slice %arg13[%dma_start3A_789, %dma_start3A_790] : memref<63x256xf32, #tpu.memory_space<vmem>> -> memref<63x128xf32, #tpu.memory_space<vmem>>
        %dma_start3A_792 = arith.constant 0 : i32
        %dma_start3A_793 = tpu.memref_slice %arg7[%run_scoped3A_655, %dma_start3A_792] : memref<1x63xi32, #tpu.memory_space<vmem>> -> memref<1x63xi32, #tpu.memory_space<vmem>>
        %dma_start3A_794 = tpu.memref_squeeze %dma_start3A_793 : memref<1x63xi32, #tpu.memory_space<vmem>> -> memref<63xi32, #tpu.memory_space<vmem>>
        %dma_start3A_795 = arith.constant 0 : i32
        %dma_start3A_796 = arith.constant 999552 : i32
        %dma_start3A_797 = tpu.memref_slice %arg6[%dma_start3A_795, %dma_start3A_796] : memref<64x1000000xf32, #tpu.memory_space<hbm>> -> memref<64x128xf32, #tpu.memory_space<hbm>>
        %dma_start3A_798 = arith.constant 0 : i32
        %dma_start3A_799 = arith.constant 0 : i32
        %dma_start3A_800 = tpu.memref_slice %dma_start3A_797[%dma_start3A_798, %dma_start3A_799] : memref<64x128xf32, #tpu.memory_space<hbm>> -> memref<64x128xf32, #tpu.memory_space<hbm>>
        tpu.enqueue_indirect_dma source(%dma_start3A_791 : memref<63x128xf32, #tpu.memory_space<vmem>>) target(%dma_start3A_800 : memref<64x128xf32, #tpu.memory_space<hbm>>) offsets(%dma_start3A_794 : memref<63xi32, #tpu.memory_space<vmem>>) semaphore(%run_scoped3A_788 : memref<!tpu.dma_semaphore, #tpu.memory_space<semaphore_mem>>)
        %dma_wait3A_801 = arith.constant 0 : i32
        %dma_wait3A_802 = arith.constant 128 : i32
        %dma_wait3A_803 = tpu.memref_slice %arg13[%dma_wait3A_801, %dma_wait3A_802] : memref<63x256xf32, #tpu.memory_space<vmem>> -> memref<63x128xf32, #tpu.memory_space<vmem>>
        %dma_wait3A_804 = arith.constant 0 : i32
        %dma_wait3A_805 = tpu.memref_slice %arg7[%run_scoped3A_655, %dma_wait3A_804] : memref<1x63xi32, #tpu.memory_space<vmem>> -> memref<1x63xi32, #tpu.memory_space<vmem>>
        %dma_wait3A_806 = tpu.memref_squeeze %dma_wait3A_805 : memref<1x63xi32, #tpu.memory_space<vmem>> -> memref<63xi32, #tpu.memory_space<vmem>>
        %dma_wait3A_807 = arith.constant 0 : i32
        %dma_wait3A_808 = arith.constant 999552 : i32
        %dma_wait3A_809 = tpu.memref_slice %arg6[%dma_wait3A_807, %dma_wait3A_808] : memref<64x1000000xf32, #tpu.memory_space<hbm>> -> memref<64x128xf32, #tpu.memory_space<hbm>>
        %dma_wait3A_810 = arith.constant 0 : i32
        %dma_wait3A_811 = arith.constant 0 : i32
        %dma_wait3A_812 = tpu.memref_slice %dma_wait3A_809[%dma_wait3A_810, %dma_wait3A_811] : memref<64x128xf32, #tpu.memory_space<hbm>> -> memref<64x128xf32, #tpu.memory_space<hbm>>
        tpu.wait_indirect_dma semaphore(%run_scoped3A_788 : memref<!tpu.dma_semaphore, #tpu.memory_space<semaphore_mem>>) src(%dma_wait3A_803 : memref<63x128xf32, #tpu.memory_space<vmem>>) dst(%dma_wait3A_812 : memref<64x128xf32, #tpu.memory_space<hbm>>)
        tpu.yield
      }) : () -> ()
      %run_scoped3A_656 = arith.constant 0 : i32
      "tpu.region"() ({
        %run_scoped3A_788 = tpu.sem_alloc : memref<!tpu.dma_semaphore, #tpu.memory_space<semaphore_mem>>
        %dma_start3A_789 = arith.constant 0 : i32
        %dma_start3A_790 = tpu.memref_slice %arg8[%run_scoped3A_656, %dma_start3A_789] : memref<1x1xi32, #tpu.memory_space<vmem>> -> memref<1x1xi32, #tpu.memory_space<vmem>>
        %dma_start3A_791 = tpu.memref_squeeze %dma_start3A_790 : memref<1x1xi32, #tpu.memory_space<vmem>> -> memref<1xi32, #tpu.memory_space<vmem>>
        %dma_start3A_792 = arith.constant 0 : i32
        %dma_start3A_793 = arith.constant 999424 : i32
        %dma_start3A_794 = tpu.memref_slice %arg6[%dma_start3A_792, %dma_start3A_793] : memref<64x1000000xf32, #tpu.memory_space<hbm>> -> memref<64x256xf32, #tpu.memory_space<hbm>>
        %dma_start3A_795 = arith.constant 0 : i32
        %dma_start3A_796 = arith.constant 0 : i32
        %dma_start3A_797 = tpu.memref_slice %dma_start3A_794[%dma_start3A_795, %dma_start3A_796] : memref<64x256xf32, #tpu.memory_space<hbm>> -> memref<64x256xf32, #tpu.memory_space<hbm>>
        tpu.enqueue_indirect_dma source(%arg17 : memref<1x256xf32, #tpu.memory_space<vmem>>) target(%dma_start3A_797 : memref<64x256xf32, #tpu.memory_space<hbm>>) offsets(%dma_start3A_791 : memref<1xi32, #tpu.memory_space<vmem>>) semaphore(%run_scoped3A_788 : memref<!tpu.dma_semaphore, #tpu.memory_space<semaphore_mem>>)
        %dma_wait3A_798 = arith.constant 0 : i32
        %dma_wait3A_799 = tpu.memref_slice %arg8[%run_scoped3A_656, %dma_wait3A_798] : memref<1x1xi32, #tpu.memory_space<vmem>> -> memref<1x1xi32, #tpu.memory_space<vmem>>
        %dma_wait3A_800 = tpu.memref_squeeze %dma_wait3A_799 : memref<1x1xi32, #tpu.memory_space<vmem>> -> memref<1xi32, #tpu.memory_space<vmem>>
        %dma_wait3A_801 = arith.constant 0 : i32
        %dma_wait3A_802 = arith.constant 999424 : i32
        %dma_wait3A_803 = tpu.memref_slice %arg6[%dma_wait3A_801, %dma_wait3A_802] : memref<64x1000000xf32, #tpu.memory_space<hbm>> -> memref<64x256xf32, #tpu.memory_space<hbm>>
        %dma_wait3A_804 = arith.constant 0 : i32
        %dma_wait3A_805 = arith.constant 0 : i32
        %dma_wait3A_806 = tpu.memref_slice %dma_wait3A_803[%dma_wait3A_804, %dma_wait3A_805] : memref<64x256xf32, #tpu.memory_space<hbm>> -> memref<64x256xf32, #tpu.memory_space<hbm>>
        tpu.wait_indirect_dma semaphore(%run_scoped3A_788 : memref<!tpu.dma_semaphore, #tpu.memory_space<semaphore_mem>>) src(%arg17 : memref<1x256xf32, #tpu.memory_space<vmem>>) dst(%dma_wait3A_806 : memref<64x256xf32, #tpu.memory_space<hbm>>)
        tpu.yield
      }) : () -> ()
      "tpu.region"() ({
        %run_scoped3A_788 = tpu.sem_alloc : memref<!tpu.dma_semaphore, #tpu.memory_space<semaphore_mem>>
        %dma_start3A_789 = arith.constant 0 : i32
        %dma_start3A_790 = arith.constant 999680 : i32
        %dma_start3A_791 = tpu.memref_slice %arg5[%dma_start3A_789, %dma_start3A_790] : memref<63x1000000xf32, #tpu.memory_space<hbm>> -> memref<63x256xf32, #tpu.memory_space<hbm>>
        %dma_start3A_792 = arith.constant 0 : i32
        %dma_start3A_793 = arith.constant 999680 : i32
        %dma_start3A_794 = tpu.memref_slice %arg5[%dma_start3A_792, %dma_start3A_793] : memref<63x1000000xf32, #tpu.memory_space<hbm>> -> memref<63x256xf32, #tpu.memory_space<hbm>>
        tpu.enqueue_dma source(%dma_start3A_794 : memref<63x256xf32, #tpu.memory_space<hbm>>) target(%arg13 : memref<63x256xf32, #tpu.memory_space<vmem>>) target_semaphore(%run_scoped3A_788 : memref<!tpu.dma_semaphore, #tpu.memory_space<semaphore_mem>>)
        %dma_wait3A_795 = arith.constant 0 : i32
        %dma_wait3A_796 = arith.constant 999680 : i32
        %dma_wait3A_797 = tpu.memref_slice %arg5[%dma_wait3A_795, %dma_wait3A_796] : memref<63x1000000xf32, #tpu.memory_space<hbm>> -> memref<63x256xf32, #tpu.memory_space<hbm>>
        %dma_wait3A_798 = arith.constant 0 : i32
        %dma_wait3A_799 = arith.constant 999680 : i32
        %dma_wait3A_800 = tpu.memref_slice %arg5[%dma_wait3A_798, %dma_wait3A_799] : memref<63x1000000xf32, #tpu.memory_space<hbm>> -> memref<63x256xf32, #tpu.memory_space<hbm>>
        tpu.wait_dma2 semaphore(%run_scoped3A_788 : memref<!tpu.dma_semaphore, #tpu.memory_space<semaphore_mem>>) src(%dma_wait3A_800 : memref<63x256xf32, #tpu.memory_space<hbm>>) dst(%arg13 : memref<63x256xf32, #tpu.memory_space<vmem>>)
        tpu.yield
      }) : () -> ()
      "tpu.region"() ({
        %run_scoped3A_788 = tpu.sem_alloc : memref<!tpu.dma_semaphore, #tpu.memory_space<semaphore_mem>>
        %dma_start3A_789 = arith.constant 0 : i32
        %dma_start3A_790 = arith.constant 999680 : i32
        %dma_start3A_791 = tpu.memref_slice %arg4[%dma_start3A_789, %dma_start3A_790] : memref<64x1000000xf32, #tpu.memory_space<hbm>> -> memref<8x256xf32, #tpu.memory_space<hbm>>
        %dma_start3A_792 = arith.constant 0 : i32
        %dma_start3A_793 = arith.constant 999680 : i32
        %dma_start3A_794 = tpu.memref_slice %arg4[%dma_start3A_792, %dma_start3A_793] : memref<64x1000000xf32, #tpu.memory_space<hbm>> -> memref<8x256xf32, #tpu.memory_space<hbm>>
        tpu.enqueue_dma source(%dma_start3A_794 : memref<8x256xf32, #tpu.memory_space<hbm>>) target(%arg9 : memref<8x256xf32, #tpu.memory_space<vmem>>) target_semaphore(%run_scoped3A_788 : memref<!tpu.dma_semaphore, #tpu.memory_space<semaphore_mem>>)
        %dma_wait3A_795 = arith.constant 0 : i32
        %dma_wait3A_796 = arith.constant 999680 : i32
        %dma_wait3A_797 = tpu.memref_slice %arg4[%dma_wait3A_795, %dma_wait3A_796] : memref<64x1000000xf32, #tpu.memory_space<hbm>> -> memref<8x256xf32, #tpu.memory_space<hbm>>
        %dma_wait3A_798 = arith.constant 0 : i32
        %dma_wait3A_799 = arith.constant 999680 : i32
        %dma_wait3A_800 = tpu.memref_slice %arg4[%dma_wait3A_798, %dma_wait3A_799] : memref<64x1000000xf32, #tpu.memory_space<hbm>> -> memref<8x256xf32, #tpu.memory_space<hbm>>
        tpu.wait_dma2 semaphore(%run_scoped3A_788 : memref<!tpu.dma_semaphore, #tpu.memory_space<semaphore_mem>>) src(%dma_wait3A_800 : memref<8x256xf32, #tpu.memory_space<hbm>>) dst(%arg9 : memref<8x256xf32, #tpu.memory_space<vmem>>)
        tpu.yield
      }) : () -> ()
      %get3A_657 = arith.constant 0 : i32
      %get3A_658 = arith.index_cast %get3A_657 : i32 to index
      %get3A_659 = arith.constant 0 : index
      %get3A_660 = tpu.vector_load %arg9[%get3A_658, %get3A_659] {strides = array<i32>} : memref<8x256xf32, #tpu.memory_space<vmem>>, vector<16xf32>,
      %swap3A_661 = arith.constant 0 : i32
      %swap3A_662 = arith.index_cast %swap3A_661 : i32 to index
      %swap3A_663 = arith.constant 0 : index
      %swap3A_664 = tpu.vector_load %arg17[%swap3A_662, %swap3A_663] {strides = array<i32>} : memref<1x256xf32, #tpu.memory_space<vmem>>, vector<16xf32>,
      tpu.vector_store %arg17[%swap3A_662, %swap3A_663], %get3A_660 {strides = array<i32>} : memref<1x256xf32, #tpu.memory_space<vmem>>, vector<16xf32>,
      %get3A_665 = arith.constant 0 : i32
      %get3A_666 = arith.index_cast %get3A_665 : i32 to index
      %get3A_667 = arith.constant 16 : index
      %get3A_668 = tpu.vector_load %arg9[%get3A_666, %get3A_667] {strides = array<i32>} : memref<8x256xf32, #tpu.memory_space<vmem>>, vector<16xf32>,
      %swap3A_669 = arith.constant 0 : i32
      %swap3A_670 = arith.index_cast %swap3A_669 : i32 to index
      %swap3A_671 = arith.constant 16 : index
      %swap3A_672 = tpu.vector_load %arg17[%swap3A_670, %swap3A_671] {strides = array<i32>} : memref<1x256xf32, #tpu.memory_space<vmem>>, vector<16xf32>,
      tpu.vector_store %arg17[%swap3A_670, %swap3A_671], %get3A_668 {strides = array<i32>} : memref<1x256xf32, #tpu.memory_space<vmem>>, vector<16xf32>,
      %get3A_673 = arith.constant 0 : i32
      %get3A_674 = arith.index_cast %get3A_673 : i32 to index
      %get3A_675 = arith.constant 32 : index
      %get3A_676 = tpu.vector_load %arg9[%get3A_674, %get3A_675] {strides = array<i32>} : memref<8x256xf32, #tpu.memory_space<vmem>>, vector<16xf32>,
      %swap3A_677 = arith.constant 0 : i32
      %swap3A_678 = arith.index_cast %swap3A_677 : i32 to index
      %swap3A_679 = arith.constant 32 : index
      %swap3A_680 = tpu.vector_load %arg17[%swap3A_678, %swap3A_679] {strides = array<i32>} : memref<1x256xf32, #tpu.memory_space<vmem>>, vector<16xf32>,
      tpu.vector_store %arg17[%swap3A_678, %swap3A_679], %get3A_676 {strides = array<i32>} : memref<1x256xf32, #tpu.memory_space<vmem>>, vector<16xf32>,
      %get3A_681 = arith.constant 0 : i32
      %get3A_682 = arith.index_cast %get3A_681 : i32 to index
      %get3A_683 = arith.constant 48 : index
      %get3A_684 = tpu.vector_load %arg9[%get3A_682, %get3A_683] {strides = array<i32>} : memref<8x256xf32, #tpu.memory_space<vmem>>, vector<16xf32>,
      %swap3A_685 = arith.constant 0 : i32
      %swap3A_686 = arith.index_cast %swap3A_685 : i32 to index
      %swap3A_687 = arith.constant 48 : index
      %swap3A_688 = tpu.vector_load %arg17[%swap3A_686, %swap3A_687] {strides = array<i32>} : memref<1x256xf32, #tpu.memory_space<vmem>>, vector<16xf32>,
      tpu.vector_store %arg17[%swap3A_686, %swap3A_687], %get3A_684 {strides = array<i32>} : memref<1x256xf32, #tpu.memory_space<vmem>>, vector<16xf32>,
      %get3A_689 = arith.constant 0 : i32
      %get3A_690 = arith.index_cast %get3A_689 : i32 to index
      %get3A_691 = arith.constant 64 : index
      %get3A_692 = tpu.vector_load %arg9[%get3A_690, %get3A_691] {strides = array<i32>} : memref<8x256xf32, #tpu.memory_space<vmem>>, vector<16xf32>,
      %swap3A_693 = arith.constant 0 : i32
      %swap3A_694 = arith.index_cast %swap3A_693 : i32 to index
      %swap3A_695 = arith.constant 64 : index
      %swap3A_696 = tpu.vector_load %arg17[%swap3A_694, %swap3A_695] {strides = array<i32>} : memref<1x256xf32, #tpu.memory_space<vmem>>, vector<16xf32>,
      tpu.vector_store %arg17[%swap3A_694, %swap3A_695], %get3A_692 {strides = array<i32>} : memref<1x256xf32, #tpu.memory_space<vmem>>, vector<16xf32>,
      %get3A_697 = arith.constant 0 : i32
      %get3A_698 = arith.index_cast %get3A_697 : i32 to index
      %get3A_699 = arith.constant 80 : index
      %get3A_700 = tpu.vector_load %arg9[%get3A_698, %get3A_699] {strides = array<i32>} : memref<8x256xf32, #tpu.memory_space<vmem>>, vector<16xf32>,
      %swap3A_701 = arith.constant 0 : i32
      %swap3A_702 = arith.index_cast %swap3A_701 : i32 to index
      %swap3A_703 = arith.constant 80 : index
      %swap3A_704 = tpu.vector_load %arg17[%swap3A_702, %swap3A_703] {strides = array<i32>} : memref<1x256xf32, #tpu.memory_space<vmem>>, vector<16xf32>,
      tpu.vector_store %arg17[%swap3A_702, %swap3A_703], %get3A_700 {strides = array<i32>} : memref<1x256xf32, #tpu.memory_space<vmem>>, vector<16xf32>,
      %get3A_705 = arith.constant 0 : i32
      %get3A_706 = arith.index_cast %get3A_705 : i32 to index
      %get3A_707 = arith.constant 96 : index
      %get3A_708 = tpu.vector_load %arg9[%get3A_706, %get3A_707] {strides = array<i32>} : memref<8x256xf32, #tpu.memory_space<vmem>>, vector<16xf32>,
      %swap3A_709 = arith.constant 0 : i32
      %swap3A_710 = arith.index_cast %swap3A_709 : i32 to index
      %swap3A_711 = arith.constant 96 : index
      %swap3A_712 = tpu.vector_load %arg17[%swap3A_710, %swap3A_711] {strides = array<i32>} : memref<1x256xf32, #tpu.memory_space<vmem>>, vector<16xf32>,
      tpu.vector_store %arg17[%swap3A_710, %swap3A_711], %get3A_708 {strides = array<i32>} : memref<1x256xf32, #tpu.memory_space<vmem>>, vector<16xf32>,
      %get3A_713 = arith.constant 0 : i32
      %get3A_714 = arith.index_cast %get3A_713 : i32 to index
      %get3A_715 = arith.constant 112 : index
      %get3A_716 = tpu.vector_load %arg9[%get3A_714, %get3A_715] {strides = array<i32>} : memref<8x256xf32, #tpu.memory_space<vmem>>, vector<16xf32>,
      %swap3A_717 = arith.constant 0 : i32
      %swap3A_718 = arith.index_cast %swap3A_717 : i32 to index
      %swap3A_719 = arith.constant 112 : index
      %swap3A_720 = tpu.vector_load %arg17[%swap3A_718, %swap3A_719] {strides = array<i32>} : memref<1x256xf32, #tpu.memory_space<vmem>>, vector<16xf32>,
      tpu.vector_store %arg17[%swap3A_718, %swap3A_719], %get3A_716 {strides = array<i32>} : memref<1x256xf32, #tpu.memory_space<vmem>>, vector<16xf32>,
      %get3A_721 = arith.constant 0 : i32
      %get3A_722 = arith.index_cast %get3A_721 : i32 to index
      %get3A_723 = arith.constant 128 : index
      %get3A_724 = tpu.vector_load %arg9[%get3A_722, %get3A_723] {strides = array<i32>} : memref<8x256xf32, #tpu.memory_space<vmem>>, vector<16xf32>,
      %swap3A_725 = arith.constant 0 : i32
      %swap3A_726 = arith.index_cast %swap3A_725 : i32 to index
      %swap3A_727 = arith.constant 128 : index
      %swap3A_728 = tpu.vector_load %arg17[%swap3A_726, %swap3A_727] {strides = array<i32>} : memref<1x256xf32, #tpu.memory_space<vmem>>, vector<16xf32>,
      tpu.vector_store %arg17[%swap3A_726, %swap3A_727], %get3A_724 {strides = array<i32>} : memref<1x256xf32, #tpu.memory_space<vmem>>, vector<16xf32>,
      %get3A_729 = arith.constant 0 : i32
      %get3A_730 = arith.index_cast %get3A_729 : i32 to index
      %get3A_731 = arith.constant 144 : index
      %get3A_732 = tpu.vector_load %arg9[%get3A_730, %get3A_731] {strides = array<i32>} : memref<8x256xf32, #tpu.memory_space<vmem>>, vector<16xf32>,
      %swap3A_733 = arith.constant 0 : i32
      %swap3A_734 = arith.index_cast %swap3A_733 : i32 to index
      %swap3A_735 = arith.constant 144 : index
      %swap3A_736 = tpu.vector_load %arg17[%swap3A_734, %swap3A_735] {strides = array<i32>} : memref<1x256xf32, #tpu.memory_space<vmem>>, vector<16xf32>,
      tpu.vector_store %arg17[%swap3A_734, %swap3A_735], %get3A_732 {strides = array<i32>} : memref<1x256xf32, #tpu.memory_space<vmem>>, vector<16xf32>,
      %get3A_737 = arith.constant 0 : i32
      %get3A_738 = arith.index_cast %get3A_737 : i32 to index
      %get3A_739 = arith.constant 160 : index
      %get3A_740 = tpu.vector_load %arg9[%get3A_738, %get3A_739] {strides = array<i32>} : memref<8x256xf32, #tpu.memory_space<vmem>>, vector<16xf32>,
      %swap3A_741 = arith.constant 0 : i32
      %swap3A_742 = arith.index_cast %swap3A_741 : i32 to index
      %swap3A_743 = arith.constant 160 : index
      %swap3A_744 = tpu.vector_load %arg17[%swap3A_742, %swap3A_743] {strides = array<i32>} : memref<1x256xf32, #tpu.memory_space<vmem>>, vector<16xf32>,
      tpu.vector_store %arg17[%swap3A_742, %swap3A_743], %get3A_740 {strides = array<i32>} : memref<1x256xf32, #tpu.memory_space<vmem>>, vector<16xf32>,
      %get3A_745 = arith.constant 0 : i32
      %get3A_746 = arith.index_cast %get3A_745 : i32 to index
      %get3A_747 = arith.constant 176 : index
      %get3A_748 = tpu.vector_load %arg9[%get3A_746, %get3A_747] {strides = array<i32>} : memref<8x256xf32, #tpu.memory_space<vmem>>, vector<16xf32>,
      %swap3A_749 = arith.constant 0 : i32
      %swap3A_750 = arith.index_cast %swap3A_749 : i32 to index
      %swap3A_751 = arith.constant 176 : index
      %swap3A_752 = tpu.vector_load %arg17[%swap3A_750, %swap3A_751] {strides = array<i32>} : memref<1x256xf32, #tpu.memory_space<vmem>>, vector<16xf32>,
      tpu.vector_store %arg17[%swap3A_750, %swap3A_751], %get3A_748 {strides = array<i32>} : memref<1x256xf32, #tpu.memory_space<vmem>>, vector<16xf32>,
      %get3A_753 = arith.constant 0 : i32
      %get3A_754 = arith.index_cast %get3A_753 : i32 to index
      %get3A_755 = arith.constant 192 : index
      %get3A_756 = tpu.vector_load %arg9[%get3A_754, %get3A_755] {strides = array<i32>} : memref<8x256xf32, #tpu.memory_space<vmem>>, vector<16xf32>,
      %swap3A_757 = arith.constant 0 : i32
      %swap3A_758 = arith.index_cast %swap3A_757 : i32 to index
      %swap3A_759 = arith.constant 192 : index
      %swap3A_760 = tpu.vector_load %arg17[%swap3A_758, %swap3A_759] {strides = array<i32>} : memref<1x256xf32, #tpu.memory_space<vmem>>, vector<16xf32>,
      tpu.vector_store %arg17[%swap3A_758, %swap3A_759], %get3A_756 {strides = array<i32>} : memref<1x256xf32, #tpu.memory_space<vmem>>, vector<16xf32>,
      %get3A_761 = arith.constant 0 : i32
      %get3A_762 = arith.index_cast %get3A_761 : i32 to index
      %get3A_763 = arith.constant 208 : index
      %get3A_764 = tpu.vector_load %arg9[%get3A_762, %get3A_763] {strides = array<i32>} : memref<8x256xf32, #tpu.memory_space<vmem>>, vector<16xf32>,
      %swap3A_765 = arith.constant 0 : i32
      %swap3A_766 = arith.index_cast %swap3A_765 : i32 to index
      %swap3A_767 = arith.constant 208 : index
      %swap3A_768 = tpu.vector_load %arg17[%swap3A_766, %swap3A_767] {strides = array<i32>} : memref<1x256xf32, #tpu.memory_space<vmem>>, vector<16xf32>,
      tpu.vector_store %arg17[%swap3A_766, %swap3A_767], %get3A_764 {strides = array<i32>} : memref<1x256xf32, #tpu.memory_space<vmem>>, vector<16xf32>,
      %get3A_769 = arith.constant 0 : i32
      %get3A_770 = arith.index_cast %get3A_769 : i32 to index
      %get3A_771 = arith.constant 224 : index
      %get3A_772 = tpu.vector_load %arg9[%get3A_770, %get3A_771] {strides = array<i32>} : memref<8x256xf32, #tpu.memory_space<vmem>>, vector<16xf32>,
      %swap3A_773 = arith.constant 0 : i32
      %swap3A_774 = arith.index_cast %swap3A_773 : i32 to index
      %swap3A_775 = arith.constant 224 : index
      %swap3A_776 = tpu.vector_load %arg17[%swap3A_774, %swap3A_775] {strides = array<i32>} : memref<1x256xf32, #tpu.memory_space<vmem>>, vector<16xf32>,
      tpu.vector_store %arg17[%swap3A_774, %swap3A_775], %get3A_772 {strides = array<i32>} : memref<1x256xf32, #tpu.memory_space<vmem>>, vector<16xf32>,
      %get3A_777 = arith.constant 0 : i32
      %get3A_778 = arith.index_cast %get3A_777 : i32 to index
      %get3A_779 = arith.constant 240 : index
      %get3A_780 = tpu.vector_load %arg9[%get3A_778, %get3A_779] {strides = array<i32>} : memref<8x256xf32, #tpu.memory_space<vmem>>, vector<16xf32>,
      %swap3A_781 = arith.constant 0 : i32
      %swap3A_782 = arith.index_cast %swap3A_781 : i32 to index
      %swap3A_783 = arith.constant 240 : index
      %swap3A_784 = tpu.vector_load %arg17[%swap3A_782, %swap3A_783] {strides = array<i32>} : memref<1x256xf32, #tpu.memory_space<vmem>>, vector<16xf32>,
      tpu.vector_store %arg17[%swap3A_782, %swap3A_783], %get3A_780 {strides = array<i32>} : memref<1x256xf32, #tpu.memory_space<vmem>>, vector<16xf32>,
      %run_scoped3A_785 = arith.constant 0 : i32
      "tpu.region"() ({
        %run_scoped3A_788 = tpu.sem_alloc : memref<!tpu.dma_semaphore, #tpu.memory_space<semaphore_mem>>
        %dma_start3A_789 = arith.constant 0 : i32
        %dma_start3A_790 = arith.constant 0 : i32
        %dma_start3A_791 = tpu.memref_slice %arg13[%dma_start3A_789, %dma_start3A_790] : memref<63x256xf32, #tpu.memory_space<vmem>> -> memref<63x128xf32, #tpu.memory_space<vmem>>
        %dma_start3A_792 = arith.constant 0 : i32
        %dma_start3A_793 = tpu.memref_slice %arg7[%run_scoped3A_785, %dma_start3A_792] : memref<1x63xi32, #tpu.memory_space<vmem>> -> memref<1x63xi32, #tpu.memory_space<vmem>>
        %dma_start3A_794 = tpu.memref_squeeze %dma_start3A_793 : memref<1x63xi32, #tpu.memory_space<vmem>> -> memref<63xi32, #tpu.memory_space<vmem>>
        %dma_start3A_795 = arith.constant 0 : i32
        %dma_start3A_796 = arith.constant 999680 : i32
        %dma_start3A_797 = tpu.memref_slice %arg6[%dma_start3A_795, %dma_start3A_796] : memref<64x1000000xf32, #tpu.memory_space<hbm>> -> memref<64x128xf32, #tpu.memory_space<hbm>>
        %dma_start3A_798 = arith.constant 0 : i32
        %dma_start3A_799 = arith.constant 0 : i32
        %dma_start3A_800 = tpu.memref_slice %dma_start3A_797[%dma_start3A_798, %dma_start3A_799] : memref<64x128xf32, #tpu.memory_space<hbm>> -> memref<64x128xf32, #tpu.memory_space<hbm>>
        tpu.enqueue_indirect_dma source(%dma_start3A_791 : memref<63x128xf32, #tpu.memory_space<vmem>>) target(%dma_start3A_800 : memref<64x128xf32, #tpu.memory_space<hbm>>) offsets(%dma_start3A_794 : memref<63xi32, #tpu.memory_space<vmem>>) semaphore(%run_scoped3A_788 : memref<!tpu.dma_semaphore, #tpu.memory_space<semaphore_mem>>)
        %dma_wait3A_801 = arith.constant 0 : i32
        %dma_wait3A_802 = arith.constant 0 : i32
        %dma_wait3A_803 = tpu.memref_slice %arg13[%dma_wait3A_801, %dma_wait3A_802] : memref<63x256xf32, #tpu.memory_space<vmem>> -> memref<63x128xf32, #tpu.memory_space<vmem>>
        %dma_wait3A_804 = arith.constant 0 : i32
        %dma_wait3A_805 = tpu.memref_slice %arg7[%run_scoped3A_785, %dma_wait3A_804] : memref<1x63xi32, #tpu.memory_space<vmem>> -> memref<1x63xi32, #tpu.memory_space<vmem>>
        %dma_wait3A_806 = tpu.memref_squeeze %dma_wait3A_805 : memref<1x63xi32, #tpu.memory_space<vmem>> -> memref<63xi32, #tpu.memory_space<vmem>>
        %dma_wait3A_807 = arith.constant 0 : i32
        %dma_wait3A_808 = arith.constant 999680 : i32
        %dma_wait3A_809 = tpu.memref_slice %arg6[%dma_wait3A_807, %dma_wait3A_808] : memref<64x1000000xf32, #tpu.memory_space<hbm>> -> memref<64x128xf32, #tpu.memory_space<hbm>>
        %dma_wait3A_810 = arith.constant 0 : i32
        %dma_wait3A_811 = arith.constant 0 : i32
        %dma_wait3A_812 = tpu.memref_slice %dma_wait3A_809[%dma_wait3A_810, %dma_wait3A_811] : memref<64x128xf32, #tpu.memory_space<hbm>> -> memref<64x128xf32, #tpu.memory_space<hbm>>
        tpu.wait_indirect_dma semaphore(%run_scoped3A_788 : memref<!tpu.dma_semaphore, #tpu.memory_space<semaphore_mem>>) src(%dma_wait3A_803 : memref<63x128xf32, #tpu.memory_space<vmem>>) dst(%dma_wait3A_812 : memref<64x128xf32, #tpu.memory_space<hbm>>)
        tpu.yield
      }) : () -> ()
      %run_scoped3A_786 = arith.constant 0 : i32
      "tpu.region"() ({
        %run_scoped3A_788 = tpu.sem_alloc : memref<!tpu.dma_semaphore, #tpu.memory_space<semaphore_mem>>
        %dma_start3A_789 = arith.constant 0 : i32
        %dma_start3A_790 = arith.constant 128 : i32
        %dma_start3A_791 = tpu.memref_slice %arg13[%dma_start3A_789, %dma_start3A_790] : memref<63x256xf32, #tpu.memory_space<vmem>> -> memref<63x128xf32, #tpu.memory_space<vmem>>
        %dma_start3A_792 = arith.constant 0 : i32
        %dma_start3A_793 = tpu.memref_slice %arg7[%run_scoped3A_786, %dma_start3A_792] : memref<1x63xi32, #tpu.memory_space<vmem>> -> memref<1x63xi32, #tpu.memory_space<vmem>>
        %dma_start3A_794 = tpu.memref_squeeze %dma_start3A_793 : memref<1x63xi32, #tpu.memory_space<vmem>> -> memref<63xi32, #tpu.memory_space<vmem>>
        %dma_start3A_795 = arith.constant 0 : i32
        %dma_start3A_796 = arith.constant 999808 : i32
        %dma_start3A_797 = tpu.memref_slice %arg6[%dma_start3A_795, %dma_start3A_796] : memref<64x1000000xf32, #tpu.memory_space<hbm>> -> memref<64x128xf32, #tpu.memory_space<hbm>>
        %dma_start3A_798 = arith.constant 0 : i32
        %dma_start3A_799 = arith.constant 0 : i32
        %dma_start3A_800 = tpu.memref_slice %dma_start3A_797[%dma_start3A_798, %dma_start3A_799] : memref<64x128xf32, #tpu.memory_space<hbm>> -> memref<64x128xf32, #tpu.memory_space<hbm>>
        tpu.enqueue_indirect_dma source(%dma_start3A_791 : memref<63x128xf32, #tpu.memory_space<vmem>>) target(%dma_start3A_800 : memref<64x128xf32, #tpu.memory_space<hbm>>) offsets(%dma_start3A_794 : memref<63xi32, #tpu.memory_space<vmem>>) semaphore(%run_scoped3A_788 : memref<!tpu.dma_semaphore, #tpu.memory_space<semaphore_mem>>)
        %dma_wait3A_801 = arith.constant 0 : i32
        %dma_wait3A_802 = arith.constant 128 : i32
        %dma_wait3A_803 = tpu.memref_slice %arg13[%dma_wait3A_801, %dma_wait3A_802] : memref<63x256xf32, #tpu.memory_space<vmem>> -> memref<63x128xf32, #tpu.memory_space<vmem>>
        %dma_wait3A_804 = arith.constant 0 : i32
        %dma_wait3A_805 = tpu.memref_slice %arg7[%run_scoped3A_786, %dma_wait3A_804] : memref<1x63xi32, #tpu.memory_space<vmem>> -> memref<1x63xi32, #tpu.memory_space<vmem>>
        %dma_wait3A_806 = tpu.memref_squeeze %dma_wait3A_805 : memref<1x63xi32, #tpu.memory_space<vmem>> -> memref<63xi32, #tpu.memory_space<vmem>>
        %dma_wait3A_807 = arith.constant 0 : i32
        %dma_wait3A_808 = arith.constant 999808 : i32
        %dma_wait3A_809 = tpu.memref_slice %arg6[%dma_wait3A_807, %dma_wait3A_808] : memref<64x1000000xf32, #tpu.memory_space<hbm>> -> memref<64x128xf32, #tpu.memory_space<hbm>>
        %dma_wait3A_810 = arith.constant 0 : i32
        %dma_wait3A_811 = arith.constant 0 : i32
        %dma_wait3A_812 = tpu.memref_slice %dma_wait3A_809[%dma_wait3A_810, %dma_wait3A_811] : memref<64x128xf32, #tpu.memory_space<hbm>> -> memref<64x128xf32, #tpu.memory_space<hbm>>
        tpu.wait_indirect_dma semaphore(%run_scoped3A_788 : memref<!tpu.dma_semaphore, #tpu.memory_space<semaphore_mem>>) src(%dma_wait3A_803 : memref<63x128xf32, #tpu.memory_space<vmem>>) dst(%dma_wait3A_812 : memref<64x128xf32, #tpu.memory_space<hbm>>)
        tpu.yield
      }) : () -> ()
      %run_scoped3A_787 = arith.constant 0 : i32
      "tpu.region"() ({
        %run_scoped3A_788 = tpu.sem_alloc : memref<!tpu.dma_semaphore, #tpu.memory_space<semaphore_mem>>
        %dma_start3A_789 = arith.constant 0 : i32
        %dma_start3A_790 = tpu.memref_slice %arg8[%run_scoped3A_787, %dma_start3A_789] : memref<1x1xi32, #tpu.memory_space<vmem>> -> memref<1x1xi32, #tpu.memory_space<vmem>>
        %dma_start3A_791 = tpu.memref_squeeze %dma_start3A_790 : memref<1x1xi32, #tpu.memory_space<vmem>> -> memref<1xi32, #tpu.memory_space<vmem>>
        %dma_start3A_792 = arith.constant 0 : i32
        %dma_start3A_793 = arith.constant 999680 : i32
        %dma_start3A_794 = tpu.memref_slice %arg6[%dma_start3A_792, %dma_start3A_793] : memref<64x1000000xf32, #tpu.memory_space<hbm>> -> memref<64x256xf32, #tpu.memory_space<hbm>>
        %dma_start3A_795 = arith.constant 0 : i32
        %dma_start3A_796 = arith.constant 0 : i32
        %dma_start3A_797 = tpu.memref_slice %dma_start3A_794[%dma_start3A_795, %dma_start3A_796] : memref<64x256xf32, #tpu.memory_space<hbm>> -> memref<64x256xf32, #tpu.memory_space<hbm>>
        tpu.enqueue_indirect_dma source(%arg17 : memref<1x256xf32, #tpu.memory_space<vmem>>) target(%dma_start3A_797 : memref<64x256xf32, #tpu.memory_space<hbm>>) offsets(%dma_start3A_791 : memref<1xi32, #tpu.memory_space<vmem>>) semaphore(%run_scoped3A_788 : memref<!tpu.dma_semaphore, #tpu.memory_space<semaphore_mem>>)
        %dma_wait3A_798 = arith.constant 0 : i32
        %dma_wait3A_799 = tpu.memref_slice %arg8[%run_scoped3A_787, %dma_wait3A_798] : memref<1x1xi32, #tpu.memory_space<vmem>> -> memref<1x1xi32, #tpu.memory_space<vmem>>
        %dma_wait3A_800 = tpu.memref_squeeze %dma_wait3A_799 : memref<1x1xi32, #tpu.memory_space<vmem>> -> memref<1xi32, #tpu.memory_space<vmem>>
        %dma_wait3A_801 = arith.constant 0 : i32
        %dma_wait3A_802 = arith.constant 999680 : i32
        %dma_wait3A_803 = tpu.memref_slice %arg6[%dma_wait3A_801, %dma_wait3A_802] : memref<64x1000000xf32, #tpu.memory_space<hbm>> -> memref<64x256xf32, #tpu.memory_space<hbm>>
        %dma_wait3A_804 = arith.constant 0 : i32
        %dma_wait3A_805 = arith.constant 0 : i32
        %dma_wait3A_806 = tpu.memref_slice %dma_wait3A_803[%dma_wait3A_804, %dma_wait3A_805] : memref<64x256xf32, #tpu.memory_space<hbm>> -> memref<64x256xf32, #tpu.memory_space<hbm>>
        tpu.wait_indirect_dma semaphore(%run_scoped3A_788 : memref<!tpu.dma_semaphore, #tpu.memory_space<semaphore_mem>>) src(%arg17 : memref<1x256xf32, #tpu.memory_space<vmem>>) dst(%dma_wait3A_806 : memref<64x256xf32, #tpu.memory_space<hbm>>)
        tpu.yield
      }) : () -> ()
    } else {
    }
    return
  }
}

</mosaic_0001>

<sc_bundles>
// kernel: kernel.3.cloned.1.call-start
scs
__scs_entry_jumppad:
0x0: {  	(pc) =	sbr.rel $0x88, $3  }
0x1: {  	(tag) =	ssettag $0x0;
	lr =	simm.s32 $0x1  }
0x2: {  	[smem:$0x3F9F] =	sst lr;
	_ =	strace $0xD0000000  }
0x3: {  	_ = 	snop  }
0x4: {  	_ = 	snop  }
0x5: {  	_ = 	snop  }
0x6: {  	_ = 	snop  }
0x7: {  	_ = 	snop  }
__scs_overlays_trampoline_lowered:
0x8: {  	[smem:$0x3FAE] =	sst s0  }
0x9: {  	[smem:$0x3FAF] =	sst s1  }
0xa: {  	[smem:$0x3FB0] =	sst s2  }
0xb: {  	[smem:$0x3FB1] =	sst s3  }
0xc: {  	[smem:$0x3FB2] =	sst s4  }
0xd: {  	[smem:$0x3FB3] =	sst s5  }
0xe: {  	[smem:$0x3FB4] =	sst s6  }
0xf: {  	[smem:$0x3FB5] =	sst s7  }
0x10: {  	[smem:$0x3FB6] =	sst s8  }
0x11: {  	[smem:$0x3FB7] =	sst s9;
	s0 =	simm.s32 @!p0 $0x0  }
0x12: {  	s1 =	sld [smem:$0x3F9D];
	s0 =	simm.s32 @p0 $0x1  }
0x13: {  	[smem:$0x3FB8] =	sst s0;
	s0 =	simm.s32 @!p1 $0x0  }
0x14: {  	s2 =	sld [smem:$0x3F9C];
	s0 =	simm.s32 @p1 $0x1  }
0x15: {  	[smem:$0x3FB9] =	sst s0;
	s0 =	simm.s32 @!p2 $0x0  }
0x16: {  	s3 =	sld [smem:$0x3FDB];
	s0 =	simm.s32 @p2 $0x1  }
0x17: {  	s4 =	simm.s32 $0x1BF5;
	[smem:$0x3FBB] =	sst s0  }
0x18: {  	s0 =	sld [smem:$0x3F9E];
	_ =	swait.ge [sflag:s4], $0x0  }
0x19: {  	s7 =	sld [smem:$0x3F9F]  }
0x1a: {  	s8 =	sadd.s32 $0xFFFFE003, lr  }
0x1b: {  	s9 =	sadd.s32 $0xFFFFFEF7, lr;
	s5 =	simm.s32 $0xFFFFFFFF;
	p2 =	slt.u32 s8, $0xFFFFF086  }
0x1c: {  	p1 =	slt.u32 s9, $0xF7A;
	s5 =	simm.s32 @!p2 $0x0  }
0x1d: {  	s5 =	simm.s32 @p1 $0x1;
	p0 =	seq.s32 s7, s2  }
0x1e: {  	s7 =	smul.u32 @!p0 $0xF7A, s2;
	p2 =	seq.s32 @!p0 s5, $0x0  }
0x1f: {  	s9 =	smul.u32 $0xF7A, s1;
	s8 =	simm.s32 @!p0 $0x1BF5;
	p2 =	por !p2, p0  }
0x20: {  	[sflag:s8] =	ssyncset.s32 @!p0 $0xFFFFF086;
	s6 =	sadd.s32 @!p0 s3, s7;
	s7 =	simm.s32 @!p0 $0x108  }
0x21: {  	s3 =	sadd.s32 s3, s9;
	s6 =	sadd.s32 @!p0 $0x88, s6;
	s7 =	simm.s32 @p2 $0x1082  }
0x22: {  	[simem:s7], [sflag:s8] =	dma.local @!p0 [hbm:s6], $0xF7A  }
0x23: {  	s9 =	sor.u32 $0xD0000000, s2;
	s6 =	simm.s32 $0x108;
	_ =	swait.ge @!p0 [sflag:s8], $0x0  }
0x24: {  	s3 =	sadd.s32 $0x88, s3;
	s6 =	simm.s32 @!p1 $0x1082;
	[sflag:s4] =	ssyncset.s32 $0xFFFFF086  }
0x25: {  	[simem:s6], [sflag:s4] =	dma.local [hbm:s3], $0xF7A  }
0x26: {  	[smem:$0x3F9F] =	sst s1;
	(tag) =	ssettag s2;
	_ =	strace s9  }
0x27: {  	s1 =	sld [smem:$0x3FAF]  }
0x28: {  	s2 =	sld [smem:$0x3FB0]  }
0x29: {  	s4 =	sld [smem:$0x3FB2]  }
0x2a: {  	p0 =	seq.s32 s5, $0x0;
	s5 =	sld [smem:$0x3FB3]  }
0x2b: {  	s6 =	sld [smem:$0x3FB4]  }
0x2c: {  	s7 =	sld [smem:$0x3FB5]  }
0x2d: {  	s3 =	simm.s32 $0x108;
	s8 =	sld [smem:$0x3FB6]  }
0x2e: {  	s3 =	simm.s32 @!p0 $0x1082;
	s9 =	sld [smem:$0x3FB7]  }
0x2f: {  	lr =	sadd.s32 s0, s3;
	s0 =	sld [smem:$0x3FAE]  }
0x30: {  	s3 =	sld [smem:$0x3FB1]  }
0x31: {  	[smem:$0x3FBA] =	sst s10  }
0x32: {  	s10 =	sld [smem:$0x3FB8];
	_ =	sdelay $0x3  }
0x33: {  	p0 =	seq.s32 s10, $0x1;
	s10 =	sld [smem:$0x3FBA];
	_ =	sdelay $0x3  }
0x34: {  	[smem:$0x3FBA] =	sst s10  }
0x35: {  	s10 =	sld [smem:$0x3FB9];
	_ =	sdelay $0x3  }
0x36: {  	p1 =	seq.s32 s10, $0x1;
	s10 =	sld [smem:$0x3FBA];
	_ =	sdelay $0x3  }
0x37: {  	[smem:$0x3FBA] =	sst s10  }
0x38: {  	s10 =	sld [smem:$0x3FBB]  }
0x39: {  	_ = 	snop;
	(pc) =	sbr.ind lr, $3  }
0x3a: {  	_ = 	snop  }
0x3b: {  	_ = 	snop  }
0x3c: {  	p2 =	seq.s32 s10, $0x1;
	s10 =	sld [smem:$0x3FBA]  }
0x3d: {  	_ =	shalt  }
0x3e: {  	_ =	shalt  }
0x3f: {  	_ =	shalt  }
0x40: {  	_ =	shalt  }
0x41: {  	_ =	shalt  }
0x42: {  	_ =	shalt  }
0x43: {  	_ =	shalt  }
0x44: {  	_ =	shalt  }
0x45: {  	_ =	shalt  }
0x46: {  	_ =	shalt  }
0x47: {  	_ =	shalt  }
0x48: {  	_ =	shalt  }
0x49: {  	_ =	shalt  }
0x4a: {  	_ =	shalt  }
0x4b: {  	_ =	shalt  }
0x4c: {  	_ =	shalt  }
0x4d: {  	_ =	shalt  }
0x4e: {  	_ =	shalt  }
0x4f: {  	_ =	shalt  }
0x50: {  	_ =	shalt  }
0x51: {  	_ =	shalt  }
0x52: {  	_ =	shalt  }
0x53: {  	_ =	shalt  }
0x54: {  	_ =	shalt  }
0x55: {  	_ =	shalt  }
0x56: {  	_ =	shalt  }
0x57: {  	_ =	shalt  }
0x58: {  	_ =	shalt  }
0x59: {  	_ =	shalt  }
0x5a: {  	_ =	shalt  }
0x5b: {  	_ =	shalt  }
0x5c: {  	_ =	shalt  }
0x5d: {  	_ =	shalt  }
0x5e: {  	_ =	shalt  }
0x5f: {  	_ =	shalt  }
0x60: {  	_ =	shalt  }
0x61: {  	_ =	shalt  }
0x62: {  	_ =	shalt  }
0x63: {  	_ =	shalt  }
0x64: {  	_ =	shalt  }
0x65: {  	_ =	shalt  }
0x66: {  	_ =	shalt  }
0x67: {  	_ =	shalt  }
0x68: {  	_ =	shalt  }
0x69: {  	_ =	shalt  }
0x6a: {  	_ =	shalt  }
0x6b: {  	_ =	shalt  }
0x6c: {  	_ =	shalt  }
0x6d: {  	_ =	shalt  }
0x6e: {  	_ =	shalt  }
0x6f: {  	_ =	shalt  }
0x70: {  	_ =	shalt  }
0x71: {  	_ =	shalt  }
0x72: {  	_ =	shalt  }
0x73: {  	_ =	shalt  }
0x74: {  	_ =	shalt  }
0x75: {  	_ =	shalt  }
0x76: {  	_ =	shalt  }
0x77: {  	_ =	shalt  }
0x78: {  	_ =	shalt  }
0x79: {  	_ =	shalt  }
0x7a: {  	_ =	shalt  }
0x7b: {  	_ =	shalt  }
0x7c: {  	_ =	shalt  }
0x7d: {  	_ =	shalt  }
0x7e: {  	_ =	shalt  }
0x7f: {  	_ =	shalt  }
0x80: {  	_ =	shalt  }
0x81: {  	_ =	shalt  }
0x82: {  	_ =	shalt  }
0x83: {  	_ =	shalt  }
0x84: {  	_ =	shalt  }
0x85: {  	_ =	shalt  }
0x86: {  	_ =	shalt  }
0x87: {  	_ =	shalt  }
.Lfunc_end0:
.L_simem_size_0:
called_computation_lowered:
.L_overlay_start_0:
0x88: {  	s2 =	sld [smem:$0x3FD9]  }
0x89: {  	s3 =	sld [smem:$0x3FFE];
	_ =	sdelay $0x1  }
0x8a: {  	s1 =	srdreg.scid  }
0x8b: {  	s0 =	sand.u32 $0x1, s1  }
0x8c: {  	s17 =	sshll.u32 s0, $0xA;
	s2 =	sadd.s32 s3, s2  }
0x8d: {  	s2 =	sadd.s32 s2, s17  }
0x8e: {  	[smem:$0x3FC6] =	sst s2  }
0x8f: {  	_ = 	snop  }
0x90: {  	s2 =	sld [smem:$0x3FC9]  }
0x91: {  	s18 =	sld [smem:$0x3FC8]  }
0x92: {  	s4 =	sld [smem:$0x3FD0];
	(tm) =	ssettm $0x1  }
0x93: {  	s5 =	sld [smem:$0x3FFB];
	_ =	sdelay $0x3  }
0x94: {  	_ =	strace s5  }
0x95: {  	s5 =	sld [smem:$0x3FFC];
	_ =	sdelay $0x3  }
0x96: {  	_ =	strace s5  }
0x97: {  	s5 =	sld [smem:$0x3FFD];
	_ =	sdelay $0x3  }
0x98: {  	_ =	strace s5  }
0x99: {  	_ =	strace $0x8FFFFFFF  }
0x9a: {  	s19 =	sld [smem:$0x3FDB];
	_ =	sdelay $0x1  }
0x9b: {  	s6 =	simm.s32 $_scs_section_size  }
0x9c: {  	s7 =	simm.s32 $_size__tile_overlayer_lowered;
	s8 =	simm.s32 $_tile_overlayer_lowered  }
0x9d: {  	s22 =	simm.s32 $0x1BFF;
	s21 =	sshll.u32 s8, $0x1;
	s5 =	sadd.s32 s6, s19  }
0x9e: {  	s9 =	simm.s32 $0x0;
	s20 =	sshll.u32 s7, $0x1;
	s7 =	sadd.s32 s21, s5  }
0x9f: {  	[timem:s9], [sflag:s22] =	dma.local [hbm:s7], s20  }
0xa0: {  	_ =	swait.ge [sflag:s22], s20  }
0xa1: {  	s6 =	ssub.s32 $0x0, s20;
	[sflag:s22] =	ssyncset.done $0x0  }
0xa2: {  	[sflag:s22] =	ssyncadd.s32 s6;
	_ =	sdelay $0x1  }
0xa3: {  	s23 =	simm.s32 $0x1B8B  }
0xa4: {  	_ =	swait.ge [sflag:s23], $0x1  }
0xa5: {  	[sflag:s23] =	ssyncset.done $0x0  }
0xa6: {  	s25 =	simm.s32 $0x1B8E;
	s24 =	sld [smem:$0x3FFE];
	[sflag:s23] =	ssyncadd.s32 $0xFFFFFFFF  }
0xa7: {  	s26 =	simm.s32 $execute0_lowered;
	[smem:$0x3FD2] =	sst s25  }
0xa8: {  	s7 =	sshll.u32 s26, $0x1;
	_ =	strace $0x80000046;
	[dreg:$0x1] =	wrdreg $0xFFFFFFFF  }
0xa9: {  	s28 =	simm.s32 $_size_execute0_lowered;
	s5 =	sadd.s32 s5, s7;
	[dreg:$0x0] =	wrdreg $0x0  }
0xaa: {  	s7 =	sshll.u32 s28, $0x1;
	[dreg:$0x2] =	wrdreg s5  }
0xab: {  	[dreg:$0x3] =	wrdreg s7  }
0xac: {  	[dreg:$0x4] =	wrdreg $0xC0  }
0xad: {  	_ =	task [dreg:s9], $0x5FFFF  }
0xae: {  	[dreg:$0x1] =	wrdreg $0xFFFFFFFF  }
0xaf: {  	[dreg:$0x0] =	wrdreg $0x60  }
0xb0: {  	[dreg:$0x2] =	wrdreg s24  }
0xb1: {  	[dreg:$0x3] =	wrdreg s2  }
0xb2: {  	[dreg:$0x4] =	wrdreg s18  }
0xb3: {  	[dreg:$0x5] =	wrdreg s4  }
0xb4: {  	[dreg:$0x6] =	wrdreg $0x9  }
0xb5: {  	_ =	task.clear_ibuf [dreg:s9], $0x7FFFF;
	_ =	strace $0x90000046  }
0xb6: {  	s29 =	simm.s32 $0x9;
	_ =	strace $0x80000048  }
0xb7: {  	_ =	swait.ge [sflag:s29], $0x1  }
0xb8: {  	[sflag:s29] =	ssyncadd.s32 $0xFFFFFFFF  }
0xb9: {  	_ =	strace $0x90000048  }
0xba: {  	_ =	sfence  }
0xbb: {  	s30 =	sld [smem:$0x0];
	_ =	sdelay $0x2  }
0xbc: {  	s31 =	sshll.u32 s1, $0xD;
	s1 =	sshrl.u32 s1, $0x2  }
0xbd: {  	s3 =	sand.u32 $0x4000, s31;
	s1 =	sadd.s32 s1, s30  }
0xbe: {  	s0 =	sor.u32 s3, s0;
	s1 =	sshll.u32 s1, $0x11  }
0xbf: {  	s0 =	sor.u32 s1, s0  }
0xc0: {  	s0 =	sadd.s32 $0x8F2B, s0  }
0xc1: {  	[sflag:s0] =	ssyncadd.remote.s32 $0x1  }
0xc2: {  	_ =	sfence.sel $0xFFFF  }
0xc3: {  	[dreg:$0x0] =	wrdreg $0xFFFFFFFF;
	(pc) =	sbr.abs _section_cstart, $3  }
0xc4: {  	[dreg:$0x1] =	wrdreg $0xFFFFFFFF  }
0xc5: {  	_ =	task.clear_ibuf [dreg:s9], $0x2FFFF;
	_ =	strace $0x9FFFFFFF  }
0xc6: {  	(tm) =	ssettm $0x7FFFFFFF  }
0xc7: {  	_ =	shalt  }
tec
execute0_lowered:
.L_overlay_start_1:
0x0: {  	(tag) =	ssettag $0x1  }
0x1: {  	s2 =	rddreg [dreg:$0x0]  }
0x2: {  	s1 =	rddreg [dreg:$0x1]  }
0x3: {  	s3 =	rddreg [dreg:$0x2]  }
0x4: {  	s4 =	rddreg [dreg:$0x3];
	s5 =	simm.s32 $0x0  }
0x5: {  	s25 =	simm.s32 $0x1100;
	[smem:$0x7FF] =	sst s5  }
0x6: {  	s26 =	simm.s32 $0x1900;
	_ =	strace $0x80000047;
	[dreg:$0x8] =	wrdreg s25  }
0x7: {  	s30 =	simm.s32 $0xA900;
	[dreg:$0x9] =	wrdreg s26  }
0x8: {  	s11 =	simm.s32 $0xC100;
	[dreg:$0xa] =	wrdreg s30  }
0x9: {  	s12 =	simm.s32 $0xC900;
	[dreg:$0xd] =	wrdreg s11  }
0xa: {  	s13 =	simm.s32 $0xD100;
	[dreg:$0xe] =	wrdreg s12  }
0xb: {  	s14 =	simm.s32 $0xD900;
	[dreg:$0xf] =	wrdreg s13  }
0xc: {  	s16 =	sadd.s32 $0x400, s2;
	[dreg:$0x10] =	wrdreg s14  }
0xd: {  	s15 =	simm.s32 $0xA500;
	[smem:$0x7E0] =	sst s16  }
0xe: {  	s2 =	sadd.s32 $0x600, s2;
	[dreg:$0x11] =	wrdreg s15  }
0xf: {  	s17 =	simm.s32 $0xAD00;
	[smem:$0x7E1] =	sst s2  }
0x10: {  	s18 =	simm.s32 $0xB500;
	[dreg:$0x12] =	wrdreg s17  }
0x11: {  	[dreg:$0x13] =	wrdreg s18;
	s25 =	simm.s32 $0xD500  }
0x12: {  	s26 =	simm.s32 $0xDD00;
	[dreg:$0x17] =	wrdreg s25  }
0x13: {  	s30 =	simm.s32 $0x12300;
	[dreg:$0x18] =	wrdreg s26  }
0x14: {  	s11 =	simm.s32 $0xE900;
	[dreg:$0x19] =	wrdreg s30  }
0x15: {  	s13 =	simm.s32 $0xF100;
	[dreg:$0x1a] =	wrdreg s11  }
0x16: {  	s0 =	srdreg.scid;
	s15 =	simm.s32 $0xF900;
	[dreg:$0x1b] =	wrdreg s13  }
0x17: {  	s10 =	stileid.u32;
	s17 =	simm.s32 $0x10100;
	[dreg:$0x1c] =	wrdreg s15  }
0x18: {  	s6 =	sand.u32 $0x1, s0;
	s18 =	simm.s32 $0x10900;
	[dreg:$0x1d] =	wrdreg s17  }
0x19: {  	s20 =	smul.u32 $0x7A000, s10;
	[dreg:$0x1e] =	wrdreg s18;
	s25 =	simm.s32 $0xF500  }
0x1a: {  	s8 =	smul.u32 $0xF400, s10;
	s30 =	simm.s32 $0xFD00;
	[smem:$0x7EB] =	sst s25  }
0x1b: {  	s7 =	smul.u32 $0x3D000, s6;
	s15 =	simm.s32 $0x10D00;
	[smem:$0x7ED] =	sst s30  }
0x1c: {  	s9 =	smul.u32 $0x7A00, s6;
	s18 =	sadd.s32 $0xF4000, s1;
	[smem:$0x7F1] =	sst s15  }
0x1d: {  	s21 =	sadd.s32 s8, s4;
	s17 =	simm.s32 $0x11500;
	[smem:$0x7F2] =	sst s18  }
0x1e: {  	s0 =	sadd.s32 s7, s20;
	s7 =	sadd.s32 s9, s21;
	[smem:$0x7F3] =	sst s17  }
0x1f: {  	s9 =	simm.s32 $0xB900;
	[dreg:$0x5] =	wrdreg s7  }
0x20: {  	s20 =	simm.s32 $0xBD00;
	[dreg:$0xc] =	wrdreg s9  }
0x21: {  	s19 =	ssub.s32 $0x2, s6;
	s25 =	sadd.s32 $0xF4100, s1;
	[dreg:$0x14] =	wrdreg s20  }
0x22: {  	s21 =	sshrl.u32 s19, $0x1;
	s30 =	sadd.s32 $0xF4180, s4;
	[smem:$0x7FB] =	sst s25  }
0x23: {  	s7 =	ssub.s32 s19, s21;
	s19 =	simm.s32 $0x11100;
	[smem:$0x7FD] =	sst s30  }
0x24: {  	s29 =	simm.s32 $0x100;
	s20 =	simm.s32 $0x11900;
	[dreg:$0x1f] =	wrdreg s19  }
0x25: {  	s22 =	sadd.s32 $0x2800, s0;
	s0 =	sadd.s32 $0x2000, s0;
	[smem:$0x7E6] =	sst s20  }
0x26: {  	s8 =	sshrl.u32 s22, $0x3;
	s22 =	simm.s32 $0xC500;
	[smem:$0x7FA] =	sst s0  }
0x27: {  	s31 =	simm.s32 $0x1;
	s20 =	sadd.s32 $0xF4000, s4;
	[dreg:$0x15] =	wrdreg s22  }
0x28: {  	s28 =	simm.s32 $0x2900;
	s19 =	simm.s32 $0x11D00;
	[smem:$0x7F4] =	sst s20  }
0x29: {  	s2 =	simm.s32 $0x800;
	s23 =	sadd.s32 s8, s1;
	[smem:$0x7F5] =	sst s19  }
0x2a: {  	s17 =	simm.s32 $0x2;
	s24 =	sadd.s32 s8, s3;
	[dreg:$0x6] =	wrdreg s23  }
0x2b: {  	s18 =	simm.s32 $0x0;
	s8 =	simm.s32 $0xB100;
	[dreg:$0x7] =	wrdreg s24  }
0x2c: {  	s0 =	simm.s32 $0x7A1400;
	s22 =	simm.s32 $0xE500;
	[dreg:$0xb] =	wrdreg s8  }
0x2d: {  	s23 =	sshll.u32 s10, $0x1;
	s24 =	simm.s32 $0xCD00;
	[smem:$0x7E7] =	sst s22  }
0x2e: {  	s22 =	sadd.s32 $0xF4080, s4;
	s6 =	sor.u32 s6, s23;
	[dreg:$0x16] =	wrdreg s24  }
0x2f: {  	s23 =	simm.s32 $0xED00;
	[smem:$0x7F7] =	sst s22;
	s8 =	smul.u32 $0x7A00, s6  }
0x30: {  	s19 =	simm.s32 $0x2100;
	[smem:$0x7E9] =	sst s23;
	s23 =	sadd.s32 $0xF4100, s3  }
0x31: {  	s22 =	simm.s32 $0x900;
	[smem:$0x7F8] =	sst s23;
	s10 =	sadd.s32 s3, s8  }
0x32: {  	s12 =	sadd.s32 s1, s8;
	s14 =	sor.u32 $0x100, s8;
	[smem:$0x7E2] =	sst s10  }
0x33: {  	s13 =	smul.u32 $0x3D000, s6;
	[smem:$0x7E3] =	sst s12;
	s16 =	sadd.s32 s3, s14  }
0x34: {  	p0 =	sne.s32 s6, $0x0;
	s9 =	sadd.s32 s1, s14;
	[smem:$0x7E4] =	sst s16  }
0x35: {  	s6 =	simm.s32 $0x5;
	s12 =	simm.s32 $0x10500;
	[smem:$0x7E5] =	sst s9  }
0x36: {  	s21 =	sshrl.u32 s13, $0x3;
	[smem:$0x7EF] =	sst s12;
	s16 =	sadd.s32 $0xF4000, s3  }
0x37: {  	s9 =	sadd.s32 s4, s21;
	s21 =	simm.s32 $0x12400;
	[smem:$0x7F0] =	sst s16  }
0x38: {  	s23 =	simm.s32 $0x6100;
	s24 =	sadd.s32 $0x7800, s9;
	[smem:$0x7F6] =	sst s21  }
0x39: {  	s14 =	sadd.s32 $0x80, s4;
	s26 =	sadd.s32 $0x7880, s9;
	[smem:$0x7E8] =	sst s24  }
.Ltmp0:
0x3a: {  	s11 =	sadd.s32 $0x7900, s9;
	[smem:$0x7EA] =	sst s26;
	(pc) =	sbr.rel .LBB2_1-.Ltmp0, $4  }
0x3b: {  	v4 =	vlaneseq.u32;
	s10 =	simm.s32 $0xE100;
	s9 =	sadd.s32 $0x7980, s9;
	[smem:$0x7EC] =	sst s11  }
0x3c: {  	vm0 =	vmmov $0xff;
	vm1 =	vmmov $0x7f;
	v3 =	vimm.s32 $0x0;
	[smem:$0x7EE] =	sst s9;
	s24 =	smax.u32 s7, $0x1;
	s26 =	sadd.s32 $0xF4100, s4  }
0x3d: {  	vm2 =	vmmov $0x3;
	v1 =	vshrl.u32 v4, $0x3;
	v0 =	vand.u32 $0x7, v4;
	s9 =	simm.s32 $0x3;
	s11 =	simm.s32 $0x4;
	[smem:$0x7F9] =	sst s24  }
0x3e: {  	v2 =	vor.u32 $0x8, v4;
	v4 =	vmul.u32 $0x8, v4;
	v1 =	vmul.u32 $0x8, v1;
	s7 =	simm.s32 $0x6;
	[smem:$0x7FC] =	sst s26;
	s26 =	simm.s32 $0xA100  }
.LBB2_5:
0x3f: {  	s12 =	sld [smem:$0x7F9];
	_ =	sdelay $0x1  }
0x40: {  	s18 =	sadd.s32 $0x1, s18  }
0x41: {  	p1 =	sne.s32 s18, s12  }
.Ltmp1:
0x42: {  	_ = 	snop;
	(pc) =	sbr.rel @!p1 .LBB2_6-.Ltmp1, $1  }
0x43: {  	_ =	sdelay $0x3  }
.LBB2_1:
0x44: {  	s12 =	sld [smem:$0x7E0];
	_ =	sdelay $0x1  }
0x45: {  	[smem:$0x7DF] =	sst s18;
	s20 =	simm.s32 $0x9  }
0x46: {  	[tilespmem:s5], [sflag:$0x9] =	stream.linear.gather [hbm4b:s12+s5], $0x80, $0x38;
	[tilespmem:$0x12500] =	vst v63  }
0x47: {  	_ =	swait.ge [sflag:s20], $0x80  }
0x48: {  	s18 =	sld [smem:$0x7E1]  }
0x49: {  	[sflag:s20] =	ssyncset.done $0x0  }
0x4a: {  	s21 =	simm.s32 $0x80;
	[sflag:s20] =	ssyncadd.s32 $0xFFFFFF80  }
0x4b: {  	[tilespmem:s21], [sflag:$0x9] =	stream.linear.gather [hbm4b:s18+s5], $0x80, $0x38;
	[tilespmem:$0x12500] =	vst v63  }
0x4c: {  	_ =	swait.ge [sflag:s20], $0x80  }
0x4d: {  	s21 =	sld [smem:$0x7E2]  }
0x4e: {  	[sflag:s20] =	ssyncset.done $0x0;
	s24 =	sld [smem:$0x7E3]  }
0x4f: {  	s25 =	sld [smem:$0x7E4];
	[sflag:s20] =	ssyncadd.s32 $0xFFFFFF80  }
0x50: {  	[tilespmem:s19], [sflag:$0x1] =	stream.strided.gather [hbm4b:s21+s2], $0x4000, s0, s2, $0x38;
	[tilespmem:$0x12500] =	vst v63  }
0x51: {  	s15 =	simm.s32 $0x4900;
	s16 =	simm.s32 $0x3100;
	s12 =	sld [smem:$0x7FA]  }
0x52: {  	[tilespmem:s29], [sflag:$0x1] =	stream.linear.gather [hbm4b:s24+s5], $0x800, $0x38;
	[tilespmem:$0x12500] =	vst v63  }
0x53: {  	s30 =	simm.s32 $0x4100;
	s18 =	simm.s32 $0x3900;
	s29 =	sld [smem:$0x7E5]  }
0x54: {  	[tilespmem:s23], [sflag:$0x2] =	stream.strided.gather [hbm4b:s25+s2], $0x4000, s0, s2, $0x38;
	[tilespmem:$0x12500] =	vst v63  }
0x55: {  	s20 =	simm.s32 $0x3;
	s4 =	rddreg [dreg:$0x3];
	s25 =	simm.s32 $0x0  }
0x56: {  	[tilespmem:s22], [sflag:$0x2] =	stream.linear.gather [hbm4b:s29+s5], $0x800, $0x38;
	[tilespmem:$0x12500] =	vst v63  }
.LBB2_2:
0x57: {  	_ =	swait.ge [sflag:s31], $0x4000  }
0x58: {  	[sflag:s31] =	ssyncset.done $0x0  }
0x59: {  	[sflag:s31] =	ssyncadd.s32 $0xFFFFC000  }
0x5a: {  	_ =	swait.ge [sflag:s31], $0x800  }
0x5b: {  	[sflag:s31] =	ssyncset.done $0x0  }
0x5c: {  	[sflag:s31] =	ssyncadd.s32 $0xFFFFF800  }
0x5d: {  	v5 =	vld [tilespmem:$0x100]  }
0x5e: {  	v6 =	vld [tilespmem:$0x110]  }
0x5f: {  	v7 =	vld [tilespmem:$0x120]  }
0x60: {  	v8 =	vld [tilespmem:$0x130]  }
0x61: {  	v9 =	vld [tilespmem:$0x140]  }
0x62: {  	v10 =	vld [tilespmem:$0x150]  }
0x63: {  	[tilespmem:$0x12100] =	vst v5;
	v5 =	vld [tilespmem:$0x0]  }
0x64: {  	[tilespmem:$0x12110] =	vst v6;
	v6 =	vld [tilespmem:$0x160]  }
0x65: {  	v28 =	vld [tilespmem:$0x500];
	[tilespmem:$0x12120] =	vst v7  }
0x66: {  	v29 =	vld [tilespmem:$0x510];
	[tilespmem:$0x12130] =	vst v8  }
0x67: {  	v30 =	vld [tilespmem:$0x520];
	[tilespmem:$0x12140] =	vst v9  }
0x68: {  	v7 =	vld [tilespmem:$0x170];
	[tilespmem:$0x12150] =	vst v10;
	v11 =	vshrl.u32 v5, $0x3  }
0x69: {  	[tilespmem:$0x12160] =	vst v6;
	v6 =	vld [tilespmem:$0x530];
	v11 =	vmul.u32 $0xF428, v11  }
0x6a: {  	v31 =	vld [tilespmem:$0x550];
	[tilespmem:$0x12180] =	vst v28;
	v5 =	vand.u32 $0x7, v5  }
0x6b: {  	v32 =	vld [tilespmem:$0x560];
	[tilespmem:$0x12190] =	vst v29;
	v5 =	vor.u32 v5, v11  }
0x6c: {  	v33 =	vld [tilespmem:$0x570];
	[tilespmem:$0x121A0] =	vst v30;
	v11 =	vperm.xlane v5, v0  }
0x6d: {  	[tilespmem:$0x12170] =	vst v7;
	v7 =	vld [tilespmem:$0x540]  }
0x6e: {  	v5 =	vperm.xlane v5, v2;
	[tilespmem:$0x121B0] =	vst v6;
	v6 =	vadd.s32 v1, v11  }
0x6f: {  	[tilespmem:$0x121D0] =	vst v31  }
0x70: {  	[tilespmem:$0x121E0] =	vst v32;
	v5 =	vadd.s32 v1, v5  }
0x71: {  	s22 =	rddreg [dreg:$0x5];
	[tilespmem:$0x121F0] =	vst v33  }
0x72: {  	s24 =	sadd.s32 s25, s22;
	[tilespmem:$0x121C0] =	vst v7  }
0x73: {  	[hbm4b:s24+s5] =	stream.indirect_vreg.scatter [tilespmem:s19], [sflag:$0x5], $0x80, v6, vm0, $0xb8;
	[tilespmem:$0x12500] =	vst v63  }
0x74: {  	_ = 	snop  }
0x75: {  	[hbm4b:s24+s5] =	stream.indirect_vreg.scatter [tilespmem:s28], [sflag:$0x5], $0x80, v5, vm0, $0xb8;
	[tilespmem:$0x12500] =	vst v63  }
0x76: {  	v5 =	vld [tilespmem:$0x10];
	_ =	sdelay $0x4  }
0x77: {  	v6 =	vshrl.u32 v5, $0x3  }
0x78: {  	v6 =	vmul.u32 $0xF428, v6  }
0x79: {  	v5 =	vand.u32 $0x7, v5  }
0x7a: {  	v5 =	vor.u32 v5, v6  }
0x7b: {  	v6 =	vperm.xlane v5, v0;
	_ =	sdelay $0x1  }
0x7c: {  	v5 =	vperm.xlane v5, v2;
	v6 =	vadd.s32 v1, v6;
	_ =	sdelay $0x1  }
0x7d: {  	v5 =	vadd.s32 v1, v5;
	_ =	sdelay $0x2  }
0x7e: {  	[hbm4b:s24+s5] =	stream.indirect_vreg.scatter [tilespmem:s16], [sflag:$0x5], $0x80, v6, vm0, $0xb8;
	[tilespmem:$0x12500] =	vst v63  }
0x7f: {  	_ = 	snop  }
0x80: {  	[hbm4b:s24+s5] =	stream.indirect_vreg.scatter [tilespmem:s18], [sflag:$0x5], $0x80, v5, vm0, $0xb8;
	[tilespmem:$0x12500] =	vst v63  }
0x81: {  	v5 =	vld [tilespmem:$0x20];
	_ =	sdelay $0x4  }
0x82: {  	v6 =	vshrl.u32 v5, $0x3  }
0x83: {  	v6 =	vmul.u32 $0xF428, v6  }
0x84: {  	v5 =	vand.u32 $0x7, v5  }
0x85: {  	v5 =	vor.u32 v5, v6  }
0x86: {  	v6 =	vperm.xlane v5, v0;
	_ =	sdelay $0x1  }
0x87: {  	v5 =	vperm.xlane v5, v2;
	v6 =	vadd.s32 v1, v6;
	_ =	sdelay $0x1  }
0x88: {  	v5 =	vadd.s32 v1, v5;
	_ =	sdelay $0x2  }
0x89: {  	[hbm4b:s24+s5] =	stream.indirect_vreg.scatter [tilespmem:s30], [sflag:$0x5], $0x80, v6, vm0, $0xb8;
	[tilespmem:$0x12500] =	vst v63  }
0x8a: {  	_ = 	snop  }
0x8b: {  	[hbm4b:s24+s5] =	stream.indirect_vreg.scatter [tilespmem:s15], [sflag:$0x5], $0x80, v5, vm0, $0xb8;
	[tilespmem:$0x12500] =	vst v63  }
0x8c: {  	v5 =	vld.msk [tilespmem:$0x30], $0x7fff;
	_ =	sdelay $0x4  }
0x8d: {  	v6 =	vshrl.u32 v5, $0x3  }
0x8e: {  	v6 =	vmul.u32 $0xF428, v6  }
0x8f: {  	v5 =	vand.u32 $0x7, v5  }
0x90: {  	v5 =	vor.u32 v5, v6  }
0x91: {  	v6 =	vperm.xlane v5, v0;
	_ =	sdelay $0x1  }
0x92: {  	v5 =	vperm.xlane v5, v2;
	v6 =	vadd.s32 v1, v6;
	_ =	sdelay $0x1  }
0x93: {  	v5 =	vadd.s32 v1, v5;
	_ =	sdelay $0x1  }
0x94: {  	s21 =	simm.s32 $0x5100  }
0x95: {  	[hbm4b:s24+s5] =	stream.indirect_vreg.scatter [tilespmem:s21], [sflag:$0x5], $0x80, v6, vm0, $0xb8;
	[tilespmem:$0x12500] =	vst v63  }
0x96: {  	s22 =	simm.s32 $0x5900  }
0x97: {  	[hbm4b:s24+s5] =	stream.indirect_vreg.scatter [tilespmem:s22], [sflag:$0x5], $0x80, v5, vm1, $0xb8;
	[tilespmem:$0x12500] =	vst v63  }
0x98: {  	v5 =	vld [tilespmem:$0x0];
	_ =	sdelay $0x4  }
0x99: {  	v6 =	vshrl.u32 v5, $0x3  }
0x9a: {  	v6 =	vmul.u32 $0xF428, v6  }
0x9b: {  	v5 =	vand.u32 $0x7, v5  }
0x9c: {  	v5 =	vor.u32 v5, v6  }
0x9d: {  	v6 =	vperm.xlane v5, v0;
	_ =	sdelay $0x1  }
0x9e: {  	v5 =	vperm.xlane v5, v2;
	v6 =	vadd.s32 v1, v6;
	_ =	sdelay $0x1  }
0x9f: {  	v5 =	vadd.s32 v1, v5;
	_ =	sdelay $0x1  }
0xa0: {  	s21 =	simm.s32 $0x2500;
	s22 =	sadd.s32 $0x80, s24  }
0xa1: {  	[hbm4b:s22+s5] =	stream.indirect_vreg.scatter [tilespmem:s21], [sflag:$0x5], $0x80, v6, vm0, $0xb8;
	[tilespmem:$0x12500] =	vst v63  }
0xa2: {  	s21 =	simm.s32 $0x2D00  }
0xa3: {  	[hbm4b:s22+s5] =	stream.indirect_vreg.scatter [tilespmem:s21], [sflag:$0x5], $0x80, v5, vm0, $0xb8;
	[tilespmem:$0x12500] =	vst v63  }
0xa4: {  	v5 =	vld [tilespmem:$0x10];
	_ =	sdelay $0x4  }
0xa5: {  	v6 =	vshrl.u32 v5, $0x3  }
0xa6: {  	v6 =	vmul.u32 $0xF428, v6  }
0xa7: {  	v5 =	vand.u32 $0x7, v5  }
0xa8: {  	v5 =	vor.u32 v5, v6  }
0xa9: {  	v6 =	vperm.xlane v5, v0;
	_ =	sdelay $0x1  }
0xaa: {  	v5 =	vperm.xlane v5, v2;
	v6 =	vadd.s32 v1, v6;
	_ =	sdelay $0x1  }
0xab: {  	v5 =	vadd.s32 v1, v5;
	_ =	sdelay $0x1  }
0xac: {  	s21 =	simm.s32 $0x3500  }
0xad: {  	[hbm4b:s22+s5] =	stream.indirect_vreg.scatter [tilespmem:s21], [sflag:$0x5], $0x80, v6, vm0, $0xb8;
	[tilespmem:$0x12500] =	vst v63  }
0xae: {  	s21 =	simm.s32 $0x3D00  }
0xaf: {  	[hbm4b:s22+s5] =	stream.indirect_vreg.scatter [tilespmem:s21], [sflag:$0x5], $0x80, v5, vm0, $0xb8;
	[tilespmem:$0x12500] =	vst v63  }
0xb0: {  	v5 =	vld [tilespmem:$0x20];
	_ =	sdelay $0x4  }
0xb1: {  	v6 =	vshrl.u32 v5, $0x3  }
0xb2: {  	v6 =	vmul.u32 $0xF428, v6  }
0xb3: {  	v5 =	vand.u32 $0x7, v5  }
0xb4: {  	v5 =	vor.u32 v5, v6  }
0xb5: {  	v6 =	vperm.xlane v5, v0;
	_ =	sdelay $0x1  }
0xb6: {  	v5 =	vperm.xlane v5, v2;
	v6 =	vadd.s32 v1, v6;
	_ =	sdelay $0x1  }
0xb7: {  	v5 =	vadd.s32 v1, v5;
	_ =	sdelay $0x1  }
0xb8: {  	s21 =	simm.s32 $0x4500  }
0xb9: {  	[hbm4b:s22+s5] =	stream.indirect_vreg.scatter [tilespmem:s21], [sflag:$0x5], $0x80, v6, vm0, $0xb8;
	[tilespmem:$0x12500] =	vst v63  }
0xba: {  	s21 =	simm.s32 $0x4D00  }
0xbb: {  	[hbm4b:s22+s5] =	stream.indirect_vreg.scatter [tilespmem:s21], [sflag:$0x5], $0x80, v5, vm0, $0xb8;
	[tilespmem:$0x12500] =	vst v63  }
0xbc: {  	v5 =	vld.msk [tilespmem:$0x30], $0x7fff;
	_ =	sdelay $0x4  }
0xbd: {  	v6 =	vshrl.u32 v5, $0x3  }
0xbe: {  	v6 =	vmul.u32 $0xF428, v6  }
0xbf: {  	v5 =	vand.u32 $0x7, v5  }
0xc0: {  	v5 =	vor.u32 v5, v6  }
0xc1: {  	v6 =	vperm.xlane v5, v0;
	_ =	sdelay $0x1  }
0xc2: {  	v5 =	vperm.xlane v5, v2;
	v6 =	vadd.s32 v1, v6;
	_ =	sdelay $0x1  }
0xc3: {  	v5 =	vadd.s32 v1, v5;
	_ =	sdelay $0x1  }
0xc4: {  	s21 =	simm.s32 $0x5500  }
0xc5: {  	[hbm4b:s22+s5] =	stream.indirect_vreg.scatter [tilespmem:s21], [sflag:$0x5], $0x80, v6, vm0, $0xb8;
	[tilespmem:$0x12500] =	vst v63  }
0xc6: {  	s21 =	simm.s32 $0x5D00  }
0xc7: {  	[hbm4b:s22+s5] =	stream.indirect_vreg.scatter [tilespmem:s21], [sflag:$0x5], $0x80, v5, vm1, $0xb8;
	[tilespmem:$0x12500] =	vst v63  }
0xc8: {  	v5 =	vld.msk [tilespmem:$0x80], $0x1;
	_ =	sdelay $0x4  }
0xc9: {  	v6 =	vshrl.u32 v5, $0x3  }
0xca: {  	v6 =	vmul.u32 $0xF428, v6  }
0xcb: {  	v5 =	vand.u32 $0x7, v5  }
0xcc: {  	v5 =	vor.u32 v5, v6  }
0xcd: {  	v5 =	vperm.xlane v5, v3;
	_ =	sdelay $0x1  }
0xce: {  	v5 =	vadd.s32 v4, v5;
	_ =	sdelay $0x2  }
0xcf: {  	p1 =	seq.s32 s25, $0x0  }
0xd0: {  	s29 =	simm.s32 @!p1 $0x7;
	s22 =	simm.s32 $0x12100  }
0xd1: {  	[hbm4b:s24+s5] =	stream.indirect_vreg.scatter [tilespmem:s22], [sflag:$0x5], $0x80, v5, vm2, $0xb8;
	[tilespmem:$0x12500] =	vst v63  }
0xd2: {  	_ =	swait.ge @!p1 [sflag:s29], $0x1F80  }
0xd3: {  	[sflag:s29] =	ssyncset.done @!p1 $0x0  }
0xd4: {  	[sflag:s29] =	ssyncadd.s32 @!p1 $0xFFFFE080  }
0xd5: {  	s22 =	sadd.s32 @!p1 $0xFFFFFFFF, s20;
	_ =	swait.ge @!p1 [sflag:s29], $0x1F80  }
0xd6: {  	s22 =	simm.s32 @p1 $0x2;
	[sflag:s29] =	ssyncset.done @!p1 $0x0  }
0xd7: {  	s21 =	sshll.u32 s22, $0xB;
	[sflag:s29] =	ssyncadd.s32 @!p1 $0xFFFFE080  }
0xd8: {  	s21 =	sadd.s32 s13, s21;
	_ =	swait.ge @!p1 [sflag:s29], $0x100  }
0xd9: {  	s21 =	sshrl.u32 s21, $0x3;
	[sflag:s29] =	ssyncset.done @!p1 $0x0  }
0xda: {  	[sflag:s29] =	ssyncadd.s32 @!p1 $0xFFFFFF00;
	s29 =	sadd.s32 s3, s21  }
0xdb: {  	[tilespmem:s26], [sflag:$0x3] =	stream.strided.gather [hbm4b:s29+s2], $0x4000, s0, s2, $0x38;
	[tilespmem:$0x12500] =	vst v63  }
0xdc: {  	s28 =	rddreg [dreg:$0x8];
	s21 =	sadd.s32 s1, s21  }
0xdd: {  	[tilespmem:s28], [sflag:$0x3] =	stream.linear.gather [hbm4b:s21+s5], $0x800, $0x38;
	[tilespmem:$0x12500] =	vst v63  }
0xde: {  	_ =	swait.ge [sflag:s17], $0x4000  }
0xdf: {  	[sflag:s17] =	ssyncset.done $0x0  }
0xe0: {  	[sflag:s17] =	ssyncadd.s32 $0xFFFFC000  }
0xe1: {  	_ =	swait.ge [sflag:s17], $0x800  }
0xe2: {  	[sflag:s17] =	ssyncset.done $0x0  }
0xe3: {  	[sflag:s17] =	ssyncadd.s32 $0xFFFFF800  }
0xe4: {  	v5 =	vld [tilespmem:$0x900]  }
0xe5: {  	v6 =	vld [tilespmem:$0x910]  }
0xe6: {  	v7 =	vld [tilespmem:$0x920]  }
0xe7: {  	v34 =	vld [tilespmem:$0x930]  }
0xe8: {  	v35 =	vld [tilespmem:$0x940]  }
0xe9: {  	v36 =	vld [tilespmem:$0x950]  }
0xea: {  	[tilespmem:$0x12200] =	vst v5;
	v5 =	vld [tilespmem:$0x0]  }
0xeb: {  	[tilespmem:$0x12210] =	vst v6;
	v6 =	vld [tilespmem:$0x960]  }
0xec: {  	v37 =	vld [tilespmem:$0xD00];
	[tilespmem:$0x12220] =	vst v7  }
0xed: {  	v38 =	vld [tilespmem:$0xD10];
	[tilespmem:$0x12230] =	vst v34  }
0xee: {  	v39 =	vld [tilespmem:$0xD20];
	[tilespmem:$0x12240] =	vst v35  }
0xef: {  	v7 =	vld [tilespmem:$0x970];
	[tilespmem:$0x12250] =	vst v36;
	v40 =	vshrl.u32 v5, $0x3  }
0xf0: {  	[tilespmem:$0x12260] =	vst v6;
	v6 =	vld [tilespmem:$0xD30];
	v11 =	vmul.u32 $0xF428, v40  }
0xf1: {  	v41 =	vld [tilespmem:$0xD50];
	[tilespmem:$0x12280] =	vst v37;
	v5 =	vand.u32 $0x7, v5  }
0xf2: {  	v42 =	vld [tilespmem:$0xD60];
	[tilespmem:$0x12290] =	vst v38;
	v5 =	vor.u32 v5, v11  }
0xf3: {  	v43 =	vld [tilespmem:$0xD70];
	[tilespmem:$0x122A0] =	vst v39;
	v11 =	vperm.xlane v5, v0  }
0xf4: {  	[tilespmem:$0x12270] =	vst v7;
	v7 =	vld [tilespmem:$0xD40]  }
0xf5: {  	v5 =	vperm.xlane v5, v2;
	[tilespmem:$0x122B0] =	vst v6;
	v6 =	vadd.s32 v1, v11  }
0xf6: {  	[tilespmem:$0x122D0] =	vst v41  }
0xf7: {  	[tilespmem:$0x122E0] =	vst v42;
	v5 =	vadd.s32 v1, v5  }
0xf8: {  	[tilespmem:$0x122F0] =	vst v43  }
0xf9: {  	s29 =	sadd.s32 $0x100, s24;
	[tilespmem:$0x122C0] =	vst v7  }
0xfa: {  	[hbm4b:s29+s5] =	stream.indirect_vreg.scatter [tilespmem:s23], [sflag:$0x6], $0x80, v6, vm0, $0xb8;
	[tilespmem:$0x12500] =	vst v63  }
0xfb: {  	s21 =	simm.s32 $0x6900  }
0xfc: {  	[hbm4b:s29+s5] =	stream.indirect_vreg.scatter [tilespmem:s21], [sflag:$0x6], $0x80, v5, vm0, $0xb8;
	[tilespmem:$0x12500] =	vst v63  }
0xfd: {  	v5 =	vld [tilespmem:$0x10];
	_ =	sdelay $0x4  }
0xfe: {  	v6 =	vshrl.u32 v5, $0x3  }
0xff: {  	v6 =	vmul.u32 $0xF428, v6  }
0x100: {  	v5 =	vand.u32 $0x7, v5  }
0x101: {  	v5 =	vor.u32 v5, v6  }
0x102: {  	v6 =	vperm.xlane v5, v0;
	_ =	sdelay $0x1  }
0x103: {  	v5 =	vperm.xlane v5, v2;
	v6 =	vadd.s32 v1, v6;
	_ =	sdelay $0x1  }
0x104: {  	v5 =	vadd.s32 v1, v5;
	_ =	sdelay $0x1  }
0x105: {  	s21 =	simm.s32 $0x7100  }
0x106: {  	[hbm4b:s29+s5] =	stream.indirect_vreg.scatter [tilespmem:s21], [sflag:$0x6], $0x80, v6, vm0, $0xb8;
	[tilespmem:$0x12500] =	vst v63  }
0x107: {  	s21 =	simm.s32 $0x7900  }
0x108: {  	[hbm4b:s29+s5] =	stream.indirect_vreg.scatter [tilespmem:s21], [sflag:$0x6], $0x80, v5, vm0, $0xb8;
	[tilespmem:$0x12500] =	vst v63  }
0x109: {  	v5 =	vld [tilespmem:$0x20];
	_ =	sdelay $0x4  }
0x10a: {  	v6 =	vshrl.u32 v5, $0x3  }
0x10b: {  	v6 =	vmul.u32 $0xF428, v6  }
0x10c: {  	v5 =	vand.u32 $0x7, v5  }
0x10d: {  	v5 =	vor.u32 v5, v6  }
0x10e: {  	v6 =	vperm.xlane v5, v0;
	_ =	sdelay $0x1  }
0x10f: {  	v5 =	vperm.xlane v5, v2;
	v6 =	vadd.s32 v1, v6;
	_ =	sdelay $0x1  }
0x110: {  	v5 =	vadd.s32 v1, v5;
	_ =	sdelay $0x1  }
0x111: {  	s21 =	simm.s32 $0x8100  }
0x112: {  	[hbm4b:s29+s5] =	stream.indirect_vreg.scatter [tilespmem:s21], [sflag:$0x6], $0x80, v6, vm0, $0xb8;
	[tilespmem:$0x12500] =	vst v63  }
0x113: {  	s21 =	simm.s32 $0x8900  }
0x114: {  	[hbm4b:s29+s5] =	stream.indirect_vreg.scatter [tilespmem:s21], [sflag:$0x6], $0x80, v5, vm0, $0xb8;
	[tilespmem:$0x12500] =	vst v63  }
0x115: {  	v5 =	vld.msk [tilespmem:$0x30], $0x7fff;
	_ =	sdelay $0x4  }
0x116: {  	v6 =	vshrl.u32 v5, $0x3  }
0x117: {  	v6 =	vmul.u32 $0xF428, v6  }
0x118: {  	v5 =	vand.u32 $0x7, v5  }
0x119: {  	v5 =	vor.u32 v5, v6  }
0x11a: {  	v6 =	vperm.xlane v5, v0;
	_ =	sdelay $0x1  }
0x11b: {  	v5 =	vperm.xlane v5, v2;
	v6 =	vadd.s32 v1, v6;
	_ =	sdelay $0x1  }
0x11c: {  	v5 =	vadd.s32 v1, v5;
	_ =	sdelay $0x1  }
0x11d: {  	s21 =	simm.s32 $0x9100  }
0x11e: {  	[hbm4b:s29+s5] =	stream.indirect_vreg.scatter [tilespmem:s21], [sflag:$0x6], $0x80, v6, vm0, $0xb8;
	[tilespmem:$0x12500] =	vst v63  }
0x11f: {  	s21 =	simm.s32 $0x9900  }
0x120: {  	[hbm4b:s29+s5] =	stream.indirect_vreg.scatter [tilespmem:s21], [sflag:$0x6], $0x80, v5, vm1, $0xb8;
	[tilespmem:$0x12500] =	vst v63  }
0x121: {  	v5 =	vld [tilespmem:$0x0];
	_ =	sdelay $0x4  }
0x122: {  	v6 =	vshrl.u32 v5, $0x3  }
0x123: {  	v6 =	vmul.u32 $0xF428, v6  }
0x124: {  	v5 =	vand.u32 $0x7, v5  }
0x125: {  	v5 =	vor.u32 v5, v6  }
0x126: {  	v6 =	vperm.xlane v5, v0;
	_ =	sdelay $0x1  }
0x127: {  	v5 =	vperm.xlane v5, v2;
	v6 =	vadd.s32 v1, v6;
	_ =	sdelay $0x1  }
0x128: {  	v5 =	vadd.s32 v1, v5;
	_ =	sdelay $0x1  }
0x129: {  	s21 =	sadd.s32 $0x180, s24;
	s24 =	simm.s32 $0x6500  }
0x12a: {  	[hbm4b:s21+s5] =	stream.indirect_vreg.scatter [tilespmem:s24], [sflag:$0x6], $0x80, v6, vm0, $0xb8;
	[tilespmem:$0x12500] =	vst v63  }
0x12b: {  	s24 =	simm.s32 $0x6D00  }
0x12c: {  	[hbm4b:s21+s5] =	stream.indirect_vreg.scatter [tilespmem:s24], [sflag:$0x6], $0x80, v5, vm0, $0xb8;
	[tilespmem:$0x12500] =	vst v63  }
0x12d: {  	v5 =	vld [tilespmem:$0x10];
	_ =	sdelay $0x4  }
0x12e: {  	v6 =	vshrl.u32 v5, $0x3  }
0x12f: {  	v6 =	vmul.u32 $0xF428, v6  }
0x130: {  	v5 =	vand.u32 $0x7, v5  }
0x131: {  	v5 =	vor.u32 v5, v6  }
0x132: {  	v6 =	vperm.xlane v5, v0;
	_ =	sdelay $0x1  }
0x133: {  	v5 =	vperm.xlane v5, v2;
	v6 =	vadd.s32 v1, v6;
	_ =	sdelay $0x1  }
0x134: {  	v5 =	vadd.s32 v1, v5;
	_ =	sdelay $0x1  }
0x135: {  	s24 =	simm.s32 $0x7500  }
0x136: {  	[hbm4b:s21+s5] =	stream.indirect_vreg.scatter [tilespmem:s24], [sflag:$0x6], $0x80, v6, vm0, $0xb8;
	[tilespmem:$0x12500] =	vst v63  }
0x137: {  	s24 =	simm.s32 $0x7D00  }
0x138: {  	[hbm4b:s21+s5] =	stream.indirect_vreg.scatter [tilespmem:s24], [sflag:$0x6], $0x80, v5, vm0, $0xb8;
	[tilespmem:$0x12500] =	vst v63  }
0x139: {  	v5 =	vld [tilespmem:$0x20];
	_ =	sdelay $0x4  }
0x13a: {  	v6 =	vshrl.u32 v5, $0x3  }
0x13b: {  	v6 =	vmul.u32 $0xF428, v6  }
0x13c: {  	v5 =	vand.u32 $0x7, v5  }
0x13d: {  	v5 =	vor.u32 v5, v6  }
0x13e: {  	v6 =	vperm.xlane v5, v0;
	_ =	sdelay $0x1  }
0x13f: {  	v5 =	vperm.xlane v5, v2;
	v6 =	vadd.s32 v1, v6;
	_ =	sdelay $0x1  }
0x140: {  	v5 =	vadd.s32 v1, v5;
	_ =	sdelay $0x1  }
0x141: {  	s24 =	simm.s32 $0x8500  }
0x142: {  	[hbm4b:s21+s5] =	stream.indirect_vreg.scatter [tilespmem:s24], [sflag:$0x6], $0x80, v6, vm0, $0xb8;
	[tilespmem:$0x12500] =	vst v63  }
0x143: {  	s24 =	simm.s32 $0x8D00  }
0x144: {  	[hbm4b:s21+s5] =	stream.indirect_vreg.scatter [tilespmem:s24], [sflag:$0x6], $0x80, v5, vm0, $0xb8;
	[tilespmem:$0x12500] =	vst v63  }
0x145: {  	v5 =	vld.msk [tilespmem:$0x30], $0x7fff;
	_ =	sdelay $0x4  }
0x146: {  	v6 =	vshrl.u32 v5, $0x3  }
0x147: {  	v6 =	vmul.u32 $0xF428, v6  }
0x148: {  	v5 =	vand.u32 $0x7, v5  }
0x149: {  	v5 =	vor.u32 v5, v6  }
0x14a: {  	v6 =	vperm.xlane v5, v0;
	_ =	sdelay $0x1  }
0x14b: {  	v5 =	vperm.xlane v5, v2;
	v6 =	vadd.s32 v1, v6;
	_ =	sdelay $0x1  }
0x14c: {  	v5 =	vadd.s32 v1, v5;
	_ =	sdelay $0x1  }
0x14d: {  	s24 =	simm.s32 $0x9500  }
0x14e: {  	[hbm4b:s21+s5] =	stream.indirect_vreg.scatter [tilespmem:s24], [sflag:$0x6], $0x80, v6, vm0, $0xb8;
	[tilespmem:$0x12500] =	vst v63  }
0x14f: {  	s24 =	simm.s32 $0x9D00  }
0x150: {  	[hbm4b:s21+s5] =	stream.indirect_vreg.scatter [tilespmem:s24], [sflag:$0x6], $0x80, v5, vm1, $0xb8;
	[tilespmem:$0x12500] =	vst v63  }
0x151: {  	v5 =	vld.msk [tilespmem:$0x80], $0x1;
	_ =	sdelay $0x4  }
0x152: {  	v6 =	vshrl.u32 v5, $0x3  }
0x153: {  	v6 =	vmul.u32 $0xF428, v6  }
0x154: {  	v5 =	vand.u32 $0x7, v5  }
0x155: {  	v5 =	vor.u32 v5, v6  }
0x156: {  	v5 =	vperm.xlane v5, v3;
	_ =	sdelay $0x1  }
0x157: {  	v5 =	vadd.s32 v4, v5;
	_ =	sdelay $0x3  }
0x158: {  	s24 =	simm.s32 $0x12200;
	s21 =	simm.s32 @!p1 $0x8  }
0x159: {  	[hbm4b:s29+s5] =	stream.indirect_vreg.scatter [tilespmem:s24], [sflag:$0x6], $0x80, v5, vm2, $0xb8;
	[tilespmem:$0x12500] =	vst v63  }
0x15a: {  	_ =	swait.ge @!p1 [sflag:s21], $0x1F80  }
0x15b: {  	[sflag:s21] =	ssyncset.done @!p1 $0x0  }
0x15c: {  	[sflag:s21] =	ssyncadd.s32 @!p1 $0xFFFFE080  }
0x15d: {  	s24 =	smov.u32 s20;
	_ =	swait.ge @!p1 [sflag:s21], $0x1F80  }
0x15e: {  	s24 =	simm.s32 @p1 $0x3;
	[sflag:s21] =	ssyncset.done @!p1 $0x0  }
0x15f: {  	s28 =	sshll.u32 s24, $0xB;
	[sflag:s21] =	ssyncadd.s32 @!p1 $0xFFFFE080  }
0x160: {  	s28 =	sadd.s32 s13, s28;
	_ =	swait.ge @!p1 [sflag:s21], $0x100  }
0x161: {  	s28 =	sshrl.u32 s28, $0x3;
	[sflag:s21] =	ssyncset.done @!p1 $0x0  }
0x162: {  	[sflag:s21] =	ssyncadd.s32 @!p1 $0xFFFFFF00;
	s21 =	sadd.s32 s3, s28  }
0x163: {  	[tilespmem:s10], [sflag:$0x4] =	stream.strided.gather [hbm4b:s21+s2], $0x4000, s0, s2, $0x38;
	[tilespmem:$0x12500] =	vst v63  }
0x164: {  	s29 =	rddreg [dreg:$0x9];
	s21 =	sadd.s32 s1, s28  }
0x165: {  	[tilespmem:s29], [sflag:$0x4] =	stream.linear.gather [hbm4b:s21+s5], $0x800, $0x38;
	[tilespmem:$0x12500] =	vst v63  }
0x166: {  	_ =	swait.ge [sflag:s9], $0x4000  }
0x167: {  	[sflag:s9] =	ssyncset.done $0x0  }
0x168: {  	[sflag:s9] =	ssyncadd.s32 $0xFFFFC000  }
0x169: {  	_ =	swait.ge [sflag:s9], $0x800  }
0x16a: {  	[sflag:s9] =	ssyncset.done $0x0  }
0x16b: {  	[sflag:s9] =	ssyncadd.s32 $0xFFFFF800  }
0x16c: {  	v5 =	vld [tilespmem:$0x1100]  }
0x16d: {  	v6 =	vld [tilespmem:$0x1110]  }
0x16e: {  	v7 =	vld [tilespmem:$0x1120]  }
0x16f: {  	v44 =	vld [tilespmem:$0x1130]  }
0x170: {  	v45 =	vld [tilespmem:$0x1140]  }
0x171: {  	v46 =	vld [tilespmem:$0x1150]  }
0x172: {  	[tilespmem:$0x12300] =	vst v5;
	v5 =	vld [tilespmem:$0x0]  }
0x173: {  	[tilespmem:$0x12310] =	vst v6;
	v6 =	vld [tilespmem:$0x1160]  }
0x174: {  	v47 =	vld [tilespmem:$0x1500];
	[tilespmem:$0x12320] =	vst v7  }
0x175: {  	v48 =	vld [tilespmem:$0x1510];
	[tilespmem:$0x12330] =	vst v44  }
0x176: {  	v49 =	vld [tilespmem:$0x1520];
	[tilespmem:$0x12340] =	vst v45  }
0x177: {  	v7 =	vld [tilespmem:$0x1170];
	[tilespmem:$0x12350] =	vst v46;
	v50 =	vshrl.u32 v5, $0x3  }
0x178: {  	[tilespmem:$0x12360] =	vst v6;
	v6 =	vld [tilespmem:$0x1530];
	v11 =	vmul.u32 $0xF428, v50  }
0x179: {  	v51 =	vld [tilespmem:$0x1550];
	[tilespmem:$0x12380] =	vst v47;
	v5 =	vand.u32 $0x7, v5  }
0x17a: {  	v52 =	vld [tilespmem:$0x1560];
	[tilespmem:$0x12390] =	vst v48;
	v5 =	vor.u32 v5, v11  }
0x17b: {  	v53 =	vld [tilespmem:$0x1570];
	[tilespmem:$0x123A0] =	vst v49;
	v11 =	vperm.xlane v5, v0  }
0x17c: {  	[tilespmem:$0x12370] =	vst v7;
	v7 =	vld [tilespmem:$0x1540]  }
0x17d: {  	v5 =	vperm.xlane v5, v2;
	[tilespmem:$0x123B0] =	vst v6;
	v6 =	vadd.s32 v1, v11  }
0x17e: {  	[tilespmem:$0x123D0] =	vst v51  }
0x17f: {  	s22 =	sshll.u32 s22, $0x8;
	[tilespmem:$0x123E0] =	vst v52;
	v5 =	vadd.s32 v1, v5  }
0x180: {  	s21 =	sadd.s32 s8, s22;
	[tilespmem:$0x123F0] =	vst v53  }
0x181: {  	s22 =	sadd.s32 s4, s21;
	[tilespmem:$0x123C0] =	vst v7  }
0x182: {  	[hbm4b:s22+s5] =	stream.indirect_vreg.scatter [tilespmem:s26], [sflag:$0x7], $0x80, v6, vm0, $0xb8;
	[tilespmem:$0x12500] =	vst v63  }
0x183: {  	s28 =	rddreg [dreg:$0xa]  }
0x184: {  	[hbm4b:s22+s5] =	stream.indirect_vreg.scatter [tilespmem:s28], [sflag:$0x7], $0x80, v5, vm0, $0xb8;
	[tilespmem:$0x12500] =	vst v63  }
0x185: {  	v5 =	vld [tilespmem:$0x10];
	_ =	sdelay $0x4  }
0x186: {  	v6 =	vshrl.u32 v5, $0x3  }
0x187: {  	v6 =	vmul.u32 $0xF428, v6  }
0x188: {  	v5 =	vand.u32 $0x7, v5  }
0x189: {  	v5 =	vor.u32 v5, v6  }
0x18a: {  	v6 =	vperm.xlane v5, v0;
	_ =	sdelay $0x1  }
0x18b: {  	v5 =	vperm.xlane v5, v2;
	v6 =	vadd.s32 v1, v6;
	_ =	sdelay $0x1  }
0x18c: {  	v5 =	vadd.s32 v1, v5;
	_ =	sdelay $0x1  }
0x18d: {  	s28 =	rddreg [dreg:$0xb]  }
0x18e: {  	[hbm4b:s22+s5] =	stream.indirect_vreg.scatter [tilespmem:s28], [sflag:$0x7], $0x80, v6, vm0, $0xb8;
	[tilespmem:$0x12500] =	vst v63  }
0x18f: {  	s29 =	rddreg [dreg:$0xc]  }
0x190: {  	[hbm4b:s22+s5] =	stream.indirect_vreg.scatter [tilespmem:s29], [sflag:$0x7], $0x80, v5, vm0, $0xb8;
	[tilespmem:$0x12500] =	vst v63  }
0x191: {  	v5 =	vld [tilespmem:$0x20];
	_ =	sdelay $0x4  }
0x192: {  	v6 =	vshrl.u32 v5, $0x3  }
0x193: {  	v6 =	vmul.u32 $0xF428, v6  }
0x194: {  	v5 =	vand.u32 $0x7, v5  }
0x195: {  	v5 =	vor.u32 v5, v6  }
0x196: {  	v6 =	vperm.xlane v5, v0;
	_ =	sdelay $0x1  }
0x197: {  	v5 =	vperm.xlane v5, v2;
	v6 =	vadd.s32 v1, v6;
	_ =	sdelay $0x1  }
0x198: {  	v5 =	vadd.s32 v1, v5;
	_ =	sdelay $0x1  }
0x199: {  	s28 =	rddreg [dreg:$0xd]  }
0x19a: {  	[hbm4b:s22+s5] =	stream.indirect_vreg.scatter [tilespmem:s28], [sflag:$0x7], $0x80, v6, vm0, $0xb8;
	[tilespmem:$0x12500] =	vst v63  }
0x19b: {  	s29 =	rddreg [dreg:$0xe]  }
0x19c: {  	[hbm4b:s22+s5] =	stream.indirect_vreg.scatter [tilespmem:s29], [sflag:$0x7], $0x80, v5, vm0, $0xb8;
	[tilespmem:$0x12500] =	vst v63  }
0x19d: {  	v5 =	vld.msk [tilespmem:$0x30], $0x7fff;
	_ =	sdelay $0x4  }
0x19e: {  	v6 =	vshrl.u32 v5, $0x3  }
0x19f: {  	v6 =	vmul.u32 $0xF428, v6  }
0x1a0: {  	v5 =	vand.u32 $0x7, v5  }
0x1a1: {  	v5 =	vor.u32 v5, v6  }
0x1a2: {  	v6 =	vperm.xlane v5, v0;
	_ =	sdelay $0x1  }
0x1a3: {  	v5 =	vperm.xlane v5, v2;
	v6 =	vadd.s32 v1, v6;
	_ =	sdelay $0x1  }
0x1a4: {  	v5 =	vadd.s32 v1, v5;
	_ =	sdelay $0x1  }
0x1a5: {  	s28 =	rddreg [dreg:$0xf]  }
0x1a6: {  	[hbm4b:s22+s5] =	stream.indirect_vreg.scatter [tilespmem:s28], [sflag:$0x7], $0x80, v6, vm0, $0xb8;
	[tilespmem:$0x12500] =	vst v63  }
0x1a7: {  	s29 =	rddreg [dreg:$0x10]  }
0x1a8: {  	[hbm4b:s22+s5] =	stream.indirect_vreg.scatter [tilespmem:s29], [sflag:$0x7], $0x80, v5, vm1, $0xb8;
	[tilespmem:$0x12500] =	vst v63  }
0x1a9: {  	v5 =	vld [tilespmem:$0x0];
	_ =	sdelay $0x4  }
0x1aa: {  	v6 =	vshrl.u32 v5, $0x3  }
0x1ab: {  	v6 =	vmul.u32 $0xF428, v6  }
0x1ac: {  	v5 =	vand.u32 $0x7, v5  }
0x1ad: {  	v5 =	vor.u32 v5, v6  }
0x1ae: {  	v6 =	vperm.xlane v5, v0;
	_ =	sdelay $0x1  }
0x1af: {  	v5 =	vperm.xlane v5, v2;
	v6 =	vadd.s32 v1, v6;
	_ =	sdelay $0x1  }
0x1b0: {  	v5 =	vadd.s32 v1, v5;
	_ =	sdelay $0x1  }
0x1b1: {  	s21 =	sadd.s32 s21, s14;
	s28 =	rddreg [dreg:$0x11]  }
0x1b2: {  	[hbm4b:s21+s5] =	stream.indirect_vreg.scatter [tilespmem:s28], [sflag:$0x7], $0x80, v6, vm0, $0xb8;
	[tilespmem:$0x12500] =	vst v63  }
0x1b3: {  	s29 =	rddreg [dreg:$0x12]  }
0x1b4: {  	[hbm4b:s21+s5] =	stream.indirect_vreg.scatter [tilespmem:s29], [sflag:$0x7], $0x80, v5, vm0, $0xb8;
	[tilespmem:$0x12500] =	vst v63  }
0x1b5: {  	v5 =	vld [tilespmem:$0x10];
	_ =	sdelay $0x4  }
0x1b6: {  	v6 =	vshrl.u32 v5, $0x3  }
0x1b7: {  	v6 =	vmul.u32 $0xF428, v6  }
0x1b8: {  	v5 =	vand.u32 $0x7, v5  }
0x1b9: {  	v5 =	vor.u32 v5, v6  }
0x1ba: {  	v6 =	vperm.xlane v5, v0;
	_ =	sdelay $0x1  }
0x1bb: {  	v5 =	vperm.xlane v5, v2;
	v6 =	vadd.s32 v1, v6;
	_ =	sdelay $0x1  }
0x1bc: {  	v5 =	vadd.s32 v1, v5;
	_ =	sdelay $0x1  }
0x1bd: {  	s28 =	rddreg [dreg:$0x13]  }
0x1be: {  	[hbm4b:s21+s5] =	stream.indirect_vreg.scatter [tilespmem:s28], [sflag:$0x7], $0x80, v6, vm0, $0xb8;
	[tilespmem:$0x12500] =	vst v63  }
0x1bf: {  	s29 =	rddreg [dreg:$0x14]  }
0x1c0: {  	[hbm4b:s21+s5] =	stream.indirect_vreg.scatter [tilespmem:s29], [sflag:$0x7], $0x80, v5, vm0, $0xb8;
	[tilespmem:$0x12500] =	vst v63  }
0x1c1: {  	v5 =	vld [tilespmem:$0x20];
	_ =	sdelay $0x4  }
0x1c2: {  	v6 =	vshrl.u32 v5, $0x3  }
0x1c3: {  	v6 =	vmul.u32 $0xF428, v6  }
0x1c4: {  	v5 =	vand.u32 $0x7, v5  }
0x1c5: {  	v5 =	vor.u32 v5, v6  }
0x1c6: {  	v6 =	vperm.xlane v5, v0;
	_ =	sdelay $0x1  }
0x1c7: {  	v5 =	vperm.xlane v5, v2;
	v6 =	vadd.s32 v1, v6;
	_ =	sdelay $0x1  }
0x1c8: {  	v5 =	vadd.s32 v1, v5;
	_ =	sdelay $0x1  }
0x1c9: {  	s28 =	rddreg [dreg:$0x15]  }
0x1ca: {  	[hbm4b:s21+s5] =	stream.indirect_vreg.scatter [tilespmem:s28], [sflag:$0x7], $0x80, v6, vm0, $0xb8;
	[tilespmem:$0x12500] =	vst v63  }
0x1cb: {  	s29 =	rddreg [dreg:$0x16]  }
0x1cc: {  	[hbm4b:s21+s5] =	stream.indirect_vreg.scatter [tilespmem:s29], [sflag:$0x7], $0x80, v5, vm0, $0xb8;
	[tilespmem:$0x12500] =	vst v63  }
0x1cd: {  	v5 =	vld.msk [tilespmem:$0x30], $0x7fff;
	_ =	sdelay $0x4  }
0x1ce: {  	v6 =	vshrl.u32 v5, $0x3  }
0x1cf: {  	v6 =	vmul.u32 $0xF428, v6  }
0x1d0: {  	v5 =	vand.u32 $0x7, v5  }
0x1d1: {  	v5 =	vor.u32 v5, v6  }
0x1d2: {  	v6 =	vperm.xlane v5, v0;
	_ =	sdelay $0x1  }
0x1d3: {  	v5 =	vperm.xlane v5, v2;
	v6 =	vadd.s32 v1, v6;
	_ =	sdelay $0x1  }
0x1d4: {  	v5 =	vadd.s32 v1, v5;
	_ =	sdelay $0x1  }
0x1d5: {  	s28 =	rddreg [dreg:$0x17]  }
0x1d6: {  	[hbm4b:s21+s5] =	stream.indirect_vreg.scatter [tilespmem:s28], [sflag:$0x7], $0x80, v6, vm0, $0xb8;
	[tilespmem:$0x12500] =	vst v63  }
0x1d7: {  	s29 =	rddreg [dreg:$0x18]  }
0x1d8: {  	[hbm4b:s21+s5] =	stream.indirect_vreg.scatter [tilespmem:s29], [sflag:$0x7], $0x80, v5, vm1, $0xb8;
	[tilespmem:$0x12500] =	vst v63  }
0x1d9: {  	v5 =	vld.msk [tilespmem:$0x80], $0x1;
	_ =	sdelay $0x4  }
0x1da: {  	v6 =	vshrl.u32 v5, $0x3  }
0x1db: {  	v6 =	vmul.u32 $0xF428, v6  }
0x1dc: {  	v5 =	vand.u32 $0x7, v5  }
0x1dd: {  	v5 =	vor.u32 v5, v6  }
0x1de: {  	v5 =	vperm.xlane v5, v3;
	_ =	sdelay $0x1  }
0x1df: {  	v5 =	vadd.s32 v4, v5;
	_ =	sdelay $0x3  }
0x1e0: {  	s21 =	rddreg [dreg:$0x19]  }
0x1e1: {  	[hbm4b:s22+s5] =	stream.indirect_vreg.scatter [tilespmem:s21], [sflag:$0x7], $0x80, v5, vm2, $0xb8;
	[tilespmem:$0x12500] =	vst v63  }
0x1e2: {  	_ =	swait.ge [sflag:s6], $0x1F80  }
0x1e3: {  	[sflag:s6] =	ssyncset.done $0x0  }
0x1e4: {  	[sflag:s6] =	ssyncadd.s32 $0xFFFFE080  }
0x1e5: {  	_ =	swait.ge [sflag:s6], $0x1F80  }
0x1e6: {  	[sflag:s6] =	ssyncset.done $0x0  }
0x1e7: {  	[sflag:s6] =	ssyncadd.s32 $0xFFFFE080  }
0x1e8: {  	_ =	swait.ge [sflag:s6], $0x100  }
0x1e9: {  	s21 =	sshrl.u32 s12, $0x3;
	[sflag:s6] =	ssyncset.done $0x0  }
0x1ea: {  	s22 =	sadd.s32 s3, s21;
	[sflag:s6] =	ssyncadd.s32 $0xFFFFFF00  }
0x1eb: {  	[tilespmem:s19], [sflag:$0x1] =	stream.strided.gather [hbm4b:s22+s2], $0x4000, s0, s2, $0x38;
	[tilespmem:$0x12500] =	vst v63  }
0x1ec: {  	s29 =	simm.s32 $0x100;
	s21 =	sadd.s32 s1, s21  }
0x1ed: {  	[tilespmem:s29], [sflag:$0x1] =	stream.linear.gather [hbm4b:s21+s5], $0x800, $0x38;
	[tilespmem:$0x12500] =	vst v63  }
0x1ee: {  	_ =	swait.ge [sflag:s11], $0x4000  }
0x1ef: {  	[sflag:s11] =	ssyncset.done $0x0  }
0x1f0: {  	[sflag:s11] =	ssyncadd.s32 $0xFFFFC000  }
0x1f1: {  	_ =	swait.ge [sflag:s11], $0x800  }
0x1f2: {  	[sflag:s11] =	ssyncset.done $0x0  }
0x1f3: {  	[sflag:s11] =	ssyncadd.s32 $0xFFFFF800  }
0x1f4: {  	v5 =	vld [tilespmem:$0x1900]  }
0x1f5: {  	v6 =	vld [tilespmem:$0x1910]  }
0x1f6: {  	v7 =	vld [tilespmem:$0x1920]  }
0x1f7: {  	v54 =	vld [tilespmem:$0x1930]  }
0x1f8: {  	v55 =	vld [tilespmem:$0x1940]  }
0x1f9: {  	v56 =	vld [tilespmem:$0x1950]  }
0x1fa: {  	[tilespmem:$0x12400] =	vst v5;
	v5 =	vld [tilespmem:$0x0]  }
0x1fb: {  	[tilespmem:$0x12410] =	vst v6;
	v6 =	vld [tilespmem:$0x1960]  }
0x1fc: {  	v57 =	vld [tilespmem:$0x1D00];
	[tilespmem:$0x12420] =	vst v7  }
0x1fd: {  	v58 =	vld [tilespmem:$0x1D10];
	[tilespmem:$0x12430] =	vst v54  }
0x1fe: {  	v59 =	vld [tilespmem:$0x1D20];
	[tilespmem:$0x12440] =	vst v55  }
0x1ff: {  	v7 =	vld [tilespmem:$0x1970];
	[tilespmem:$0x12450] =	vst v56;
	v60 =	vshrl.u32 v5, $0x3  }
0x200: {  	[tilespmem:$0x12460] =	vst v6;
	v6 =	vld [tilespmem:$0x1D30];
	v11 =	vmul.u32 $0xF428, v60  }
0x201: {  	v61 =	vld [tilespmem:$0x1D50];
	[tilespmem:$0x12480] =	vst v57;
	v5 =	vand.u32 $0x7, v5  }
0x202: {  	v62 =	vld [tilespmem:$0x1D60];
	[tilespmem:$0x12490] =	vst v58;
	v5 =	vor.u32 v5, v11  }
0x203: {  	v63 =	vld [tilespmem:$0x1D70];
	[tilespmem:$0x124A0] =	vst v59;
	v11 =	vperm.xlane v5, v0  }
0x204: {  	[tilespmem:$0x12470] =	vst v7;
	v7 =	vld [tilespmem:$0x1D40]  }
0x205: {  	v5 =	vperm.xlane v5, v2;
	[tilespmem:$0x124B0] =	vst v6;
	v6 =	vadd.s32 v1, v11  }
0x206: {  	[tilespmem:$0x124D0] =	vst v61  }
0x207: {  	s22 =	sshll.u32 s24, $0x8;
	[tilespmem:$0x124E0] =	vst v62;
	v5 =	vadd.s32 v1, v5  }
0x208: {  	s21 =	sadd.s32 s8, s22;
	[tilespmem:$0x124F0] =	vst v63  }
0x209: {  	s22 =	sadd.s32 s4, s21;
	[tilespmem:$0x124C0] =	vst v7  }
0x20a: {  	[hbm4b:s22+s5] =	stream.indirect_vreg.scatter [tilespmem:s10], [sflag:$0x8], $0x80, v6, vm0, $0xb8;
	[tilespmem:$0x12500] =	vst v63  }
0x20b: {  	s24 =	rddreg [dreg:$0x1a]  }
0x20c: {  	[hbm4b:s22+s5] =	stream.indirect_vreg.scatter [tilespmem:s24], [sflag:$0x8], $0x80, v5, vm0, $0xb8;
	[tilespmem:$0x12500] =	vst v63  }
0x20d: {  	v5 =	vld [tilespmem:$0x10];
	_ =	sdelay $0x4  }
0x20e: {  	v6 =	vshrl.u32 v5, $0x3  }
0x20f: {  	v6 =	vmul.u32 $0xF428, v6  }
0x210: {  	v5 =	vand.u32 $0x7, v5  }
0x211: {  	v5 =	vor.u32 v5, v6  }
0x212: {  	v6 =	vperm.xlane v5, v0;
	_ =	sdelay $0x1  }
0x213: {  	v5 =	vperm.xlane v5, v2;
	v6 =	vadd.s32 v1, v6;
	_ =	sdelay $0x1  }
0x214: {  	v5 =	vadd.s32 v1, v5;
	_ =	sdelay $0x1  }
0x215: {  	s24 =	rddreg [dreg:$0x1b]  }
0x216: {  	[hbm4b:s22+s5] =	stream.indirect_vreg.scatter [tilespmem:s24], [sflag:$0x8], $0x80, v6, vm0, $0xb8;
	[tilespmem:$0x12500] =	vst v63  }
0x217: {  	s28 =	rddreg [dreg:$0x1c]  }
0x218: {  	[hbm4b:s22+s5] =	stream.indirect_vreg.scatter [tilespmem:s28], [sflag:$0x8], $0x80, v5, vm0, $0xb8;
	[tilespmem:$0x12500] =	vst v63  }
0x219: {  	v5 =	vld [tilespmem:$0x20];
	_ =	sdelay $0x4  }
0x21a: {  	v6 =	vshrl.u32 v5, $0x3  }
0x21b: {  	v6 =	vmul.u32 $0xF428, v6  }
0x21c: {  	v5 =	vand.u32 $0x7, v5  }
0x21d: {  	v5 =	vor.u32 v5, v6  }
0x21e: {  	v6 =	vperm.xlane v5, v0;
	_ =	sdelay $0x1  }
0x21f: {  	v5 =	vperm.xlane v5, v2;
	v6 =	vadd.s32 v1, v6;
	_ =	sdelay $0x1  }
0x220: {  	v5 =	vadd.s32 v1, v5;
	_ =	sdelay $0x1  }
0x221: {  	s24 =	rddreg [dreg:$0x1d]  }
0x222: {  	[hbm4b:s22+s5] =	stream.indirect_vreg.scatter [tilespmem:s24], [sflag:$0x8], $0x80, v6, vm0, $0xb8;
	[tilespmem:$0x12500] =	vst v63  }
0x223: {  	s28 =	rddreg [dreg:$0x1e]  }
0x224: {  	[hbm4b:s22+s5] =	stream.indirect_vreg.scatter [tilespmem:s28], [sflag:$0x8], $0x80, v5, vm0, $0xb8;
	[tilespmem:$0x12500] =	vst v63  }
0x225: {  	v5 =	vld.msk [tilespmem:$0x30], $0x7fff;
	_ =	sdelay $0x4  }
0x226: {  	v6 =	vshrl.u32 v5, $0x3  }
0x227: {  	v6 =	vmul.u32 $0xF428, v6  }
0x228: {  	v5 =	vand.u32 $0x7, v5  }
0x229: {  	v5 =	vor.u32 v5, v6  }
0x22a: {  	v6 =	vperm.xlane v5, v0;
	_ =	sdelay $0x1  }
0x22b: {  	v5 =	vperm.xlane v5, v2;
	v6 =	vadd.s32 v1, v6;
	_ =	sdelay $0x1  }
0x22c: {  	v5 =	vadd.s32 v1, v5  }
0x22d: {  	s24 =	rddreg [dreg:$0x1f]  }
0x22e: {  	s28 =	sld [smem:$0x7E6]  }
0x22f: {  	[hbm4b:s22+s5] =	stream.indirect_vreg.scatter [tilespmem:s24], [sflag:$0x8], $0x80, v6, vm0, $0xb8;
	[tilespmem:$0x12500] =	vst v63  }
0x230: {  	_ = 	snop  }
0x231: {  	[hbm4b:s22+s5] =	stream.indirect_vreg.scatter [tilespmem:s28], [sflag:$0x8], $0x80, v5, vm1, $0xb8;
	[tilespmem:$0x12500] =	vst v63  }
0x232: {  	v5 =	vld [tilespmem:$0x0];
	_ =	sdelay $0x4  }
0x233: {  	v6 =	vshrl.u32 v5, $0x3  }
0x234: {  	v6 =	vmul.u32 $0xF428, v6  }
0x235: {  	v5 =	vand.u32 $0x7, v5  }
0x236: {  	v5 =	vor.u32 v5, v6  }
0x237: {  	v6 =	vperm.xlane v5, v0;
	_ =	sdelay $0x1  }
0x238: {  	v5 =	vperm.xlane v5, v2;
	v6 =	vadd.s32 v1, v6;
	_ =	sdelay $0x1  }
0x239: {  	s24 =	sld [smem:$0x7E7];
	v5 =	vadd.s32 v1, v5;
	_ =	sdelay $0x1  }
0x23a: {  	s21 =	sadd.s32 s21, s14;
	s28 =	sld [smem:$0x7E9]  }
0x23b: {  	[hbm4b:s21+s5] =	stream.indirect_vreg.scatter [tilespmem:s24], [sflag:$0x8], $0x80, v6, vm0, $0xb8;
	[tilespmem:$0x12500] =	vst v63  }
0x23c: {  	_ = 	snop  }
0x23d: {  	[hbm4b:s21+s5] =	stream.indirect_vreg.scatter [tilespmem:s28], [sflag:$0x8], $0x80, v5, vm0, $0xb8;
	[tilespmem:$0x12500] =	vst v63  }
0x23e: {  	v5 =	vld [tilespmem:$0x10];
	_ =	sdelay $0x4  }
0x23f: {  	v6 =	vshrl.u32 v5, $0x3  }
0x240: {  	v6 =	vmul.u32 $0xF428, v6  }
0x241: {  	v5 =	vand.u32 $0x7, v5  }
0x242: {  	v5 =	vor.u32 v5, v6  }
0x243: {  	v6 =	vperm.xlane v5, v0;
	_ =	sdelay $0x1  }
0x244: {  	v5 =	vperm.xlane v5, v2;
	v6 =	vadd.s32 v1, v6;
	_ =	sdelay $0x1  }
0x245: {  	s24 =	sld [smem:$0x7EB];
	v5 =	vadd.s32 v1, v5;
	_ =	sdelay $0x1  }
0x246: {  	s28 =	sld [smem:$0x7ED]  }
0x247: {  	[hbm4b:s21+s5] =	stream.indirect_vreg.scatter [tilespmem:s24], [sflag:$0x8], $0x80, v6, vm0, $0xb8;
	[tilespmem:$0x12500] =	vst v63  }
0x248: {  	_ = 	snop  }
0x249: {  	[hbm4b:s21+s5] =	stream.indirect_vreg.scatter [tilespmem:s28], [sflag:$0x8], $0x80, v5, vm0, $0xb8;
	[tilespmem:$0x12500] =	vst v63  }
0x24a: {  	v5 =	vld [tilespmem:$0x20];
	_ =	sdelay $0x4  }
0x24b: {  	v6 =	vshrl.u32 v5, $0x3  }
0x24c: {  	v6 =	vmul.u32 $0xF428, v6  }
0x24d: {  	v5 =	vand.u32 $0x7, v5  }
0x24e: {  	v5 =	vor.u32 v5, v6  }
0x24f: {  	v6 =	vperm.xlane v5, v0;
	_ =	sdelay $0x1  }
0x250: {  	v5 =	vperm.xlane v5, v2;
	v6 =	vadd.s32 v1, v6;
	_ =	sdelay $0x1  }
0x251: {  	s24 =	sld [smem:$0x7EF];
	v5 =	vadd.s32 v1, v5;
	_ =	sdelay $0x1  }
0x252: {  	s28 =	sld [smem:$0x7F1]  }
0x253: {  	[hbm4b:s21+s5] =	stream.indirect_vreg.scatter [tilespmem:s24], [sflag:$0x8], $0x80, v6, vm0, $0xb8;
	[tilespmem:$0x12500] =	vst v63  }
0x254: {  	_ = 	snop  }
0x255: {  	[hbm4b:s21+s5] =	stream.indirect_vreg.scatter [tilespmem:s28], [sflag:$0x8], $0x80, v5, vm0, $0xb8;
	[tilespmem:$0x12500] =	vst v63  }
0x256: {  	v5 =	vld.msk [tilespmem:$0x30], $0x7fff;
	_ =	sdelay $0x4  }
0x257: {  	v6 =	vshrl.u32 v5, $0x3  }
0x258: {  	v6 =	vmul.u32 $0xF428, v6  }
0x259: {  	v5 =	vand.u32 $0x7, v5  }
0x25a: {  	v5 =	vor.u32 v5, v6  }
0x25b: {  	v6 =	vperm.xlane v5, v0;
	_ =	sdelay $0x1  }
0x25c: {  	v5 =	vperm.xlane v5, v2;
	v6 =	vadd.s32 v1, v6;
	_ =	sdelay $0x1  }
0x25d: {  	s24 =	sld [smem:$0x7F3];
	v5 =	vadd.s32 v1, v5;
	_ =	sdelay $0x1  }
0x25e: {  	s28 =	sld [smem:$0x7F5]  }
0x25f: {  	[hbm4b:s21+s5] =	stream.indirect_vreg.scatter [tilespmem:s24], [sflag:$0x8], $0x80, v6, vm0, $0xb8;
	[tilespmem:$0x12500] =	vst v63  }
0x260: {  	_ = 	snop  }
0x261: {  	[hbm4b:s21+s5] =	stream.indirect_vreg.scatter [tilespmem:s28], [sflag:$0x8], $0x80, v5, vm1, $0xb8;
	[tilespmem:$0x12500] =	vst v63  }
0x262: {  	v5 =	vld.msk [tilespmem:$0x80], $0x1;
	_ =	sdelay $0x4  }
0x263: {  	v6 =	vshrl.u32 v5, $0x3  }
0x264: {  	v6 =	vmul.u32 $0xF428, v6  }
0x265: {  	v5 =	vand.u32 $0x7, v5  }
0x266: {  	v5 =	vor.u32 v5, v6  }
0x267: {  	v5 =	vperm.xlane v5, v3;
	_ =	sdelay $0x1  }
0x268: {  	v5 =	vadd.s32 v4, v5;
	_ =	sdelay $0x1  }
0x269: {  	s24 =	sld [smem:$0x7F6];
	_ =	sdelay $0x2  }
0x26a: {  	[hbm4b:s22+s5] =	stream.indirect_vreg.scatter [tilespmem:s24], [sflag:$0x8], $0x80, v5, vm2, $0xb8;
	[tilespmem:$0x12500] =	vst v63  }
0x26b: {  	_ =	swait.ge [sflag:s7], $0x1F80  }
0x26c: {  	[sflag:s7] =	ssyncset.done $0x0  }
0x26d: {  	[sflag:s7] =	ssyncadd.s32 $0xFFFFE080  }
0x26e: {  	_ =	swait.ge [sflag:s7], $0x1F80  }
0x26f: {  	[sflag:s7] =	ssyncset.done $0x0  }
0x270: {  	[sflag:s7] =	ssyncadd.s32 $0xFFFFE080  }
0x271: {  	_ =	swait.ge [sflag:s7], $0x100  }
0x272: {  	s22 =	rddreg [dreg:$0x7]  }
0x273: {  	s24 =	rddreg [dreg:$0x6]  }
0x274: {  	s21 =	sadd.s32 s25, s22;
	s24 =	sadd.s32 s25, s24;
	s25 =	sadd.s32 $0x400, s25  }
0x275: {  	p1 =	sne.s32 s25, $0x7800  }
.Ltmp2:
0x276: {  	[sflag:s7] =	ssyncset.done $0x0;
	(pc) =	sbr.rel @p1 .LBB2_2-.Ltmp2, $4  }
0x277: {  	s20 =	sadd.s32 $0x4, s20;
	[sflag:s7] =	ssyncadd.s32 $0xFFFFFF00  }
0x278: {  	[tilespmem:s23], [sflag:$0x2] =	stream.strided.gather [hbm4b:s21+s2], $0x4000, s0, s2, $0x38;
	[tilespmem:$0x12500] =	vst v63  }
0x279: {  	s12 =	sadd.s32 $0x2000, s12;
	s28 =	simm.s32 $0x2900;
	s22 =	simm.s32 $0x900  }
0x27a: {  	[tilespmem:s22], [sflag:$0x2] =	stream.linear.gather [hbm4b:s24+s5], $0x800, $0x38;
	[tilespmem:$0x12500] =	vst v63  }
0x27b: {  	_ =	swait.ge [sflag:s31], $0x4000  }
0x27c: {  	[sflag:s31] =	ssyncset.done $0x0  }
0x27d: {  	[sflag:s31] =	ssyncadd.s32 $0xFFFFC000  }
0x27e: {  	_ =	swait.ge [sflag:s31], $0x800  }
0x27f: {  	[sflag:s31] =	ssyncset.done $0x0  }
0x280: {  	[sflag:s31] =	ssyncadd.s32 $0xFFFFF800  }
0x281: {  	v5 =	vld [tilespmem:$0x100]  }
0x282: {  	v6 =	vld [tilespmem:$0x110]  }
0x283: {  	v7 =	vld [tilespmem:$0x120]  }
0x284: {  	v8 =	vld [tilespmem:$0x130]  }
0x285: {  	v9 =	vld [tilespmem:$0x140]  }
0x286: {  	v10 =	vld [tilespmem:$0x150]  }
0x287: {  	[tilespmem:$0x12100] =	vst v5;
	v5 =	vld [tilespmem:$0x0]  }
0x288: {  	[tilespmem:$0x12110] =	vst v6;
	v6 =	vld [tilespmem:$0x160]  }
0x289: {  	v48 =	vld [tilespmem:$0x500];
	[tilespmem:$0x12120] =	vst v7  }
0x28a: {  	v49 =	vld [tilespmem:$0x510];
	[tilespmem:$0x12130] =	vst v8  }
0x28b: {  	v50 =	vld [tilespmem:$0x520];
	[tilespmem:$0x12140] =	vst v9  }
0x28c: {  	v7 =	vld [tilespmem:$0x170];
	[tilespmem:$0x12150] =	vst v10;
	v11 =	vshrl.u32 v5, $0x3  }
0x28d: {  	[tilespmem:$0x12160] =	vst v6;
	v6 =	vld [tilespmem:$0x530];
	v11 =	vmul.u32 $0xF428, v11  }
0x28e: {  	v51 =	vld [tilespmem:$0x550];
	[tilespmem:$0x12180] =	vst v48;
	v5 =	vand.u32 $0x7, v5  }
0x28f: {  	v52 =	vld [tilespmem:$0x560];
	[tilespmem:$0x12190] =	vst v49;
	v5 =	vor.u32 v5, v11  }
0x290: {  	v53 =	vld [tilespmem:$0x570];
	[tilespmem:$0x121A0] =	vst v50;
	v11 =	vperm.xlane v5, v0  }
0x291: {  	[tilespmem:$0x12170] =	vst v7;
	v7 =	vld [tilespmem:$0x540]  }
0x292: {  	v5 =	vperm.xlane v5, v2;
	[tilespmem:$0x121B0] =	vst v6;
	v6 =	vadd.s32 v1, v11  }
0x293: {  	[tilespmem:$0x121D0] =	vst v51  }
0x294: {  	s12 =	sld [smem:$0x7E8];
	[tilespmem:$0x121E0] =	vst v52;
	v5 =	vadd.s32 v1, v5  }
0x295: {  	[tilespmem:$0x121F0] =	vst v53  }
0x296: {  	[tilespmem:$0x121C0] =	vst v7  }
0x297: {  	[hbm4b:s12+s5] =	stream.indirect_vreg.scatter [tilespmem:s19], [sflag:$0x5], $0x80, v6, vm0, $0xb8;
	[tilespmem:$0x12500] =	vst v63  }
0x298: {  	_ = 	snop  }
0x299: {  	[hbm4b:s12+s5] =	stream.indirect_vreg.scatter [tilespmem:s28], [sflag:$0x5], $0x80, v5, vm0, $0xb8;
	[tilespmem:$0x12500] =	vst v63  }
0x29a: {  	v5 =	vld [tilespmem:$0x10];
	_ =	sdelay $0x4  }
0x29b: {  	v6 =	vshrl.u32 v5, $0x3  }
0x29c: {  	v6 =	vmul.u32 $0xF428, v6  }
0x29d: {  	v5 =	vand.u32 $0x7, v5  }
0x29e: {  	v5 =	vor.u32 v5, v6  }
0x29f: {  	v6 =	vperm.xlane v5, v0;
	_ =	sdelay $0x1  }
0x2a0: {  	v5 =	vperm.xlane v5, v2;
	v6 =	vadd.s32 v1, v6;
	_ =	sdelay $0x1  }
0x2a1: {  	v5 =	vadd.s32 v1, v5;
	_ =	sdelay $0x2  }
0x2a2: {  	[hbm4b:s12+s5] =	stream.indirect_vreg.scatter [tilespmem:s16], [sflag:$0x5], $0x80, v6, vm0, $0xb8;
	[tilespmem:$0x12500] =	vst v63  }
0x2a3: {  	_ = 	snop  }
0x2a4: {  	[hbm4b:s12+s5] =	stream.indirect_vreg.scatter [tilespmem:s18], [sflag:$0x5], $0x80, v5, vm0, $0xb8;
	[tilespmem:$0x12500] =	vst v63  }
0x2a5: {  	v5 =	vld [tilespmem:$0x20];
	_ =	sdelay $0x4  }
0x2a6: {  	v6 =	vshrl.u32 v5, $0x3  }
0x2a7: {  	v6 =	vmul.u32 $0xF428, v6  }
0x2a8: {  	v5 =	vand.u32 $0x7, v5  }
0x2a9: {  	v5 =	vor.u32 v5, v6  }
0x2aa: {  	v6 =	vperm.xlane v5, v0;
	_ =	sdelay $0x1  }
0x2ab: {  	v5 =	vperm.xlane v5, v2;
	v6 =	vadd.s32 v1, v6;
	_ =	sdelay $0x1  }
0x2ac: {  	v5 =	vadd.s32 v1, v5;
	_ =	sdelay $0x2  }
0x2ad: {  	[hbm4b:s12+s5] =	stream.indirect_vreg.scatter [tilespmem:s30], [sflag:$0x5], $0x80, v6, vm0, $0xb8;
	[tilespmem:$0x12500] =	vst v63  }
0x2ae: {  	_ = 	snop  }
0x2af: {  	[hbm4b:s12+s5] =	stream.indirect_vreg.scatter [tilespmem:s15], [sflag:$0x5], $0x80, v5, vm0, $0xb8;
	[tilespmem:$0x12500] =	vst v63  }
0x2b0: {  	v5 =	vld.msk [tilespmem:$0x30], $0x7fff;
	_ =	sdelay $0x4  }
0x2b1: {  	v6 =	vshrl.u32 v5, $0x3  }
0x2b2: {  	v6 =	vmul.u32 $0xF428, v6  }
0x2b3: {  	v5 =	vand.u32 $0x7, v5  }
0x2b4: {  	v5 =	vor.u32 v5, v6  }
0x2b5: {  	v6 =	vperm.xlane v5, v0;
	_ =	sdelay $0x1  }
0x2b6: {  	v5 =	vperm.xlane v5, v2;
	v6 =	vadd.s32 v1, v6;
	_ =	sdelay $0x1  }
0x2b7: {  	v5 =	vadd.s32 v1, v5;
	_ =	sdelay $0x1  }
0x2b8: {  	s4 =	simm.s32 $0x5100  }
0x2b9: {  	[hbm4b:s12+s5] =	stream.indirect_vreg.scatter [tilespmem:s4], [sflag:$0x5], $0x80, v6, vm0, $0xb8;
	[tilespmem:$0x12500] =	vst v63  }
0x2ba: {  	s21 =	simm.s32 $0x5900  }
0x2bb: {  	[hbm4b:s12+s5] =	stream.indirect_vreg.scatter [tilespmem:s21], [sflag:$0x5], $0x80, v5, vm1, $0xb8;
	[tilespmem:$0x12500] =	vst v63  }
0x2bc: {  	v5 =	vld [tilespmem:$0x0];
	_ =	sdelay $0x4  }
0x2bd: {  	v6 =	vshrl.u32 v5, $0x3  }
0x2be: {  	v6 =	vmul.u32 $0xF428, v6  }
0x2bf: {  	v5 =	vand.u32 $0x7, v5  }
0x2c0: {  	v5 =	vor.u32 v5, v6  }
0x2c1: {  	v6 =	vperm.xlane v5, v0;
	_ =	sdelay $0x1  }
0x2c2: {  	v5 =	vperm.xlane v5, v2;
	v6 =	vadd.s32 v1, v6;
	_ =	sdelay $0x1  }
0x2c3: {  	s20 =	sld [smem:$0x7EA];
	v5 =	vadd.s32 v1, v5;
	_ =	sdelay $0x1  }
0x2c4: {  	s24 =	simm.s32 $0x2500  }
0x2c5: {  	[hbm4b:s20+s5] =	stream.indirect_vreg.scatter [tilespmem:s24], [sflag:$0x5], $0x80, v6, vm0, $0xb8;
	[tilespmem:$0x12500] =	vst v63  }
0x2c6: {  	s25 =	simm.s32 $0x2D00  }
0x2c7: {  	[hbm4b:s20+s5] =	stream.indirect_vreg.scatter [tilespmem:s25], [sflag:$0x5], $0x80, v5, vm0, $0xb8;
	[tilespmem:$0x12500] =	vst v63  }
0x2c8: {  	v5 =	vld [tilespmem:$0x10];
	_ =	sdelay $0x4  }
0x2c9: {  	v6 =	vshrl.u32 v5, $0x3  }
0x2ca: {  	v6 =	vmul.u32 $0xF428, v6  }
0x2cb: {  	v5 =	vand.u32 $0x7, v5  }
0x2cc: {  	v5 =	vor.u32 v5, v6  }
0x2cd: {  	v6 =	vperm.xlane v5, v0;
	_ =	sdelay $0x1  }
0x2ce: {  	v5 =	vperm.xlane v5, v2;
	v6 =	vadd.s32 v1, v6;
	_ =	sdelay $0x1  }
0x2cf: {  	v5 =	vadd.s32 v1, v5;
	_ =	sdelay $0x1  }
0x2d0: {  	s15 =	simm.s32 $0x3500  }
0x2d1: {  	[hbm4b:s20+s5] =	stream.indirect_vreg.scatter [tilespmem:s15], [sflag:$0x5], $0x80, v6, vm0, $0xb8;
	[tilespmem:$0x12500] =	vst v63  }
0x2d2: {  	s16 =	simm.s32 $0x3D00  }
0x2d3: {  	[hbm4b:s20+s5] =	stream.indirect_vreg.scatter [tilespmem:s16], [sflag:$0x5], $0x80, v5, vm0, $0xb8;
	[tilespmem:$0x12500] =	vst v63  }
0x2d4: {  	v5 =	vld [tilespmem:$0x20];
	_ =	sdelay $0x4  }
0x2d5: {  	v6 =	vshrl.u32 v5, $0x3  }
0x2d6: {  	v6 =	vmul.u32 $0xF428, v6  }
0x2d7: {  	v5 =	vand.u32 $0x7, v5  }
0x2d8: {  	v5 =	vor.u32 v5, v6  }
0x2d9: {  	v6 =	vperm.xlane v5, v0;
	_ =	sdelay $0x1  }
0x2da: {  	v5 =	vperm.xlane v5, v2;
	v6 =	vadd.s32 v1, v6;
	_ =	sdelay $0x1  }
0x2db: {  	v5 =	vadd.s32 v1, v5;
	_ =	sdelay $0x1  }
0x2dc: {  	s18 =	simm.s32 $0x4500  }
0x2dd: {  	[hbm4b:s20+s5] =	stream.indirect_vreg.scatter [tilespmem:s18], [sflag:$0x5], $0x80, v6, vm0, $0xb8;
	[tilespmem:$0x12500] =	vst v63  }
0x2de: {  	s21 =	simm.s32 $0x4D00  }
0x2df: {  	[hbm4b:s20+s5] =	stream.indirect_vreg.scatter [tilespmem:s21], [sflag:$0x5], $0x80, v5, vm0, $0xb8;
	[tilespmem:$0x12500] =	vst v63  }
0x2e0: {  	v5 =	vld.msk [tilespmem:$0x30], $0x7fff;
	_ =	sdelay $0x4  }
0x2e1: {  	v6 =	vshrl.u32 v5, $0x3  }
0x2e2: {  	v6 =	vmul.u32 $0xF428, v6  }
0x2e3: {  	v5 =	vand.u32 $0x7, v5  }
0x2e4: {  	v5 =	vor.u32 v5, v6  }
0x2e5: {  	v6 =	vperm.xlane v5, v0;
	_ =	sdelay $0x1  }
0x2e6: {  	v5 =	vperm.xlane v5, v2;
	v6 =	vadd.s32 v1, v6;
	_ =	sdelay $0x1  }
0x2e7: {  	v5 =	vadd.s32 v1, v5;
	_ =	sdelay $0x1  }
0x2e8: {  	s24 =	simm.s32 $0x5500  }
0x2e9: {  	[hbm4b:s20+s5] =	stream.indirect_vreg.scatter [tilespmem:s24], [sflag:$0x5], $0x80, v6, vm0, $0xb8;
	[tilespmem:$0x12500] =	vst v63  }
0x2ea: {  	s25 =	simm.s32 $0x5D00  }
0x2eb: {  	[hbm4b:s20+s5] =	stream.indirect_vreg.scatter [tilespmem:s25], [sflag:$0x5], $0x80, v5, vm1, $0xb8;
	[tilespmem:$0x12500] =	vst v63  }
0x2ec: {  	v5 =	vld.msk [tilespmem:$0x80], $0x1;
	_ =	sdelay $0x4  }
0x2ed: {  	v6 =	vshrl.u32 v5, $0x3  }
0x2ee: {  	v6 =	vmul.u32 $0xF428, v6  }
0x2ef: {  	v5 =	vand.u32 $0x7, v5  }
0x2f0: {  	v5 =	vor.u32 v5, v6  }
0x2f1: {  	v5 =	vperm.xlane v5, v3;
	_ =	sdelay $0x1  }
0x2f2: {  	v5 =	vadd.s32 v4, v5;
	_ =	sdelay $0x3  }
0x2f3: {  	s15 =	simm.s32 $0x12100;
	s16 =	simm.s32 $0x7  }
0x2f4: {  	[hbm4b:s12+s5] =	stream.indirect_vreg.scatter [tilespmem:s15], [sflag:$0x5], $0x80, v5, vm2, $0xb8;
	[tilespmem:$0x12500] =	vst v63  }
0x2f5: {  	_ =	swait.ge [sflag:s16], $0x1F80  }
0x2f6: {  	[sflag:s16] =	ssyncset.done $0x0  }
0x2f7: {  	[sflag:s16] =	ssyncadd.s32 $0xFFFFE080  }
0x2f8: {  	_ =	swait.ge [sflag:s16], $0x1F80  }
0x2f9: {  	[sflag:s16] =	ssyncset.done $0x0  }
0x2fa: {  	[sflag:s16] =	ssyncadd.s32 $0xFFFFE080  }
0x2fb: {  	_ =	swait.ge [sflag:s16], $0x100  }
0x2fc: {  	[sflag:s16] =	ssyncset.done $0x0  }
0x2fd: {  	[sflag:s16] =	ssyncadd.s32 $0xFFFFFF00  }
0x2fe: {  	_ =	swait.ge [sflag:s17], $0x4000  }
0x2ff: {  	[sflag:s17] =	ssyncset.done $0x0  }
0x300: {  	[sflag:s17] =	ssyncadd.s32 $0xFFFFC000  }
0x301: {  	_ =	swait.ge [sflag:s17], $0x800  }
0x302: {  	[sflag:s17] =	ssyncset.done $0x0  }
0x303: {  	[sflag:s17] =	ssyncadd.s32 $0xFFFFF800  }
0x304: {  	v5 =	vld [tilespmem:$0x900]  }
0x305: {  	v6 =	vld [tilespmem:$0x910]  }
0x306: {  	v7 =	vld [tilespmem:$0x920]  }
0x307: {  	v54 =	vld [tilespmem:$0x930]  }
0x308: {  	v55 =	vld [tilespmem:$0x940]  }
0x309: {  	v56 =	vld [tilespmem:$0x950]  }
0x30a: {  	[tilespmem:$0x12200] =	vst v5;
	v5 =	vld [tilespmem:$0x0]  }
0x30b: {  	[tilespmem:$0x12210] =	vst v6;
	v6 =	vld [tilespmem:$0x960]  }
0x30c: {  	v57 =	vld [tilespmem:$0xD00];
	[tilespmem:$0x12220] =	vst v7  }
0x30d: {  	v58 =	vld [tilespmem:$0xD10];
	[tilespmem:$0x12230] =	vst v54  }
0x30e: {  	v59 =	vld [tilespmem:$0xD20];
	[tilespmem:$0x12240] =	vst v55  }
0x30f: {  	v7 =	vld [tilespmem:$0x970];
	[tilespmem:$0x12250] =	vst v56;
	v60 =	vshrl.u32 v5, $0x3  }
0x310: {  	[tilespmem:$0x12260] =	vst v6;
	v6 =	vld [tilespmem:$0xD30];
	v11 =	vmul.u32 $0xF428, v60  }
0x311: {  	v61 =	vld [tilespmem:$0xD50];
	[tilespmem:$0x12280] =	vst v57;
	v5 =	vand.u32 $0x7, v5  }
0x312: {  	v62 =	vld [tilespmem:$0xD60];
	[tilespmem:$0x12290] =	vst v58;
	v5 =	vor.u32 v5, v11  }
0x313: {  	v63 =	vld [tilespmem:$0xD70];
	[tilespmem:$0x122A0] =	vst v59;
	v11 =	vperm.xlane v5, v0  }
0x314: {  	[tilespmem:$0x12270] =	vst v7;
	v7 =	vld [tilespmem:$0xD40]  }
0x315: {  	v5 =	vperm.xlane v5, v2;
	[tilespmem:$0x122B0] =	vst v6;
	v6 =	vadd.s32 v1, v11  }
0x316: {  	[tilespmem:$0x122D0] =	vst v61  }
0x317: {  	s12 =	sld [smem:$0x7EC];
	[tilespmem:$0x122E0] =	vst v62;
	v5 =	vadd.s32 v1, v5  }
0x318: {  	[tilespmem:$0x122F0] =	vst v63  }
0x319: {  	[tilespmem:$0x122C0] =	vst v7  }
0x31a: {  	[hbm4b:s12+s5] =	stream.indirect_vreg.scatter [tilespmem:s23], [sflag:$0x6], $0x80, v6, vm0, $0xb8;
	[tilespmem:$0x12500] =	vst v63  }
0x31b: {  	s18 =	simm.s32 $0x6900  }
0x31c: {  	[hbm4b:s12+s5] =	stream.indirect_vreg.scatter [tilespmem:s18], [sflag:$0x6], $0x80, v5, vm0, $0xb8;
	[tilespmem:$0x12500] =	vst v63  }
0x31d: {  	v5 =	vld [tilespmem:$0x10];
	_ =	sdelay $0x4  }
0x31e: {  	v6 =	vshrl.u32 v5, $0x3  }
0x31f: {  	v6 =	vmul.u32 $0xF428, v6  }
0x320: {  	v5 =	vand.u32 $0x7, v5  }
0x321: {  	v5 =	vor.u32 v5, v6  }
0x322: {  	v6 =	vperm.xlane v5, v0;
	_ =	sdelay $0x1  }
0x323: {  	v5 =	vperm.xlane v5, v2;
	v6 =	vadd.s32 v1, v6;
	_ =	sdelay $0x1  }
0x324: {  	v5 =	vadd.s32 v1, v5;
	_ =	sdelay $0x1  }
0x325: {  	s20 =	simm.s32 $0x7100  }
0x326: {  	[hbm4b:s12+s5] =	stream.indirect_vreg.scatter [tilespmem:s20], [sflag:$0x6], $0x80, v6, vm0, $0xb8;
	[tilespmem:$0x12500] =	vst v63  }
0x327: {  	s21 =	simm.s32 $0x7900  }
0x328: {  	[hbm4b:s12+s5] =	stream.indirect_vreg.scatter [tilespmem:s21], [sflag:$0x6], $0x80, v5, vm0, $0xb8;
	[tilespmem:$0x12500] =	vst v63  }
0x329: {  	v5 =	vld [tilespmem:$0x20];
	_ =	sdelay $0x4  }
0x32a: {  	v6 =	vshrl.u32 v5, $0x3  }
0x32b: {  	v6 =	vmul.u32 $0xF428, v6  }
0x32c: {  	v5 =	vand.u32 $0x7, v5  }
0x32d: {  	v5 =	vor.u32 v5, v6  }
0x32e: {  	v6 =	vperm.xlane v5, v0;
	_ =	sdelay $0x1  }
0x32f: {  	v5 =	vperm.xlane v5, v2;
	v6 =	vadd.s32 v1, v6;
	_ =	sdelay $0x1  }
0x330: {  	v5 =	vadd.s32 v1, v5;
	_ =	sdelay $0x1  }
0x331: {  	s24 =	simm.s32 $0x8100  }
0x332: {  	[hbm4b:s12+s5] =	stream.indirect_vreg.scatter [tilespmem:s24], [sflag:$0x6], $0x80, v6, vm0, $0xb8;
	[tilespmem:$0x12500] =	vst v63  }
0x333: {  	s25 =	simm.s32 $0x8900  }
0x334: {  	[hbm4b:s12+s5] =	stream.indirect_vreg.scatter [tilespmem:s25], [sflag:$0x6], $0x80, v5, vm0, $0xb8;
	[tilespmem:$0x12500] =	vst v63  }
0x335: {  	v5 =	vld.msk [tilespmem:$0x30], $0x7fff;
	_ =	sdelay $0x4  }
0x336: {  	v6 =	vshrl.u32 v5, $0x3  }
0x337: {  	v6 =	vmul.u32 $0xF428, v6  }
0x338: {  	v5 =	vand.u32 $0x7, v5  }
0x339: {  	v5 =	vor.u32 v5, v6  }
0x33a: {  	v6 =	vperm.xlane v5, v0;
	_ =	sdelay $0x1  }
0x33b: {  	v5 =	vperm.xlane v5, v2;
	v6 =	vadd.s32 v1, v6;
	_ =	sdelay $0x1  }
0x33c: {  	v5 =	vadd.s32 v1, v5;
	_ =	sdelay $0x1  }
0x33d: {  	s15 =	simm.s32 $0x9100  }
0x33e: {  	[hbm4b:s12+s5] =	stream.indirect_vreg.scatter [tilespmem:s15], [sflag:$0x6], $0x80, v6, vm0, $0xb8;
	[tilespmem:$0x12500] =	vst v63  }
0x33f: {  	s16 =	simm.s32 $0x9900  }
0x340: {  	[hbm4b:s12+s5] =	stream.indirect_vreg.scatter [tilespmem:s16], [sflag:$0x6], $0x80, v5, vm1, $0xb8;
	[tilespmem:$0x12500] =	vst v63  }
0x341: {  	v5 =	vld [tilespmem:$0x0];
	_ =	sdelay $0x4  }
0x342: {  	v6 =	vshrl.u32 v5, $0x3  }
0x343: {  	v6 =	vmul.u32 $0xF428, v6  }
0x344: {  	v5 =	vand.u32 $0x7, v5  }
0x345: {  	v5 =	vor.u32 v5, v6  }
0x346: {  	v6 =	vperm.xlane v5, v0;
	_ =	sdelay $0x1  }
0x347: {  	v5 =	vperm.xlane v5, v2;
	v6 =	vadd.s32 v1, v6;
	_ =	sdelay $0x1  }
0x348: {  	s20 =	sld [smem:$0x7EE];
	v5 =	vadd.s32 v1, v5;
	_ =	sdelay $0x1  }
0x349: {  	s18 =	simm.s32 $0x6500  }
0x34a: {  	[hbm4b:s20+s5] =	stream.indirect_vreg.scatter [tilespmem:s18], [sflag:$0x6], $0x80, v6, vm0, $0xb8;
	[tilespmem:$0x12500] =	vst v63  }
0x34b: {  	s21 =	simm.s32 $0x6D00  }
0x34c: {  	[hbm4b:s20+s5] =	stream.indirect_vreg.scatter [tilespmem:s21], [sflag:$0x6], $0x80, v5, vm0, $0xb8;
	[tilespmem:$0x12500] =	vst v63  }
0x34d: {  	v5 =	vld [tilespmem:$0x10];
	_ =	sdelay $0x4  }
0x34e: {  	v6 =	vshrl.u32 v5, $0x3  }
0x34f: {  	v6 =	vmul.u32 $0xF428, v6  }
0x350: {  	v5 =	vand.u32 $0x7, v5  }
0x351: {  	v5 =	vor.u32 v5, v6  }
0x352: {  	v6 =	vperm.xlane v5, v0;
	_ =	sdelay $0x1  }
0x353: {  	v5 =	vperm.xlane v5, v2;
	v6 =	vadd.s32 v1, v6;
	_ =	sdelay $0x1  }
0x354: {  	v5 =	vadd.s32 v1, v5;
	_ =	sdelay $0x1  }
0x355: {  	s24 =	simm.s32 $0x7500  }
0x356: {  	[hbm4b:s20+s5] =	stream.indirect_vreg.scatter [tilespmem:s24], [sflag:$0x6], $0x80, v6, vm0, $0xb8;
	[tilespmem:$0x12500] =	vst v63  }
0x357: {  	s25 =	simm.s32 $0x7D00  }
0x358: {  	[hbm4b:s20+s5] =	stream.indirect_vreg.scatter [tilespmem:s25], [sflag:$0x6], $0x80, v5, vm0, $0xb8;
	[tilespmem:$0x12500] =	vst v63  }
0x359: {  	v5 =	vld [tilespmem:$0x20];
	_ =	sdelay $0x4  }
0x35a: {  	v6 =	vshrl.u32 v5, $0x3  }
0x35b: {  	v6 =	vmul.u32 $0xF428, v6  }
0x35c: {  	v5 =	vand.u32 $0x7, v5  }
0x35d: {  	v5 =	vor.u32 v5, v6  }
0x35e: {  	v6 =	vperm.xlane v5, v0;
	_ =	sdelay $0x1  }
0x35f: {  	v5 =	vperm.xlane v5, v2;
	v6 =	vadd.s32 v1, v6;
	_ =	sdelay $0x1  }
0x360: {  	v5 =	vadd.s32 v1, v5;
	_ =	sdelay $0x1  }
0x361: {  	s15 =	simm.s32 $0x8500  }
0x362: {  	[hbm4b:s20+s5] =	stream.indirect_vreg.scatter [tilespmem:s15], [sflag:$0x6], $0x80, v6, vm0, $0xb8;
	[tilespmem:$0x12500] =	vst v63  }
0x363: {  	s16 =	simm.s32 $0x8D00  }
0x364: {  	[hbm4b:s20+s5] =	stream.indirect_vreg.scatter [tilespmem:s16], [sflag:$0x6], $0x80, v5, vm0, $0xb8;
	[tilespmem:$0x12500] =	vst v63  }
0x365: {  	v5 =	vld.msk [tilespmem:$0x30], $0x7fff;
	_ =	sdelay $0x4  }
0x366: {  	v6 =	vshrl.u32 v5, $0x3  }
0x367: {  	v6 =	vmul.u32 $0xF428, v6  }
0x368: {  	v5 =	vand.u32 $0x7, v5  }
0x369: {  	v5 =	vor.u32 v5, v6  }
0x36a: {  	v6 =	vperm.xlane v5, v0;
	_ =	sdelay $0x1  }
0x36b: {  	v5 =	vperm.xlane v5, v2;
	v6 =	vadd.s32 v1, v6;
	_ =	sdelay $0x1  }
0x36c: {  	v5 =	vadd.s32 v1, v5;
	_ =	sdelay $0x1  }
0x36d: {  	s18 =	simm.s32 $0x9500  }
0x36e: {  	[hbm4b:s20+s5] =	stream.indirect_vreg.scatter [tilespmem:s18], [sflag:$0x6], $0x80, v6, vm0, $0xb8;
	[tilespmem:$0x12500] =	vst v63  }
0x36f: {  	s21 =	simm.s32 $0x9D00  }
0x370: {  	[hbm4b:s20+s5] =	stream.indirect_vreg.scatter [tilespmem:s21], [sflag:$0x6], $0x80, v5, vm1, $0xb8;
	[tilespmem:$0x12500] =	vst v63  }
0x371: {  	v5 =	vld.msk [tilespmem:$0x80], $0x1;
	_ =	sdelay $0x4  }
0x372: {  	v6 =	vshrl.u32 v5, $0x3  }
0x373: {  	v6 =	vmul.u32 $0xF428, v6  }
0x374: {  	v5 =	vand.u32 $0x7, v5  }
0x375: {  	v5 =	vor.u32 v5, v6  }
0x376: {  	v5 =	vperm.xlane v5, v3;
	_ =	sdelay $0x1  }
0x377: {  	v5 =	vadd.s32 v4, v5;
	_ =	sdelay $0x3  }
0x378: {  	s24 =	simm.s32 $0x12200;
	s25 =	simm.s32 $0x8  }
0x379: {  	[hbm4b:s12+s5] =	stream.indirect_vreg.scatter [tilespmem:s24], [sflag:$0x6], $0x80, v5, vm2, $0xb8;
	[tilespmem:$0x12500] =	vst v63  }
0x37a: {  	_ =	swait.ge [sflag:s25], $0x1F80  }
0x37b: {  	[sflag:s25] =	ssyncset.done $0x0  }
0x37c: {  	[sflag:s25] =	ssyncadd.s32 $0xFFFFE080  }
0x37d: {  	_ =	swait.ge [sflag:s25], $0x1F80  }
0x37e: {  	[sflag:s25] =	ssyncset.done $0x0  }
0x37f: {  	[sflag:s25] =	ssyncadd.s32 $0xFFFFE080  }
0x380: {  	_ =	swait.ge [sflag:s25], $0x100  }
0x381: {  	[sflag:s25] =	ssyncset.done $0x0  }
0x382: {  	[sflag:s25] =	ssyncadd.s32 $0xFFFFFF00  }
0x383: {  	_ =	swait.ge [sflag:s6], $0x1F80  }
0x384: {  	[sflag:s6] =	ssyncset.done $0x0  }
0x385: {  	[sflag:s6] =	ssyncadd.s32 $0xFFFFE080  }
0x386: {  	_ =	swait.ge [sflag:s6], $0x1F80  }
0x387: {  	[sflag:s6] =	ssyncset.done $0x0  }
0x388: {  	[sflag:s6] =	ssyncadd.s32 $0xFFFFE080  }
0x389: {  	_ =	swait.ge [sflag:s6], $0x100  }
0x38a: {  	[sflag:s6] =	ssyncset.done $0x0  }
0x38b: {  	[sflag:s6] =	ssyncadd.s32 $0xFFFFFF00  }
0x38c: {  	_ =	swait.ge [sflag:s7], $0x1F80  }
0x38d: {  	[sflag:s7] =	ssyncset.done $0x0  }
0x38e: {  	[sflag:s7] =	ssyncadd.s32 $0xFFFFE080  }
0x38f: {  	_ =	swait.ge [sflag:s7], $0x1F80  }
.Ltmp3:
0x390: {  	[sflag:s7] =	ssyncset.done $0x0;
	(pc) =	sbr.rel @p0 .LBB2_5-.Ltmp3, $4  }
0x391: {  	s30 =	simm.s32 $0x3900;
	s4 =	simm.s32 $0x2500;
	[sflag:s7] =	ssyncadd.s32 $0xFFFFE080  }
0x392: {  	s15 =	simm.s32 $0x5900;
	s16 =	simm.s32 $0x3100;
	_ =	swait.ge [sflag:s7], $0x100  }
0x393: {  	s20 =	simm.s32 $0x5100;
	s24 =	simm.s32 $0x4900;
	[sflag:s7] =	ssyncset.done $0x0  }
0x394: {  	s25 =	simm.s32 $0x4100;
	s18 =	sld [smem:$0x7DF];
	[sflag:s7] =	ssyncadd.s32 $0xFFFFFF00  }
0x395: {  	s12 =	sld [smem:$0x7F0];
	_ =	sdelay $0x1  }
0x396: {  	s21 =	simm.s32 $0x9  }
0x397: {  	[tilespmem:s19], [sflag:$0x9] =	stream.strided.gather [hbm4b:s12+s2], $0x4000, s0, s2, $0x38;
	[tilespmem:$0x12500] =	vst v63  }
0x398: {  	_ =	swait.ge [sflag:s21], $0x4000  }
0x399: {  	s12 =	sld [smem:$0x7F2]  }
0x39a: {  	[sflag:s21] =	ssyncset.done $0x0  }
0x39b: {  	[sflag:s21] =	ssyncadd.s32 $0xFFFFC000  }
0x39c: {  	[tilespmem:s29], [sflag:$0x9] =	stream.linear.gather [hbm4b:s12+s5], $0x800, $0x38;
	[tilespmem:$0x12500] =	vst v63  }
0x39d: {  	_ =	swait.ge [sflag:s21], $0x800  }
0x39e: {  	[sflag:s21] =	ssyncset.done $0x0  }
0x39f: {  	[sflag:s21] =	ssyncadd.s32 $0xFFFFF800  }
0x3a0: {  	v5 =	vld [tilespmem:$0x100]  }
0x3a1: {  	v6 =	vld [tilespmem:$0x110]  }
0x3a2: {  	v7 =	vld [tilespmem:$0x120]  }
0x3a3: {  	v8 =	vld [tilespmem:$0x130]  }
0x3a4: {  	v9 =	vld [tilespmem:$0x140]  }
0x3a5: {  	v10 =	vld [tilespmem:$0x150]  }
0x3a6: {  	[tilespmem:$0x12100] =	vst v5;
	v5 =	vld [tilespmem:$0x0]  }
0x3a7: {  	[tilespmem:$0x12110] =	vst v6;
	v6 =	vld [tilespmem:$0x160]  }
0x3a8: {  	v48 =	vld [tilespmem:$0x500];
	[tilespmem:$0x12120] =	vst v7  }
0x3a9: {  	v49 =	vld [tilespmem:$0x510];
	[tilespmem:$0x12130] =	vst v8  }
0x3aa: {  	v50 =	vld [tilespmem:$0x520];
	[tilespmem:$0x12140] =	vst v9  }
0x3ab: {  	v7 =	vld [tilespmem:$0x170];
	[tilespmem:$0x12150] =	vst v10;
	v11 =	vshrl.u32 v5, $0x3  }
0x3ac: {  	[tilespmem:$0x12160] =	vst v6;
	v6 =	vld [tilespmem:$0x530];
	v11 =	vmul.u32 $0xF428, v11  }
0x3ad: {  	v51 =	vld [tilespmem:$0x550];
	[tilespmem:$0x12180] =	vst v48;
	v5 =	vand.u32 $0x7, v5  }
0x3ae: {  	v52 =	vld [tilespmem:$0x560];
	[tilespmem:$0x12190] =	vst v49;
	v5 =	vor.u32 v5, v11  }
0x3af: {  	v53 =	vld [tilespmem:$0x570];
	[tilespmem:$0x121A0] =	vst v50;
	v11 =	vperm.xlane v5, v0  }
0x3b0: {  	[tilespmem:$0x12170] =	vst v7;
	v7 =	vld [tilespmem:$0x540]  }
0x3b1: {  	v5 =	vperm.xlane v5, v2;
	[tilespmem:$0x121B0] =	vst v6;
	v6 =	vadd.s32 v1, v11  }
0x3b2: {  	[tilespmem:$0x121D0] =	vst v51  }
0x3b3: {  	s12 =	sld [smem:$0x7F4];
	[tilespmem:$0x121E0] =	vst v52;
	v5 =	vadd.s32 v1, v5  }
0x3b4: {  	[tilespmem:$0x121F0] =	vst v53  }
0x3b5: {  	[tilespmem:$0x121C0] =	vst v7  }
0x3b6: {  	[hbm4b:s12+s5] =	stream.indirect_vreg.scatter [tilespmem:s19], [sflag:$0x9], $0x80, v6, vm0, $0xb8;
	[tilespmem:$0x12500] =	vst v63  }
0x3b7: {  	_ = 	snop  }
0x3b8: {  	[hbm4b:s12+s5] =	stream.indirect_vreg.scatter [tilespmem:s28], [sflag:$0x9], $0x80, v5, vm0, $0xb8;
	[tilespmem:$0x12500] =	vst v63  }
0x3b9: {  	v5 =	vld [tilespmem:$0x10];
	_ =	sdelay $0x4  }
0x3ba: {  	v6 =	vshrl.u32 v5, $0x3  }
0x3bb: {  	v6 =	vmul.u32 $0xF428, v6  }
0x3bc: {  	v5 =	vand.u32 $0x7, v5  }
0x3bd: {  	v5 =	vor.u32 v5, v6  }
0x3be: {  	v6 =	vperm.xlane v5, v0;
	_ =	sdelay $0x1  }
0x3bf: {  	v5 =	vperm.xlane v5, v2;
	v6 =	vadd.s32 v1, v6;
	_ =	sdelay $0x1  }
0x3c0: {  	v5 =	vadd.s32 v1, v5;
	_ =	sdelay $0x2  }
0x3c1: {  	[hbm4b:s12+s5] =	stream.indirect_vreg.scatter [tilespmem:s16], [sflag:$0x9], $0x80, v6, vm0, $0xb8;
	[tilespmem:$0x12500] =	vst v63  }
0x3c2: {  	_ = 	snop  }
0x3c3: {  	[hbm4b:s12+s5] =	stream.indirect_vreg.scatter [tilespmem:s30], [sflag:$0x9], $0x80, v5, vm0, $0xb8;
	[tilespmem:$0x12500] =	vst v63  }
0x3c4: {  	v5 =	vld [tilespmem:$0x20];
	_ =	sdelay $0x4  }
0x3c5: {  	v6 =	vshrl.u32 v5, $0x3  }
0x3c6: {  	v6 =	vmul.u32 $0xF428, v6  }
0x3c7: {  	v5 =	vand.u32 $0x7, v5  }
0x3c8: {  	v5 =	vor.u32 v5, v6  }
0x3c9: {  	v6 =	vperm.xlane v5, v0;
	_ =	sdelay $0x1  }
0x3ca: {  	v5 =	vperm.xlane v5, v2;
	v6 =	vadd.s32 v1, v6;
	_ =	sdelay $0x1  }
0x3cb: {  	v5 =	vadd.s32 v1, v5;
	_ =	sdelay $0x2  }
0x3cc: {  	[hbm4b:s12+s5] =	stream.indirect_vreg.scatter [tilespmem:s25], [sflag:$0x9], $0x80, v6, vm0, $0xb8;
	[tilespmem:$0x12500] =	vst v63  }
0x3cd: {  	_ = 	snop  }
0x3ce: {  	[hbm4b:s12+s5] =	stream.indirect_vreg.scatter [tilespmem:s24], [sflag:$0x9], $0x80, v5, vm0, $0xb8;
	[tilespmem:$0x12500] =	vst v63  }
0x3cf: {  	v5 =	vld.msk [tilespmem:$0x30], $0x7fff;
	_ =	sdelay $0x4  }
0x3d0: {  	v6 =	vshrl.u32 v5, $0x3  }
0x3d1: {  	v6 =	vmul.u32 $0xF428, v6  }
0x3d2: {  	v5 =	vand.u32 $0x7, v5  }
0x3d3: {  	v5 =	vor.u32 v5, v6  }
0x3d4: {  	v6 =	vperm.xlane v5, v0;
	_ =	sdelay $0x1  }
0x3d5: {  	v5 =	vperm.xlane v5, v2;
	v6 =	vadd.s32 v1, v6;
	_ =	sdelay $0x1  }
0x3d6: {  	v5 =	vadd.s32 v1, v5;
	_ =	sdelay $0x2  }
0x3d7: {  	[hbm4b:s12+s5] =	stream.indirect_vreg.scatter [tilespmem:s20], [sflag:$0x9], $0x80, v6, vm0, $0xb8;
	[tilespmem:$0x12500] =	vst v63  }
0x3d8: {  	_ = 	snop  }
0x3d9: {  	[hbm4b:s12+s5] =	stream.indirect_vreg.scatter [tilespmem:s15], [sflag:$0x9], $0x80, v5, vm1, $0xb8;
	[tilespmem:$0x12500] =	vst v63  }
0x3da: {  	_ =	swait.ge [sflag:s21], $0x1F80  }
0x3db: {  	[sflag:s21] =	ssyncset.done $0x0  }
0x3dc: {  	[sflag:s21] =	ssyncadd.s32 $0xFFFFE080  }
0x3dd: {  	v5 =	vld [tilespmem:$0x0];
	_ =	sdelay $0x4  }
0x3de: {  	v6 =	vshrl.u32 v5, $0x3  }
0x3df: {  	v6 =	vmul.u32 $0xF428, v6  }
0x3e0: {  	v5 =	vand.u32 $0x7, v5  }
0x3e1: {  	v5 =	vor.u32 v5, v6  }
0x3e2: {  	v6 =	vperm.xlane v5, v0;
	_ =	sdelay $0x1  }
0x3e3: {  	v5 =	vperm.xlane v5, v2;
	v6 =	vadd.s32 v1, v6;
	_ =	sdelay $0x1  }
0x3e4: {  	s20 =	sld [smem:$0x7F7];
	v5 =	vadd.s32 v1, v5;
	_ =	sdelay $0x2  }
0x3e5: {  	[hbm4b:s20+s5] =	stream.indirect_vreg.scatter [tilespmem:s4], [sflag:$0x9], $0x80, v6, vm0, $0xb8;
	[tilespmem:$0x12500] =	vst v63  }
0x3e6: {  	s30 =	simm.s32 $0x2D00  }
0x3e7: {  	[hbm4b:s20+s5] =	stream.indirect_vreg.scatter [tilespmem:s30], [sflag:$0x9], $0x80, v5, vm0, $0xb8;
	[tilespmem:$0x12500] =	vst v63  }
0x3e8: {  	v5 =	vld [tilespmem:$0x10];
	_ =	sdelay $0x4  }
0x3e9: {  	v6 =	vshrl.u32 v5, $0x3  }
0x3ea: {  	v6 =	vmul.u32 $0xF428, v6  }
0x3eb: {  	v5 =	vand.u32 $0x7, v5  }
0x3ec: {  	v5 =	vor.u32 v5, v6  }
0x3ed: {  	v6 =	vperm.xlane v5, v0;
	_ =	sdelay $0x1  }
0x3ee: {  	v5 =	vperm.xlane v5, v2;
	v6 =	vadd.s32 v1, v6;
	_ =	sdelay $0x1  }
0x3ef: {  	v5 =	vadd.s32 v1, v5;
	_ =	sdelay $0x1  }
0x3f0: {  	s30 =	simm.s32 $0x3500  }
0x3f1: {  	[hbm4b:s20+s5] =	stream.indirect_vreg.scatter [tilespmem:s30], [sflag:$0x9], $0x80, v6, vm0, $0xb8;
	[tilespmem:$0x12500] =	vst v63  }
0x3f2: {  	s25 =	simm.s32 $0x3D00  }
0x3f3: {  	[hbm4b:s20+s5] =	stream.indirect_vreg.scatter [tilespmem:s25], [sflag:$0x9], $0x80, v5, vm0, $0xb8;
	[tilespmem:$0x12500] =	vst v63  }
0x3f4: {  	v5 =	vld [tilespmem:$0x20];
	_ =	sdelay $0x4  }
0x3f5: {  	v6 =	vshrl.u32 v5, $0x3  }
0x3f6: {  	v6 =	vmul.u32 $0xF428, v6  }
0x3f7: {  	v5 =	vand.u32 $0x7, v5  }
0x3f8: {  	v5 =	vor.u32 v5, v6  }
0x3f9: {  	v6 =	vperm.xlane v5, v0;
	_ =	sdelay $0x1  }
0x3fa: {  	v5 =	vperm.xlane v5, v2;
	v6 =	vadd.s32 v1, v6;
	_ =	sdelay $0x1  }
0x3fb: {  	v5 =	vadd.s32 v1, v5;
	_ =	sdelay $0x1  }
0x3fc: {  	s25 =	simm.s32 $0x4500  }
0x3fd: {  	[hbm4b:s20+s5] =	stream.indirect_vreg.scatter [tilespmem:s25], [sflag:$0x9], $0x80, v6, vm0, $0xb8;
	[tilespmem:$0x12500] =	vst v63  }
0x3fe: {  	s4 =	simm.s32 $0x4D00  }
0x3ff: {  	[hbm4b:s20+s5] =	stream.indirect_vreg.scatter [tilespmem:s4], [sflag:$0x9], $0x80, v5, vm0, $0xb8;
	[tilespmem:$0x12500] =	vst v63  }
0x400: {  	v5 =	vld.msk [tilespmem:$0x30], $0x7fff;
	_ =	sdelay $0x4  }
0x401: {  	v6 =	vshrl.u32 v5, $0x3  }
0x402: {  	v6 =	vmul.u32 $0xF428, v6  }
0x403: {  	v5 =	vand.u32 $0x7, v5  }
0x404: {  	v5 =	vor.u32 v5, v6  }
0x405: {  	v6 =	vperm.xlane v5, v0;
	_ =	sdelay $0x1  }
0x406: {  	v5 =	vperm.xlane v5, v2;
	v6 =	vadd.s32 v1, v6;
	_ =	sdelay $0x1  }
0x407: {  	v5 =	vadd.s32 v1, v5;
	_ =	sdelay $0x1  }
0x408: {  	s15 =	simm.s32 $0x5500  }
0x409: {  	[hbm4b:s20+s5] =	stream.indirect_vreg.scatter [tilespmem:s15], [sflag:$0x9], $0x80, v6, vm0, $0xb8;
	[tilespmem:$0x12500] =	vst v63  }
0x40a: {  	s15 =	simm.s32 $0x5D00  }
0x40b: {  	[hbm4b:s20+s5] =	stream.indirect_vreg.scatter [tilespmem:s15], [sflag:$0x9], $0x80, v5, vm1, $0xb8;
	[tilespmem:$0x12500] =	vst v63  }
0x40c: {  	_ =	swait.ge [sflag:s21], $0x1F80  }
0x40d: {  	[sflag:s21] =	ssyncset.done $0x0  }
0x40e: {  	[sflag:s21] =	ssyncadd.s32 $0xFFFFE080  }
0x40f: {  	v5 =	vld.msk [tilespmem:$0x80], $0x1;
	_ =	sdelay $0x4  }
0x410: {  	v6 =	vshrl.u32 v5, $0x3  }
0x411: {  	v6 =	vmul.u32 $0xF428, v6  }
0x412: {  	v5 =	vand.u32 $0x7, v5  }
0x413: {  	v5 =	vor.u32 v5, v6  }
0x414: {  	v5 =	vperm.xlane v5, v3;
	_ =	sdelay $0x1  }
0x415: {  	v5 =	vadd.s32 v4, v5;
	_ =	sdelay $0x3  }
0x416: {  	s24 =	simm.s32 $0x12100  }
0x417: {  	[hbm4b:s12+s5] =	stream.indirect_vreg.scatter [tilespmem:s24], [sflag:$0x9], $0x80, v5, vm2, $0xb8;
	[tilespmem:$0x12500] =	vst v63  }
0x418: {  	_ =	swait.ge [sflag:s21], $0x100  }
0x419: {  	s24 =	sld [smem:$0x7F8]  }
0x41a: {  	[sflag:s21] =	ssyncset.done $0x0  }
0x41b: {  	[sflag:s21] =	ssyncadd.s32 $0xFFFFFF00  }
0x41c: {  	[tilespmem:s19], [sflag:$0x9] =	stream.strided.gather [hbm4b:s24+s2], $0x4000, s0, s2, $0x38;
	[tilespmem:$0x12500] =	vst v63  }
0x41d: {  	_ =	swait.ge [sflag:s21], $0x4000  }
0x41e: {  	s4 =	sld [smem:$0x7FB]  }
0x41f: {  	[sflag:s21] =	ssyncset.done $0x0  }
0x420: {  	[sflag:s21] =	ssyncadd.s32 $0xFFFFC000  }
0x421: {  	[tilespmem:s29], [sflag:$0x9] =	stream.linear.gather [hbm4b:s4+s5], $0x800, $0x38;
	[tilespmem:$0x12500] =	vst v63  }
0x422: {  	_ =	swait.ge [sflag:s21], $0x800  }
0x423: {  	[sflag:s21] =	ssyncset.done $0x0  }
0x424: {  	[sflag:s21] =	ssyncadd.s32 $0xFFFFF800  }
0x425: {  	v5 =	vld [tilespmem:$0x100]  }
0x426: {  	v6 =	vld [tilespmem:$0x110]  }
0x427: {  	v7 =	vld [tilespmem:$0x120]  }
0x428: {  	v54 =	vld [tilespmem:$0x130]  }
0x429: {  	v55 =	vld [tilespmem:$0x140]  }
0x42a: {  	v56 =	vld [tilespmem:$0x150]  }
0x42b: {  	[tilespmem:$0x12100] =	vst v5;
	v5 =	vld [tilespmem:$0x0]  }
0x42c: {  	[tilespmem:$0x12110] =	vst v6;
	v6 =	vld [tilespmem:$0x160]  }
0x42d: {  	v57 =	vld [tilespmem:$0x500];
	[tilespmem:$0x12120] =	vst v7  }
0x42e: {  	v58 =	vld [tilespmem:$0x510];
	[tilespmem:$0x12130] =	vst v54  }
0x42f: {  	v59 =	vld [tilespmem:$0x520];
	[tilespmem:$0x12140] =	vst v55  }
0x430: {  	v7 =	vld [tilespmem:$0x170];
	[tilespmem:$0x12150] =	vst v56;
	v60 =	vshrl.u32 v5, $0x3  }
0x431: {  	[tilespmem:$0x12160] =	vst v6;
	v6 =	vld [tilespmem:$0x530];
	v11 =	vmul.u32 $0xF428, v60  }
0x432: {  	v61 =	vld [tilespmem:$0x550];
	[tilespmem:$0x12180] =	vst v57;
	v5 =	vand.u32 $0x7, v5  }
0x433: {  	v62 =	vld [tilespmem:$0x560];
	[tilespmem:$0x12190] =	vst v58;
	v5 =	vor.u32 v5, v11  }
0x434: {  	v63 =	vld [tilespmem:$0x570];
	[tilespmem:$0x121A0] =	vst v59;
	v11 =	vperm.xlane v5, v0  }
0x435: {  	[tilespmem:$0x12170] =	vst v7;
	v7 =	vld [tilespmem:$0x540]  }
0x436: {  	v5 =	vperm.xlane v5, v2;
	[tilespmem:$0x121B0] =	vst v6;
	v6 =	vadd.s32 v1, v11  }
0x437: {  	[tilespmem:$0x121D0] =	vst v61  }
0x438: {  	s12 =	sld [smem:$0x7FC];
	[tilespmem:$0x121E0] =	vst v62;
	v5 =	vadd.s32 v1, v5  }
0x439: {  	[tilespmem:$0x121F0] =	vst v63  }
0x43a: {  	[tilespmem:$0x121C0] =	vst v7  }
0x43b: {  	[hbm4b:s12+s5] =	stream.indirect_vreg.scatter [tilespmem:s19], [sflag:$0x9], $0x80, v6, vm0, $0xb8;
	[tilespmem:$0x12500] =	vst v63  }
0x43c: {  	_ = 	snop  }
0x43d: {  	[hbm4b:s12+s5] =	stream.indirect_vreg.scatter [tilespmem:s28], [sflag:$0x9], $0x80, v5, vm0, $0xb8;
	[tilespmem:$0x12500] =	vst v63  }
0x43e: {  	v5 =	vld [tilespmem:$0x10];
	_ =	sdelay $0x4  }
0x43f: {  	v6 =	vshrl.u32 v5, $0x3  }
0x440: {  	v6 =	vmul.u32 $0xF428, v6  }
0x441: {  	v5 =	vand.u32 $0x7, v5  }
0x442: {  	v5 =	vor.u32 v5, v6  }
0x443: {  	v6 =	vperm.xlane v5, v0;
	_ =	sdelay $0x1  }
0x444: {  	v5 =	vperm.xlane v5, v2;
	v6 =	vadd.s32 v1, v6;
	_ =	sdelay $0x1  }
0x445: {  	v5 =	vadd.s32 v1, v5;
	_ =	sdelay $0x2  }
0x446: {  	[hbm4b:s12+s5] =	stream.indirect_vreg.scatter [tilespmem:s16], [sflag:$0x9], $0x80, v6, vm0, $0xb8;
	[tilespmem:$0x12500] =	vst v63  }
0x447: {  	s20 =	simm.s32 $0x3900  }
0x448: {  	[hbm4b:s12+s5] =	stream.indirect_vreg.scatter [tilespmem:s20], [sflag:$0x9], $0x80, v5, vm0, $0xb8;
	[tilespmem:$0x12500] =	vst v63  }
0x449: {  	v5 =	vld [tilespmem:$0x20];
	_ =	sdelay $0x4  }
0x44a: {  	v6 =	vshrl.u32 v5, $0x3  }
0x44b: {  	v6 =	vmul.u32 $0xF428, v6  }
0x44c: {  	v5 =	vand.u32 $0x7, v5  }
0x44d: {  	v5 =	vor.u32 v5, v6  }
0x44e: {  	v6 =	vperm.xlane v5, v0;
	_ =	sdelay $0x1  }
0x44f: {  	v5 =	vperm.xlane v5, v2;
	v6 =	vadd.s32 v1, v6;
	_ =	sdelay $0x1  }
0x450: {  	v5 =	vadd.s32 v1, v5;
	_ =	sdelay $0x1  }
0x451: {  	s24 =	simm.s32 $0x4100  }
0x452: {  	[hbm4b:s12+s5] =	stream.indirect_vreg.scatter [tilespmem:s24], [sflag:$0x9], $0x80, v6, vm0, $0xb8;
	[tilespmem:$0x12500] =	vst v63  }
0x453: {  	s16 =	simm.s32 $0x4900  }
0x454: {  	[hbm4b:s12+s5] =	stream.indirect_vreg.scatter [tilespmem:s16], [sflag:$0x9], $0x80, v5, vm0, $0xb8;
	[tilespmem:$0x12500] =	vst v63  }
0x455: {  	v5 =	vld.msk [tilespmem:$0x30], $0x7fff;
	_ =	sdelay $0x4  }
0x456: {  	v6 =	vshrl.u32 v5, $0x3  }
0x457: {  	v6 =	vmul.u32 $0xF428, v6  }
0x458: {  	v5 =	vand.u32 $0x7, v5  }
0x459: {  	v5 =	vor.u32 v5, v6  }
0x45a: {  	v6 =	vperm.xlane v5, v0;
	_ =	sdelay $0x1  }
0x45b: {  	v5 =	vperm.xlane v5, v2;
	v6 =	vadd.s32 v1, v6;
	_ =	sdelay $0x1  }
0x45c: {  	v5 =	vadd.s32 v1, v5;
	_ =	sdelay $0x1  }
0x45d: {  	s20 =	simm.s32 $0x5100  }
0x45e: {  	[hbm4b:s12+s5] =	stream.indirect_vreg.scatter [tilespmem:s20], [sflag:$0x9], $0x80, v6, vm0, $0xb8;
	[tilespmem:$0x12500] =	vst v63  }
0x45f: {  	s24 =	simm.s32 $0x5900  }
0x460: {  	[hbm4b:s12+s5] =	stream.indirect_vreg.scatter [tilespmem:s24], [sflag:$0x9], $0x80, v5, vm1, $0xb8;
	[tilespmem:$0x12500] =	vst v63  }
0x461: {  	_ =	swait.ge [sflag:s21], $0x1F80  }
0x462: {  	[sflag:s21] =	ssyncset.done $0x0  }
0x463: {  	[sflag:s21] =	ssyncadd.s32 $0xFFFFE080  }
0x464: {  	v5 =	vld [tilespmem:$0x0];
	_ =	sdelay $0x4  }
0x465: {  	v6 =	vshrl.u32 v5, $0x3  }
0x466: {  	v6 =	vmul.u32 $0xF428, v6  }
0x467: {  	v5 =	vand.u32 $0x7, v5  }
0x468: {  	v5 =	vor.u32 v5, v6  }
0x469: {  	v6 =	vperm.xlane v5, v0;
	_ =	sdelay $0x1  }
0x46a: {  	v5 =	vperm.xlane v5, v2;
	v6 =	vadd.s32 v1, v6;
	_ =	sdelay $0x1  }
0x46b: {  	s20 =	sld [smem:$0x7FD];
	v5 =	vadd.s32 v1, v5;
	_ =	sdelay $0x1  }
0x46c: {  	s16 =	simm.s32 $0x2500  }
0x46d: {  	[hbm4b:s20+s5] =	stream.indirect_vreg.scatter [tilespmem:s16], [sflag:$0x9], $0x80, v6, vm0, $0xb8;
	[tilespmem:$0x12500] =	vst v63  }
0x46e: {  	s24 =	simm.s32 $0x2D00  }
0x46f: {  	[hbm4b:s20+s5] =	stream.indirect_vreg.scatter [tilespmem:s24], [sflag:$0x9], $0x80, v5, vm0, $0xb8;
	[tilespmem:$0x12500] =	vst v63  }
0x470: {  	v5 =	vld [tilespmem:$0x10];
	_ =	sdelay $0x4  }
0x471: {  	v6 =	vshrl.u32 v5, $0x3  }
0x472: {  	v6 =	vmul.u32 $0xF428, v6  }
0x473: {  	v5 =	vand.u32 $0x7, v5  }
0x474: {  	v5 =	vor.u32 v5, v6  }
0x475: {  	v6 =	vperm.xlane v5, v0;
	_ =	sdelay $0x1  }
0x476: {  	v5 =	vperm.xlane v5, v2;
	v6 =	vadd.s32 v1, v6;
	_ =	sdelay $0x1  }
0x477: {  	v5 =	vadd.s32 v1, v5;
	_ =	sdelay $0x2  }
0x478: {  	[hbm4b:s20+s5] =	stream.indirect_vreg.scatter [tilespmem:s30], [sflag:$0x9], $0x80, v6, vm0, $0xb8;
	[tilespmem:$0x12500] =	vst v63  }
0x479: {  	s16 =	simm.s32 $0x3D00  }
0x47a: {  	[hbm4b:s20+s5] =	stream.indirect_vreg.scatter [tilespmem:s16], [sflag:$0x9], $0x80, v5, vm0, $0xb8;
	[tilespmem:$0x12500] =	vst v63  }
0x47b: {  	v5 =	vld [tilespmem:$0x20];
	_ =	sdelay $0x4  }
0x47c: {  	v6 =	vshrl.u32 v5, $0x3  }
0x47d: {  	v6 =	vmul.u32 $0xF428, v6  }
0x47e: {  	v5 =	vand.u32 $0x7, v5  }
0x47f: {  	v5 =	vor.u32 v5, v6  }
0x480: {  	v6 =	vperm.xlane v5, v0;
	_ =	sdelay $0x1  }
0x481: {  	v5 =	vperm.xlane v5, v2;
	v6 =	vadd.s32 v1, v6;
	_ =	sdelay $0x1  }
0x482: {  	v5 =	vadd.s32 v1, v5;
	_ =	sdelay $0x2  }
0x483: {  	[hbm4b:s20+s5] =	stream.indirect_vreg.scatter [tilespmem:s25], [sflag:$0x9], $0x80, v6, vm0, $0xb8;
	[tilespmem:$0x12500] =	vst v63  }
0x484: {  	s24 =	simm.s32 $0x4D00  }
0x485: {  	[hbm4b:s20+s5] =	stream.indirect_vreg.scatter [tilespmem:s24], [sflag:$0x9], $0x80, v5, vm0, $0xb8;
	[tilespmem:$0x12500] =	vst v63  }
0x486: {  	v5 =	vld.msk [tilespmem:$0x30], $0x7fff;
	_ =	sdelay $0x4  }
0x487: {  	v6 =	vshrl.u32 v5, $0x3  }
0x488: {  	v6 =	vmul.u32 $0xF428, v6  }
0x489: {  	v5 =	vand.u32 $0x7, v5  }
0x48a: {  	v5 =	vor.u32 v5, v6  }
0x48b: {  	v6 =	vperm.xlane v5, v0;
	_ =	sdelay $0x1  }
0x48c: {  	v5 =	vperm.xlane v5, v2;
	v6 =	vadd.s32 v1, v6;
	_ =	sdelay $0x1  }
0x48d: {  	v5 =	vadd.s32 v1, v5;
	_ =	sdelay $0x1  }
0x48e: {  	s25 =	simm.s32 $0x5500  }
0x48f: {  	[hbm4b:s20+s5] =	stream.indirect_vreg.scatter [tilespmem:s25], [sflag:$0x9], $0x80, v6, vm0, $0xb8;
	[tilespmem:$0x12500] =	vst v63  }
0x490: {  	_ = 	snop  }
0x491: {  	[hbm4b:s20+s5] =	stream.indirect_vreg.scatter [tilespmem:s15], [sflag:$0x9], $0x80, v5, vm1, $0xb8;
	[tilespmem:$0x12500] =	vst v63  }
0x492: {  	_ =	swait.ge [sflag:s21], $0x1F80  }
0x493: {  	[sflag:s21] =	ssyncset.done $0x0  }
0x494: {  	[sflag:s21] =	ssyncadd.s32 $0xFFFFE080  }
0x495: {  	v5 =	vld.msk [tilespmem:$0x80], $0x1;
	_ =	sdelay $0x4  }
0x496: {  	v6 =	vshrl.u32 v5, $0x3  }
0x497: {  	v6 =	vmul.u32 $0xF428, v6  }
0x498: {  	v5 =	vand.u32 $0x7, v5  }
0x499: {  	v5 =	vor.u32 v5, v6  }
0x49a: {  	v5 =	vperm.xlane v5, v3;
	_ =	sdelay $0x1  }
0x49b: {  	v5 =	vadd.s32 v4, v5;
	_ =	sdelay $0x3  }
.Ltmp4:
0x49c: {  	s30 =	simm.s32 $0x12100;
	(pc) =	sbr.rel .LBB2_5-.Ltmp4, $4  }
0x49d: {  	[hbm4b:s12+s5] =	stream.indirect_vreg.scatter [tilespmem:s30], [sflag:$0x9], $0x80, v5, vm2, $0xb8;
	[tilespmem:$0x12500] =	vst v63  }
0x49e: {  	_ =	swait.ge [sflag:s21], $0x100  }
0x49f: {  	[sflag:s21] =	ssyncset.done $0x0  }
0x4a0: {  	[sflag:s21] =	ssyncadd.s32 $0xFFFFFF00  }
.LBB2_6:
0x4a1: {  	_ =	sfence.sel $0x180000  }
0x4a2: {  	[bflag:$0x0] =	sbarrier.arrive $0xFFFF  }
0x4a3: {  	_ =	strace $0x90000047  }
0x4a4: {  	s0 =	stileid.u32;
	[bflag:$0x2] =	sbarrier.arrive $0xFFFF  }
0x4a5: {  	p0 =	sne.s32 s0, $0x0;
	s0 =	rddreg [dreg:$0x4]  }
0x4a6: {  	s0 =	sadd.s32 @!p0 $0x100000, s0  }
0x4a7: {  	[sflag:s0] =	ssyncadd.tile.s32 @!p0 $0x1;
	_ =	shalt  }
.Lfunc_end2:
_tile_overlayer_lowered:
.L_overlay_start_2:
0x4a8: {  	(tag) =	ssettag $0x2  }
0x4a9: {  	s0 =	rddreg [dreg:$0x0];
	s2 =	stileid.u32  }
0x4aa: {  	s1 =	rddreg [dreg:$0x1];
	p0 =	sne.s32 s2, $0x0  }
0x4ab: {  	s3 =	rddreg [dreg:$0x2];
	[bflag:$0x3] =	sbarrier.arrive $0xFFFF;
	s2 =	simm.s32 @!p0 $0x1C09  }
0x4ac: {  	[timem:s3], [sflag:s2] =	dma.local @!p0 [hbm:s0], s1  }
0x4ad: {  	s0 =	simm.s32 @!p0 $0x9  }
0x4ae: {  	_ =	swait.ge @!p0 [sflag:s0], s1  }
0x4af: {  	s1 =	ssub.s32 @!p0 $0x0, s1;
	[sflag:s0] =	ssyncset.done @!p0 $0x0  }
0x4b0: {  	[sflag:s0] =	ssyncadd.s32 @!p0 s1  }
0x4b1: {  	[bflag:$0x3] =	sbarrier.arrive $0xFFFF  }
0x4b2: {  	_ =	shalt  }

</sc_bundles>
